<compile_context>
chip_gen: v7x
topology: tpu7x:2x2x1
jax: 0.10.2.dev20260603
libtpu: 0.0.44.dev20260713+nightly
codegen_flags: <defaults>
</compile_context>

<pallas_src>
import functools

import jax
import jax.numpy as jnp
from jax import lax
from jax.experimental import pallas as pl
from jax.experimental.pallas import tpu as pltpu
from jax.experimental.pallas import tpu_sc as plsc

N = 10000
E = 320000
DIN = 128
DH = 256
DOUT = 128
G = 16

NC = 2
NS = 16
CH = 128
E2 = 323584
NCHUNKS = E2 // CH
TF = NCHUNKS // NS
TE = NCHUNKS // (NC * NS)
NPAD = 10240
NT = NPAD // NS

RB = 1000
NRB = N // RB

D2 = 128


def _edge_pipeline(hsrc, src_hbm, dst_hbm, ebase, bufs, acc, T):
    srcv0, dstv0, srcv1, dstv1, rows0, rows1, gs0, gs1, i0, i1 = bufs

    def off(j):
        return pl.multiple_of(ebase + j * CH, 8)

    def i_start(j, sv, dv, sem):
        pltpu.async_copy(src_hbm.at[pl.ds(off(j), CH)], sv, sem)
        pltpu.async_copy(dst_hbm.at[pl.ds(off(j), CH)], dv, sem)

    def i_wait(j, sv, dv, sem):
        pltpu.make_async_copy(src_hbm.at[pl.ds(off(j), CH)], sv, sem).wait()
        pltpu.make_async_copy(dst_hbm.at[pl.ds(off(j), CH)], dv, sem).wait()

    def g_start(sv, rows, sem):
        pltpu.async_copy(hsrc.at[sv], rows, sem)

    def g_wait(sv, rows, sem):
        pltpu.make_async_copy(hsrc.at[sv], rows, sem).wait()

    def scat(dv, rows):
        pltpu.sync_copy(rows, acc.at[dv], add=True)

    pltpu.sync_copy(src_hbm.at[pl.ds(off(0), CH)], srcv0)
    pltpu.sync_copy(dst_hbm.at[pl.ds(off(0), CH)], dstv0)
    i_start(1, srcv1, dstv1, i1)
    g_start(srcv0, rows0, gs0)

    def body(j2, _):
        j = 2 * j2
        jn2 = jnp.minimum(j + 2, T - 1)
        jn3 = jnp.minimum(j + 3, T - 1)
        i_wait(j + 1, srcv1, dstv1, i1)
        g_start(srcv1, rows1, gs1)
        g_wait(srcv0, rows0, gs0)
        scat(dstv0, rows0)
        i_start(jn2, srcv0, dstv0, i0)
        g_wait(srcv1, rows1, gs1)
        scat(dstv1, rows1)
        i_start(jn3, srcv1, dstv1, i1)
        i_wait(jn2, srcv0, dstv0, i0)
        g_start(srcv0, rows0, gs0)
        return 0

    lax.fori_loop(0, T // 2, body, 0)
    i_wait(T - 1, srcv1, dstv1, i1)
    g_wait(srcv0, rows0, gs0)
    if T % 2:
        scat(dstv0, rows0)


def _zero_acc(rows0, acc, s):

    def _zrow(i, _):
        for jj in range(D2 // 16):
            rows0[i, pl.ds(jj * 16, 16)] = jnp.zeros((16,), jnp.float32)
        return 0

    lax.fori_loop(0, CH, _zrow, 0)
    zbase = pl.multiple_of(s * NT, 8)
    for k in range(NT // CH):
        pltpu.sync_copy(rows0, acc.at[pl.ds(zbase + k * CH, CH)])


_SC_SCRATCH = [
    pltpu.VMEM((CH,), jnp.int32),
    pltpu.VMEM((CH,), jnp.int32),
    pltpu.VMEM((CH,), jnp.int32),
    pltpu.VMEM((CH,), jnp.int32),
    pltpu.VMEM((CH, D2), jnp.float32),
    pltpu.VMEM((CH, D2), jnp.float32),
    pltpu.VMEM_SHARED((NPAD, D2), jnp.float32),
    pltpu.SemaphoreType.DMA,
    pltpu.SemaphoreType.DMA,
    pltpu.SemaphoreType.DMA,
    pltpu.SemaphoreType.DMA,
]


def _sc_mesh():
    return plsc.VectorSubcoreMesh(
        core_axis_name="c", subcore_axis_name="s", num_cores=NC, num_subcores=NS
    )


@functools.partial(
    pl.kernel,
    out_type=jax.ShapeDtypeStruct((NC, NPAD, D2), jnp.float32),
    mesh=_sc_mesh(),
    scratch_types=_SC_SCRATCH,
)
def _sc_segsum_feat(h_hbm, src_hbm, dst_hbm, out_hbm, srcv0, dstv0, srcv1,
                    dstv1, rows0, rows1, acc, gs0, gs1, i0, i1):
    c = lax.axis_index("c")
    s = lax.axis_index("s")
    _zero_acc(rows0, acc, s)
    plsc.subcore_barrier()
    bufs = (srcv0, dstv0, srcv1, dstv1, rows0, rows1, gs0, gs1, i0, i1)
    _edge_pipeline(h_hbm.at[c], src_hbm, dst_hbm, s * TF * CH, bufs, acc, TF)
    plsc.subcore_barrier()
    wbase = pl.multiple_of(s * NT, 8)
    pltpu.sync_copy(acc.at[pl.ds(wbase, NT)], out_hbm.at[c].at[pl.ds(wbase, NT)])


@functools.partial(
    pl.kernel,
    out_type=jax.ShapeDtypeStruct((NC, NPAD, D2), jnp.float32),
    mesh=_sc_mesh(),
    scratch_types=_SC_SCRATCH,
)
def _sc_segsum_edge(h_hbm, src_hbm, dst_hbm, out_hbm, srcv0, dstv0, srcv1,
                    dstv1, rows0, rows1, acc, gs0, gs1, i0, i1):
    c = lax.axis_index("c")
    s = lax.axis_index("s")
    _zero_acc(rows0, acc, s)
    plsc.subcore_barrier()
    bufs = (srcv0, dstv0, srcv1, dstv1, rows0, rows1, gs0, gs1, i0, i1)
    _edge_pipeline(h_hbm, src_hbm, dst_hbm, (c * NS + s) * TE * CH, bufs,
                   acc, TE)
    plsc.subcore_barrier()
    wbase = pl.multiple_of(s * NT, 8)
    pltpu.sync_copy(acc.at[pl.ds(wbase, NT)], out_hbm.at[c].at[pl.ds(wbase, NT)])


def _tc_layer1_body(agg_ref, x_ref, wrel_ref, wroot_ref, b_ref, out_ref):
    agg = agg_ref[0] + agg_ref[1]
    acc = jnp.dot(agg, wrel_ref[...], preferred_element_type=jnp.float32)
    acc += jnp.dot(x_ref[...], wroot_ref[...], preferred_element_type=jnp.float32)
    acc += b_ref[...]
    h = jnp.maximum(acc, 0.0)
    out_ref[0] = h[:, :DH // 2]
    out_ref[1] = h[:, DH // 2:]


def _tc_layer1(agg3, x, wrel, wroot, b2):
    return pl.pallas_call(
        _tc_layer1_body,
        grid=(NRB,),
        in_specs=[
            pl.BlockSpec((NC, RB, DIN), lambda i: (0, i, 0)),
            pl.BlockSpec((RB, DIN), lambda i: (i, 0)),
            pl.BlockSpec(wrel.shape, lambda i: (0, 0)),
            pl.BlockSpec(wroot.shape, lambda i: (0, 0)),
            pl.BlockSpec(b2.shape, lambda i: (0, 0)),
        ],
        out_specs=pl.BlockSpec((NC, RB, DH // 2), lambda i: (0, i, 0)),
        out_shape=jax.ShapeDtypeStruct((NC, N, DH // 2), jnp.float32),
    )(agg3, x, wrel, wroot, b2)


def _tc_layer_body(agg_ref, x_ref, wrel_ref, wroot_ref, b_ref, out_ref):
    acc = jnp.dot(agg_ref[0], wrel_ref[0], preferred_element_type=jnp.float32)
    acc += jnp.dot(agg_ref[1], wrel_ref[1], preferred_element_type=jnp.float32)
    acc += jnp.dot(x_ref[0], wroot_ref[0], preferred_element_type=jnp.float32)
    acc += jnp.dot(x_ref[1], wroot_ref[1], preferred_element_type=jnp.float32)
    acc += b_ref[...]
    h = jnp.maximum(acc, 0.0)
    out_ref[0] = h[:, :DH // 2]
    out_ref[1] = h[:, DH // 2:]


def _tc_layer(agg3, x3, wrel2, wroot2, b2):
    return pl.pallas_call(
        _tc_layer_body,
        grid=(NRB,),
        in_specs=[
            pl.BlockSpec((NC, RB, DH // 2), lambda i: (0, i, 0)),
            pl.BlockSpec((NC, RB, DH // 2), lambda i: (0, i, 0)),
            pl.BlockSpec(wrel2.shape, lambda i: (0, 0, 0)),
            pl.BlockSpec(wroot2.shape, lambda i: (0, 0, 0)),
            pl.BlockSpec(b2.shape, lambda i: (0, 0)),
        ],
        out_specs=pl.BlockSpec((NC, RB, DH // 2), lambda i: (0, i, 0)),
        out_shape=jax.ShapeDtypeStruct((NC, N, DH // 2), jnp.float32),
    )(agg3, x3, wrel2, wroot2, b2)


def _tc_layer3_body(agg_ref, x_ref, wrel_ref, wroot_ref, b_ref, batch_ref,
                    w1_ref, b1_ref, w2_ref, b2_ref,
                    emb_ref, psum_ref, pcnt_ref, out_ref):
    i = pl.program_id(0)
    acc = jnp.dot(agg_ref[0], wrel_ref[0], preferred_element_type=jnp.float32)
    acc += jnp.dot(agg_ref[1], wrel_ref[1], preferred_element_type=jnp.float32)
    acc += jnp.dot(x_ref[0], wroot_ref[0], preferred_element_type=jnp.float32)
    acc += jnp.dot(x_ref[1], wroot_ref[1], preferred_element_type=jnp.float32)
    acc += b_ref[...]
    emb_ref[...] = acc
    h = jnp.maximum(acc, 0.0)

    bvec = batch_ref[0]
    gids = lax.broadcasted_iota(jnp.int32, (G, RB), 0)
    onehot = jnp.where(bvec == gids, 1.0, 0.0)

    @pl.when(i == 0)
    def _():
        psum_ref[...] = jnp.zeros_like(psum_ref)
        pcnt_ref[...] = jnp.zeros_like(pcnt_ref)

    psum_ref[...] += jnp.dot(onehot, h, preferred_element_type=jnp.float32)
    pcnt_ref[...] += jnp.dot(
        onehot, jnp.ones((RB, 128), jnp.float32),
        preferred_element_type=jnp.float32)

    @pl.when(i == NRB - 1)
    def _():
        cnt = jnp.maximum(pcnt_ref[:, :1], 1.0)
        pooled = psum_ref[...] / cnt
        hh = jnp.dot(pooled, w1_ref[...], preferred_element_type=jnp.float32)
        hh += b1_ref[...]
        o = jnp.dot(hh, w2_ref[...], preferred_element_type=jnp.float32)
        o += b2_ref[...]
        out_ref[...] = o


def _tc_layer3(agg3, x3, wrel2, wroot2, b2, batch3, w1, b1, w2, b2m):
    return pl.pallas_call(
        _tc_layer3_body,
        grid=(NRB,),
        in_specs=[
            pl.BlockSpec((NC, RB, DH // 2), lambda i: (0, i, 0)),
            pl.BlockSpec((NC, RB, DH // 2), lambda i: (0, i, 0)),
            pl.BlockSpec(wrel2.shape, lambda i: (0, 0, 0)),
            pl.BlockSpec(wroot2.shape, lambda i: (0, 0, 0)),
            pl.BlockSpec(b2.shape, lambda i: (0, 0)),
            pl.BlockSpec((1, 1, RB), lambda i: (i, 0, 0)),
            pl.BlockSpec(w1.shape, lambda i: (0, 0)),
            pl.BlockSpec(b1.shape, lambda i: (0, 0)),
            pl.BlockSpec(w2.shape, lambda i: (0, 0)),
            pl.BlockSpec(b2m.shape, lambda i: (0, 0)),
        ],
        out_specs=[
            pl.BlockSpec((RB, DH), lambda i: (i, 0)),
            pl.BlockSpec((G, DH), lambda i: (0, 0)),
            pl.BlockSpec((G, 128), lambda i: (0, 0)),
            pl.BlockSpec((G, DOUT), lambda i: (0, 0)),
        ],
        out_shape=[
            jax.ShapeDtypeStruct((N, DH), jnp.float32),
            jax.ShapeDtypeStruct((G, DH), jnp.float32),
            jax.ShapeDtypeStruct((G, 128), jnp.float32),
            jax.ShapeDtypeStruct((G, DOUT), jnp.float32),
        ],
    )(agg3, x3, wrel2, wroot2, b2, batch3, w1, b1, w2, b2m)


def kernel(x, edge_index, batch, W_rel1, b_rel1, W_root1, W_rel2, b_rel2,
           W_root2, W_rel3, b_rel3, W_root3, W_mp1, b_mp1, W_mp2, b_mp2):
    pad = E2 - E
    src2 = jnp.concatenate([edge_index[0], jnp.zeros((pad,), jnp.int32)])
    dst2 = jnp.concatenate(
        [edge_index[1], N + (jnp.arange(pad, dtype=jnp.int32) % (NPAD - N))])

    batch3 = batch.reshape(NRB, 1, RB)

    wrel2 = W_rel2.reshape(NC, DH // NC, DH)
    wroot2 = W_root2.reshape(NC, DH // NC, DH)
    wrel3 = W_rel3.reshape(NC, DH // NC, DH)
    wroot3 = W_root3.reshape(NC, DH // NC, DH)
    b1 = b_rel1.reshape(1, DH)
    b2 = b_rel2.reshape(1, DH)
    b3 = b_rel3.reshape(1, DH)
    bm1 = b_mp1.reshape(1, DH)
    bm2 = b_mp2.reshape(1, DOUT)

    agg1 = _sc_segsum_edge(x, src2, dst2)
    h1 = _tc_layer1(agg1, x, W_rel1, W_root1, b1)
    agg2 = _sc_segsum_feat(h1, src2, dst2)
    h2 = _tc_layer(agg2, h1, wrel2, wroot2, b2)
    agg3 = _sc_segsum_feat(h2, src2, dst2)
    emb, _, _, out = _tc_layer3(agg3, h2, wrel3, wroot3, b3, batch3,
                                W_mp1, bm1, W_mp2, bm2)
    return (emb, out)

# --- scband reference (transcript-rebuilt; emitter-appended) ---
"""Pipeline reference for scband-graph-conv-base-53644141527489 (READ-ONLY COPY).

The authoritative reference and input builder live on the scoring server;
editing this copy changes nothing except your own understanding.
"""

import jax, jax.numpy as jnp
import numpy as np

N = 10000
E = 320000
DIN = 128
DH = 256
DOUT = 128
G = 16


def _graph_conv(x, edge_index, W_rel, b_rel, W_root):
    # PyG GraphConv: out = lin_rel(aggr_add(x_j)) + lin_root(x)
    src = edge_index[0]
    dst = edge_index[1]
    msgs = jnp.take(x, src, axis=0)
    agg = jax.ops.segment_sum(msgs, dst, num_segments=x.shape[0])
    return agg @ W_rel + b_rel + x @ W_root


def setup_inputs(seed: int = 0) -> dict:
    key = jax.random.key(seed)
    ks = jax.random.split(key, 16)
    x = jax.random.normal(ks[0], (N, DIN), dtype=jnp.float32)
    edge_index = jax.random.randint(ks[1], (2, E), 0, N, dtype=jnp.int32)
    batch = jnp.sort(jax.random.randint(ks[2], (N,), 0, G, dtype=jnp.int32))

    def lin(k, fan_in, fan_out):
        s = 1.0 / np.sqrt(fan_in)
        return jax.random.uniform(k, (fan_in, fan_out), dtype=jnp.float32, minval=-s, maxval=s)

    def bias(k, fan_in, fan_out):
        s = 1.0 / np.sqrt(fan_in)
        return jax.random.uniform(k, (fan_out,), dtype=jnp.float32, minval=-s, maxval=s)

    params = {
        'W_rel1': lin(ks[3], DIN, DH), 'b_rel1': bias(ks[4], DIN, DH), 'W_root1': lin(ks[5], DIN, DH),
        'W_rel2': lin(ks[6], DH, DH), 'b_rel2': bias(ks[7], DH, DH), 'W_root2': lin(ks[8], DH, DH),
        'W_rel3': lin(ks[9], DH, DH), 'b_rel3': bias(ks[10], DH, DH), 'W_root3': lin(ks[11], DH, DH),
        'W_mp1': lin(ks[12], DH, DH), 'b_mp1': bias(ks[13], DH, DH),
        'W_mp2': lin(ks[14], DH, DOUT), 'b_mp2': bias(ks[15], DH, DOUT),
    }
    return {'x': x, 'edge_index': edge_index, 'batch': batch, **params}


def reference(x, edge_index, batch,
              W_rel1, b_rel1, W_root1,
              W_rel2, b_rel2, W_root2,
              W_rel3, b_rel3, W_root3,
              W_mp1, b_mp1, W_mp2, b_mp2):
    # eval mode: dropout is identity (dropout=0.0)
    h = _graph_conv(x, edge_index, W_rel1, b_rel1, W_root1)
    h = jax.nn.relu(h)
    h = _graph_conv(h, edge_index, W_rel2, b_rel2, W_root2)
    h = jax.nn.relu(h)
    h = _graph_conv(h, edge_index, W_rel3, b_rel3, W_root3)
    emb = h
    h = jax.nn.relu(h)
    # global mean pool
    sums = jax.ops.segment_sum(h, batch, num_segments=G)
    counts = jax.ops.segment_sum(jnp.ones((h.shape[0],), dtype=jnp.float32), batch, num_segments=G)
    pooled = sums / jnp.clip(counts, 1.0)[:, None]
    # post_mp
    out = pooled @ W_mp1 + b_mp1
    out = out @ W_mp2 + b_mp2
    return (emb, out)

if __name__ == "__main__":
    import jax
    _d = setup_inputs()
    print(jax.jit(kernel)(*tuple(_d.values())))

</pallas_src>

<mosaic_0001>
#map = affine_map<(d0, d1) -> (0, 0, 0)>
#map1 = affine_map<(d0, d1) -> (0)>
module attributes {stable_mosaic.version = 14 : i64} {
  func.func @_sc_segsum_feat(%arg0: i32, %arg1: i32, %arg2: memref<2x10000x128xf32, #tpu.memory_space<hbm>>, %arg3: memref<323584xi32, #tpu.memory_space<hbm>>, %arg4: memref<323584xi32, #tpu.memory_space<hbm>>, %arg5: memref<2x10240x128xf32, #tpu.memory_space<hbm>>, %arg6: memref<128xi32, #tpu.memory_space<vmem>>, %arg7: memref<128xi32, #tpu.memory_space<vmem>>, %arg8: memref<128xi32, #tpu.memory_space<vmem>>, %arg9: memref<128xi32, #tpu.memory_space<vmem>>, %arg10: memref<128x128xf32, #tpu.memory_space<vmem>>, %arg11: memref<128x128xf32, #tpu.memory_space<vmem>>, %arg12: memref<10240x128xf32, #tpu.memory_space<vmem_shared>>, %arg13: memref<!tpu.dma_semaphore, #tpu.memory_space<semaphore_mem>>, %arg14: memref<!tpu.dma_semaphore, #tpu.memory_space<semaphore_mem>>, %arg15: memref<!tpu.dma_semaphore, #tpu.memory_space<semaphore_mem>>, %arg16: memref<!tpu.dma_semaphore, #tpu.memory_space<semaphore_mem>>) attributes {dimension_semantics = [#tpu.dimension_semantics<core_parallel>, #tpu.dimension_semantics<subcore_parallel>], iteration_bounds = array<i64: 2, 16>, scalar_prefetch = 0 : i64, scratch_operands = 11 : i64, tpu.core_type = #tpu.core_type<sc_vector_subcore>, window_params = [{transform_indices = #map}, {transform_indices = #map1}, {transform_indices = #map1}, {transform_indices = #map}]} {
    %scan3A = arith.constant 0 : i32
    %scan3A_0 = arith.constant 0 : i32
    %scan3A_1 = arith.constant 128 : i32
    %scan3A_2 = arith.addi %scan3A_0, %scan3A_1 : i32
    %scan3A_3 = arith.constant 1 : i32
    %scan3A_4 = scf.for %scan3A_69 = %scan3A_0 to %scan3A_2 step %scan3A_3 iter_args(%scan3A_70 = %scan3A) -> (i32)  : i32 {
      %broadcast_in_dim3A = arith.constant 0.000000e+00 : f32
      %broadcast_in_dim3A_71 = vector.broadcast %broadcast_in_dim3A : f32 to vector<16xf32>
      %swap3A = arith.index_cast %scan3A_69 : i32 to index
      %swap3A_72 = arith.constant 0 : index
      %swap3A_73 = tpu.vector_load %arg10[%swap3A, %swap3A_72] {strides = array<i32>} : memref<128x128xf32, #tpu.memory_space<vmem>>, vector<1x16xf32>,
      %swap3A_74 = vector.shape_cast %swap3A_73 : vector<1x16xf32> to vector<16xf32>
      %swap3A_75 = vector.shape_cast %broadcast_in_dim3A_71 : vector<16xf32> to vector<1x16xf32>
      tpu.vector_store %arg10[%swap3A, %swap3A_72], %swap3A_75 {strides = array<i32>} : memref<128x128xf32, #tpu.memory_space<vmem>>, vector<1x16xf32>,
      %broadcast_in_dim3A_76 = arith.constant 0.000000e+00 : f32
      %broadcast_in_dim3A_77 = vector.broadcast %broadcast_in_dim3A_76 : f32 to vector<16xf32>
      %swap3A_78 = arith.index_cast %scan3A_69 : i32 to index
      %swap3A_79 = arith.constant 16 : index
      %swap3A_80 = tpu.vector_load %arg10[%swap3A_78, %swap3A_79] {strides = array<i32>} : memref<128x128xf32, #tpu.memory_space<vmem>>, vector<1x16xf32>,
      %swap3A_81 = vector.shape_cast %swap3A_80 : vector<1x16xf32> to vector<16xf32>
      %swap3A_82 = vector.shape_cast %broadcast_in_dim3A_77 : vector<16xf32> to vector<1x16xf32>
      tpu.vector_store %arg10[%swap3A_78, %swap3A_79], %swap3A_82 {strides = array<i32>} : memref<128x128xf32, #tpu.memory_space<vmem>>, vector<1x16xf32>,
      %broadcast_in_dim3A_83 = arith.constant 0.000000e+00 : f32
      %broadcast_in_dim3A_84 = vector.broadcast %broadcast_in_dim3A_83 : f32 to vector<16xf32>
      %swap3A_85 = arith.index_cast %scan3A_69 : i32 to index
      %swap3A_86 = arith.constant 32 : index
      %swap3A_87 = tpu.vector_load %arg10[%swap3A_85, %swap3A_86] {strides = array<i32>} : memref<128x128xf32, #tpu.memory_space<vmem>>, vector<1x16xf32>,
      %swap3A_88 = vector.shape_cast %swap3A_87 : vector<1x16xf32> to vector<16xf32>
      %swap3A_89 = vector.shape_cast %broadcast_in_dim3A_84 : vector<16xf32> to vector<1x16xf32>
      tpu.vector_store %arg10[%swap3A_85, %swap3A_86], %swap3A_89 {strides = array<i32>} : memref<128x128xf32, #tpu.memory_space<vmem>>, vector<1x16xf32>,
      %broadcast_in_dim3A_90 = arith.constant 0.000000e+00 : f32
      %broadcast_in_dim3A_91 = vector.broadcast %broadcast_in_dim3A_90 : f32 to vector<16xf32>
      %swap3A_92 = arith.index_cast %scan3A_69 : i32 to index
      %swap3A_93 = arith.constant 48 : index
      %swap3A_94 = tpu.vector_load %arg10[%swap3A_92, %swap3A_93] {strides = array<i32>} : memref<128x128xf32, #tpu.memory_space<vmem>>, vector<1x16xf32>,
      %swap3A_95 = vector.shape_cast %swap3A_94 : vector<1x16xf32> to vector<16xf32>
      %swap3A_96 = vector.shape_cast %broadcast_in_dim3A_91 : vector<16xf32> to vector<1x16xf32>
      tpu.vector_store %arg10[%swap3A_92, %swap3A_93], %swap3A_96 {strides = array<i32>} : memref<128x128xf32, #tpu.memory_space<vmem>>, vector<1x16xf32>,
      %broadcast_in_dim3A_97 = arith.constant 0.000000e+00 : f32
      %broadcast_in_dim3A_98 = vector.broadcast %broadcast_in_dim3A_97 : f32 to vector<16xf32>
      %swap3A_99 = arith.index_cast %scan3A_69 : i32 to index
      %swap3A_100 = arith.constant 64 : index
      %swap3A_101 = tpu.vector_load %arg10[%swap3A_99, %swap3A_100] {strides = array<i32>} : memref<128x128xf32, #tpu.memory_space<vmem>>, vector<1x16xf32>,
      %swap3A_102 = vector.shape_cast %swap3A_101 : vector<1x16xf32> to vector<16xf32>
      %swap3A_103 = vector.shape_cast %broadcast_in_dim3A_98 : vector<16xf32> to vector<1x16xf32>
      tpu.vector_store %arg10[%swap3A_99, %swap3A_100], %swap3A_103 {strides = array<i32>} : memref<128x128xf32, #tpu.memory_space<vmem>>, vector<1x16xf32>,
      %broadcast_in_dim3A_104 = arith.constant 0.000000e+00 : f32
      %broadcast_in_dim3A_105 = vector.broadcast %broadcast_in_dim3A_104 : f32 to vector<16xf32>
      %swap3A_106 = arith.index_cast %scan3A_69 : i32 to index
      %swap3A_107 = arith.constant 80 : index
      %swap3A_108 = tpu.vector_load %arg10[%swap3A_106, %swap3A_107] {strides = array<i32>} : memref<128x128xf32, #tpu.memory_space<vmem>>, vector<1x16xf32>,
      %swap3A_109 = vector.shape_cast %swap3A_108 : vector<1x16xf32> to vector<16xf32>
      %swap3A_110 = vector.shape_cast %broadcast_in_dim3A_105 : vector<16xf32> to vector<1x16xf32>
      tpu.vector_store %arg10[%swap3A_106, %swap3A_107], %swap3A_110 {strides = array<i32>} : memref<128x128xf32, #tpu.memory_space<vmem>>, vector<1x16xf32>,
      %broadcast_in_dim3A_111 = arith.constant 0.000000e+00 : f32
      %broadcast_in_dim3A_112 = vector.broadcast %broadcast_in_dim3A_111 : f32 to vector<16xf32>
      %swap3A_113 = arith.index_cast %scan3A_69 : i32 to index
      %swap3A_114 = arith.constant 96 : index
      %swap3A_115 = tpu.vector_load %arg10[%swap3A_113, %swap3A_114] {strides = array<i32>} : memref<128x128xf32, #tpu.memory_space<vmem>>, vector<1x16xf32>,
      %swap3A_116 = vector.shape_cast %swap3A_115 : vector<1x16xf32> to vector<16xf32>
      %swap3A_117 = vector.shape_cast %broadcast_in_dim3A_112 : vector<16xf32> to vector<1x16xf32>
      tpu.vector_store %arg10[%swap3A_113, %swap3A_114], %swap3A_117 {strides = array<i32>} : memref<128x128xf32, #tpu.memory_space<vmem>>, vector<1x16xf32>,
      %broadcast_in_dim3A_118 = arith.constant 0.000000e+00 : f32
      %broadcast_in_dim3A_119 = vector.broadcast %broadcast_in_dim3A_118 : f32 to vector<16xf32>
      %swap3A_120 = arith.index_cast %scan3A_69 : i32 to index
      %swap3A_121 = arith.constant 112 : index
      %swap3A_122 = tpu.vector_load %arg10[%swap3A_120, %swap3A_121] {strides = array<i32>} : memref<128x128xf32, #tpu.memory_space<vmem>>, vector<1x16xf32>,
      %swap3A_123 = vector.shape_cast %swap3A_122 : vector<1x16xf32> to vector<16xf32>
      %swap3A_124 = vector.shape_cast %broadcast_in_dim3A_119 : vector<16xf32> to vector<1x16xf32>
      tpu.vector_store %arg10[%swap3A_120, %swap3A_121], %swap3A_124 {strides = array<i32>} : memref<128x128xf32, #tpu.memory_space<vmem>>, vector<1x16xf32>,
      %scan3A_125 = arith.constant 0 : i32
      scf.yield %scan3A_125 : i32
    }
    %scan3A_5 = arith.constant 128 : i32
    %mul3A = arith.constant 640 : i32
    %mul3A_6 = arith.muli %arg1, %mul3A : i32
    %multiple_of3A = tpu.assume_multiple %mul3A_6, 8 : i32
    %add3A = arith.constant 0 : i32
    %add3A_7 = arith.addi %multiple_of3A, %add3A : i32
    "tpu.region"() ({
      %run_scoped3A = tpu.sem_alloc : memref<!tpu.dma_semaphore, #tpu.memory_space<semaphore_mem>>
      %dma_start3A_69 = arith.constant 0 : i32
      %dma_start3A_70 = tpu.memref_slice %arg12[%add3A_7, %dma_start3A_69] : memref<10240x128xf32, #tpu.memory_space<vmem_shared>> -> memref<128x128xf32, #tpu.memory_space<vmem_shared>>
      %dma_start3A_71 = arith.constant 0 : i32
      %dma_start3A_72 = tpu.memref_slice %arg12[%add3A_7, %dma_start3A_71] : memref<10240x128xf32, #tpu.memory_space<vmem_shared>> -> memref<128x128xf32, #tpu.memory_space<vmem_shared>>
      tpu.enqueue_dma source(%arg10 : memref<128x128xf32, #tpu.memory_space<vmem>>) target(%dma_start3A_72 : memref<128x128xf32, #tpu.memory_space<vmem_shared>>) target_semaphore(%run_scoped3A : memref<!tpu.dma_semaphore, #tpu.memory_space<semaphore_mem>>)
      %dma_wait3A_73 = arith.constant 0 : i32
      %dma_wait3A_74 = tpu.memref_slice %arg12[%add3A_7, %dma_wait3A_73] : memref<10240x128xf32, #tpu.memory_space<vmem_shared>> -> memref<128x128xf32, #tpu.memory_space<vmem_shared>>
      %dma_wait3A_75 = arith.constant 0 : i32
      %dma_wait3A_76 = tpu.memref_slice %arg12[%add3A_7, %dma_wait3A_75] : memref<10240x128xf32, #tpu.memory_space<vmem_shared>> -> memref<128x128xf32, #tpu.memory_space<vmem_shared>>
      tpu.wait_dma2 semaphore(%run_scoped3A : memref<!tpu.dma_semaphore, #tpu.memory_space<semaphore_mem>>) src(%arg10 : memref<128x128xf32, #tpu.memory_space<vmem>>) dst(%dma_wait3A_76 : memref<128x128xf32, #tpu.memory_space<vmem_shared>>)
      tpu.yield
    }) : () -> ()
    %add3A_8 = arith.constant 128 : i32
    %add3A_9 = arith.addi %multiple_of3A, %add3A_8 : i32
    "tpu.region"() ({
      %run_scoped3A = tpu.sem_alloc : memref<!tpu.dma_semaphore, #tpu.memory_space<semaphore_mem>>
      %dma_start3A_69 = arith.constant 0 : i32
      %dma_start3A_70 = tpu.memref_slice %arg12[%add3A_9, %dma_start3A_69] : memref<10240x128xf32, #tpu.memory_space<vmem_shared>> -> memref<128x128xf32, #tpu.memory_space<vmem_shared>>
      %dma_start3A_71 = arith.constant 0 : i32
      %dma_start3A_72 = tpu.memref_slice %arg12[%add3A_9, %dma_start3A_71] : memref<10240x128xf32, #tpu.memory_space<vmem_shared>> -> memref<128x128xf32, #tpu.memory_space<vmem_shared>>
      tpu.enqueue_dma source(%arg10 : memref<128x128xf32, #tpu.memory_space<vmem>>) target(%dma_start3A_72 : memref<128x128xf32, #tpu.memory_space<vmem_shared>>) target_semaphore(%run_scoped3A : memref<!tpu.dma_semaphore, #tpu.memory_space<semaphore_mem>>)
      %dma_wait3A_73 = arith.constant 0 : i32
      %dma_wait3A_74 = tpu.memref_slice %arg12[%add3A_9, %dma_wait3A_73] : memref<10240x128xf32, #tpu.memory_space<vmem_shared>> -> memref<128x128xf32, #tpu.memory_space<vmem_shared>>
      %dma_wait3A_75 = arith.constant 0 : i32
      %dma_wait3A_76 = tpu.memref_slice %arg12[%add3A_9, %dma_wait3A_75] : memref<10240x128xf32, #tpu.memory_space<vmem_shared>> -> memref<128x128xf32, #tpu.memory_space<vmem_shared>>
      tpu.wait_dma2 semaphore(%run_scoped3A : memref<!tpu.dma_semaphore, #tpu.memory_space<semaphore_mem>>) src(%arg10 : memref<128x128xf32, #tpu.memory_space<vmem>>) dst(%dma_wait3A_76 : memref<128x128xf32, #tpu.memory_space<vmem_shared>>)
      tpu.yield
    }) : () -> ()
    %add3A_10 = arith.constant 256 : i32
    %add3A_11 = arith.addi %multiple_of3A, %add3A_10 : i32
    "tpu.region"() ({
      %run_scoped3A = tpu.sem_alloc : memref<!tpu.dma_semaphore, #tpu.memory_space<semaphore_mem>>
      %dma_start3A_69 = arith.constant 0 : i32
      %dma_start3A_70 = tpu.memref_slice %arg12[%add3A_11, %dma_start3A_69] : memref<10240x128xf32, #tpu.memory_space<vmem_shared>> -> memref<128x128xf32, #tpu.memory_space<vmem_shared>>
      %dma_start3A_71 = arith.constant 0 : i32
      %dma_start3A_72 = tpu.memref_slice %arg12[%add3A_11, %dma_start3A_71] : memref<10240x128xf32, #tpu.memory_space<vmem_shared>> -> memref<128x128xf32, #tpu.memory_space<vmem_shared>>
      tpu.enqueue_dma source(%arg10 : memref<128x128xf32, #tpu.memory_space<vmem>>) target(%dma_start3A_72 : memref<128x128xf32, #tpu.memory_space<vmem_shared>>) target_semaphore(%run_scoped3A : memref<!tpu.dma_semaphore, #tpu.memory_space<semaphore_mem>>)
      %dma_wait3A_73 = arith.constant 0 : i32
      %dma_wait3A_74 = tpu.memref_slice %arg12[%add3A_11, %dma_wait3A_73] : memref<10240x128xf32, #tpu.memory_space<vmem_shared>> -> memref<128x128xf32, #tpu.memory_space<vmem_shared>>
      %dma_wait3A_75 = arith.constant 0 : i32
      %dma_wait3A_76 = tpu.memref_slice %arg12[%add3A_11, %dma_wait3A_75] : memref<10240x128xf32, #tpu.memory_space<vmem_shared>> -> memref<128x128xf32, #tpu.memory_space<vmem_shared>>
      tpu.wait_dma2 semaphore(%run_scoped3A : memref<!tpu.dma_semaphore, #tpu.memory_space<semaphore_mem>>) src(%arg10 : memref<128x128xf32, #tpu.memory_space<vmem>>) dst(%dma_wait3A_76 : memref<128x128xf32, #tpu.memory_space<vmem_shared>>)
      tpu.yield
    }) : () -> ()
    %add3A_12 = arith.constant 384 : i32
    %add3A_13 = arith.addi %multiple_of3A, %add3A_12 : i32
    "tpu.region"() ({
      %run_scoped3A = tpu.sem_alloc : memref<!tpu.dma_semaphore, #tpu.memory_space<semaphore_mem>>
      %dma_start3A_69 = arith.constant 0 : i32
      %dma_start3A_70 = tpu.memref_slice %arg12[%add3A_13, %dma_start3A_69] : memref<10240x128xf32, #tpu.memory_space<vmem_shared>> -> memref<128x128xf32, #tpu.memory_space<vmem_shared>>
      %dma_start3A_71 = arith.constant 0 : i32
      %dma_start3A_72 = tpu.memref_slice %arg12[%add3A_13, %dma_start3A_71] : memref<10240x128xf32, #tpu.memory_space<vmem_shared>> -> memref<128x128xf32, #tpu.memory_space<vmem_shared>>
      tpu.enqueue_dma source(%arg10 : memref<128x128xf32, #tpu.memory_space<vmem>>) target(%dma_start3A_72 : memref<128x128xf32, #tpu.memory_space<vmem_shared>>) target_semaphore(%run_scoped3A : memref<!tpu.dma_semaphore, #tpu.memory_space<semaphore_mem>>)
      %dma_wait3A_73 = arith.constant 0 : i32
      %dma_wait3A_74 = tpu.memref_slice %arg12[%add3A_13, %dma_wait3A_73] : memref<10240x128xf32, #tpu.memory_space<vmem_shared>> -> memref<128x128xf32, #tpu.memory_space<vmem_shared>>
      %dma_wait3A_75 = arith.constant 0 : i32
      %dma_wait3A_76 = tpu.memref_slice %arg12[%add3A_13, %dma_wait3A_75] : memref<10240x128xf32, #tpu.memory_space<vmem_shared>> -> memref<128x128xf32, #tpu.memory_space<vmem_shared>>
      tpu.wait_dma2 semaphore(%run_scoped3A : memref<!tpu.dma_semaphore, #tpu.memory_space<semaphore_mem>>) src(%arg10 : memref<128x128xf32, #tpu.memory_space<vmem>>) dst(%dma_wait3A_76 : memref<128x128xf32, #tpu.memory_space<vmem_shared>>)
      tpu.yield
    }) : () -> ()
    %add3A_14 = arith.constant 512 : i32
    %add3A_15 = arith.addi %multiple_of3A, %add3A_14 : i32
    "tpu.region"() ({
      %run_scoped3A = tpu.sem_alloc : memref<!tpu.dma_semaphore, #tpu.memory_space<semaphore_mem>>
      %dma_start3A_69 = arith.constant 0 : i32
      %dma_start3A_70 = tpu.memref_slice %arg12[%add3A_15, %dma_start3A_69] : memref<10240x128xf32, #tpu.memory_space<vmem_shared>> -> memref<128x128xf32, #tpu.memory_space<vmem_shared>>
      %dma_start3A_71 = arith.constant 0 : i32
      %dma_start3A_72 = tpu.memref_slice %arg12[%add3A_15, %dma_start3A_71] : memref<10240x128xf32, #tpu.memory_space<vmem_shared>> -> memref<128x128xf32, #tpu.memory_space<vmem_shared>>
      tpu.enqueue_dma source(%arg10 : memref<128x128xf32, #tpu.memory_space<vmem>>) target(%dma_start3A_72 : memref<128x128xf32, #tpu.memory_space<vmem_shared>>) target_semaphore(%run_scoped3A : memref<!tpu.dma_semaphore, #tpu.memory_space<semaphore_mem>>)
      %dma_wait3A_73 = arith.constant 0 : i32
      %dma_wait3A_74 = tpu.memref_slice %arg12[%add3A_15, %dma_wait3A_73] : memref<10240x128xf32, #tpu.memory_space<vmem_shared>> -> memref<128x128xf32, #tpu.memory_space<vmem_shared>>
      %dma_wait3A_75 = arith.constant 0 : i32
      %dma_wait3A_76 = tpu.memref_slice %arg12[%add3A_15, %dma_wait3A_75] : memref<10240x128xf32, #tpu.memory_space<vmem_shared>> -> memref<128x128xf32, #tpu.memory_space<vmem_shared>>
      tpu.wait_dma2 semaphore(%run_scoped3A : memref<!tpu.dma_semaphore, #tpu.memory_space<semaphore_mem>>) src(%arg10 : memref<128x128xf32, #tpu.memory_space<vmem>>) dst(%dma_wait3A_76 : memref<128x128xf32, #tpu.memory_space<vmem_shared>>)
      tpu.yield
    }) : () -> ()
    %barrier3A = arith.constant 0 : index
    tpu.barrier barrier_id(%barrier3A)
    %mul3A_16 = arith.constant 158 : i32
    %mul3A_17 = arith.muli %arg1, %mul3A_16 : i32
    %mul3A_18 = arith.constant 128 : i32
    %mul3A_19 = arith.muli %mul3A_17, %mul3A_18 : i32
    %add3A_20 = arith.constant 0 : i32
    %add3A_21 = arith.addi %mul3A_19, %add3A_20 : i32
    %multiple_of3A_22 = tpu.assume_multiple %add3A_21, 8 : i32
    "tpu.region"() ({
      %run_scoped3A = tpu.sem_alloc : memref<!tpu.dma_semaphore, #tpu.memory_space<semaphore_mem>>
      %dma_start3A_69 = tpu.memref_slice %arg3[%multiple_of3A_22] : memref<323584xi32, #tpu.memory_space<hbm>> -> memref<128xi32, #tpu.memory_space<hbm>>
      %dma_start3A_70 = tpu.memref_slice %arg3[%multiple_of3A_22] : memref<323584xi32, #tpu.memory_space<hbm>> -> memref<128xi32, #tpu.memory_space<hbm>>
      tpu.enqueue_dma source(%dma_start3A_70 : memref<128xi32, #tpu.memory_space<hbm>>) target(%arg6 : memref<128xi32, #tpu.memory_space<vmem>>) target_semaphore(%run_scoped3A : memref<!tpu.dma_semaphore, #tpu.memory_space<semaphore_mem>>)
      %dma_wait3A_71 = tpu.memref_slice %arg3[%multiple_of3A_22] : memref<323584xi32, #tpu.memory_space<hbm>> -> memref<128xi32, #tpu.memory_space<hbm>>
      %dma_wait3A_72 = tpu.memref_slice %arg3[%multiple_of3A_22] : memref<323584xi32, #tpu.memory_space<hbm>> -> memref<128xi32, #tpu.memory_space<hbm>>
      tpu.wait_dma2 semaphore(%run_scoped3A : memref<!tpu.dma_semaphore, #tpu.memory_space<semaphore_mem>>) src(%dma_wait3A_72 : memref<128xi32, #tpu.memory_space<hbm>>) dst(%arg6 : memref<128xi32, #tpu.memory_space<vmem>>)
      tpu.yield
    }) : () -> ()
    %add3A_23 = arith.constant 0 : i32
    %add3A_24 = arith.addi %mul3A_19, %add3A_23 : i32
    %multiple_of3A_25 = tpu.assume_multiple %add3A_24, 8 : i32
    "tpu.region"() ({
      %run_scoped3A = tpu.sem_alloc : memref<!tpu.dma_semaphore, #tpu.memory_space<semaphore_mem>>
      %dma_start3A_69 = tpu.memref_slice %arg4[%multiple_of3A_25] : memref<323584xi32, #tpu.memory_space<hbm>> -> memref<128xi32, #tpu.memory_space<hbm>>
      %dma_start3A_70 = tpu.memref_slice %arg4[%multiple_of3A_25] : memref<323584xi32, #tpu.memory_space<hbm>> -> memref<128xi32, #tpu.memory_space<hbm>>
      tpu.enqueue_dma source(%dma_start3A_70 : memref<128xi32, #tpu.memory_space<hbm>>) target(%arg7 : memref<128xi32, #tpu.memory_space<vmem>>) target_semaphore(%run_scoped3A : memref<!tpu.dma_semaphore, #tpu.memory_space<semaphore_mem>>)
      %dma_wait3A_71 = tpu.memref_slice %arg4[%multiple_of3A_25] : memref<323584xi32, #tpu.memory_space<hbm>> -> memref<128xi32, #tpu.memory_space<hbm>>
      %dma_wait3A_72 = tpu.memref_slice %arg4[%multiple_of3A_25] : memref<323584xi32, #tpu.memory_space<hbm>> -> memref<128xi32, #tpu.memory_space<hbm>>
      tpu.wait_dma2 semaphore(%run_scoped3A : memref<!tpu.dma_semaphore, #tpu.memory_space<semaphore_mem>>) src(%dma_wait3A_72 : memref<128xi32, #tpu.memory_space<hbm>>) dst(%arg7 : memref<128xi32, #tpu.memory_space<vmem>>)
      tpu.yield
    }) : () -> ()
    %add3A_26 = arith.constant 128 : i32
    %add3A_27 = arith.addi %mul3A_19, %add3A_26 : i32
    %multiple_of3A_28 = tpu.assume_multiple %add3A_27, 8 : i32
    %dma_start3A = tpu.memref_slice %arg3[%multiple_of3A_28] : memref<323584xi32, #tpu.memory_space<hbm>> -> memref<128xi32, #tpu.memory_space<hbm>>
    %dma_start3A_29 = tpu.memref_slice %arg3[%multiple_of3A_28] : memref<323584xi32, #tpu.memory_space<hbm>> -> memref<128xi32, #tpu.memory_space<hbm>>
    tpu.enqueue_dma source(%dma_start3A_29 : memref<128xi32, #tpu.memory_space<hbm>>) target(%arg8 : memref<128xi32, #tpu.memory_space<vmem>>) target_semaphore(%arg16 : memref<!tpu.dma_semaphore, #tpu.memory_space<semaphore_mem>>)
    %add3A_30 = arith.constant 128 : i32
    %add3A_31 = arith.addi %mul3A_19, %add3A_30 : i32
    %multiple_of3A_32 = tpu.assume_multiple %add3A_31, 8 : i32
    %dma_start3A_33 = tpu.memref_slice %arg4[%multiple_of3A_32] : memref<323584xi32, #tpu.memory_space<hbm>> -> memref<128xi32, #tpu.memory_space<hbm>>
    %dma_start3A_34 = tpu.memref_slice %arg4[%multiple_of3A_32] : memref<323584xi32, #tpu.memory_space<hbm>> -> memref<128xi32, #tpu.memory_space<hbm>>
    tpu.enqueue_dma source(%dma_start3A_34 : memref<128xi32, #tpu.memory_space<hbm>>) target(%arg9 : memref<128xi32, #tpu.memory_space<vmem>>) target_semaphore(%arg16 : memref<!tpu.dma_semaphore, #tpu.memory_space<semaphore_mem>>)
    %dma_start3A_35 = arith.constant 0 : i32
    %dma_start3A_36 = arith.constant 0 : i32
    %dma_start3A_37 = tpu.memref_slice %arg2[%arg0, %dma_start3A_35, %dma_start3A_36] : memref<2x10000x128xf32, #tpu.memory_space<hbm>> -> memref<1x10000x128xf32, #tpu.memory_space<hbm>>
    %dma_start3A_38 = tpu.memref_squeeze %dma_start3A_37 : memref<1x10000x128xf32, #tpu.memory_space<hbm>> -> memref<10000x128xf32, #tpu.memory_space<hbm>>
    %dma_start3A_39 = arith.constant 0 : i32
    %dma_start3A_40 = arith.constant 0 : i32
    %dma_start3A_41 = tpu.memref_slice %dma_start3A_38[%dma_start3A_39, %dma_start3A_40] : memref<10000x128xf32, #tpu.memory_space<hbm>> -> memref<10000x128xf32, #tpu.memory_space<hbm>>
    tpu.enqueue_indirect_dma source(%dma_start3A_41 : memref<10000x128xf32, #tpu.memory_space<hbm>>) target(%arg10 : memref<128x128xf32, #tpu.memory_space<vmem>>) offsets(%arg6 : memref<128xi32, #tpu.memory_space<vmem>>) semaphore(%arg13 : memref<!tpu.dma_semaphore, #tpu.memory_space<semaphore_mem>>)
    %scan3A_42 = arith.constant 0 : i32
    %scan3A_43 = arith.constant 0 : i32
    %scan3A_44 = arith.constant 79 : i32
    %scan3A_45 = arith.addi %scan3A_43, %scan3A_44 : i32
    %scan3A_46 = arith.constant 1 : i32
    %scan3A_47 = scf.for %scan3A_69 = %scan3A_43 to %scan3A_45 step %scan3A_46 iter_args(%scan3A_70 = %scan3A_42) -> (i32)  : i32 {
      %mul3A_71 = arith.constant 2 : i32
      %mul3A_72 = arith.muli %mul3A_71, %scan3A_69 : i32
      %add3A_73 = arith.constant 2 : i32
      %add3A_74 = arith.addi %mul3A_72, %add3A_73 : i32
      %min3A = arith.constant 157 : i32
      %min3A_75 = arith.minsi %add3A_74, %min3A : i32
      %add3A_76 = arith.constant 3 : i32
      %add3A_77 = arith.addi %mul3A_72, %add3A_76 : i32
      %min3A_78 = arith.constant 157 : i32
      %min3A_79 = arith.minsi %add3A_77, %min3A_78 : i32
      %add3A_80 = arith.constant 1 : i32
      %add3A_81 = arith.addi %mul3A_72, %add3A_80 : i32
      %mul3A_82 = arith.constant 128 : i32
      %mul3A_83 = arith.muli %add3A_81, %mul3A_82 : i32
      %add3A_84 = arith.addi %mul3A_19, %mul3A_83 : i32
      %multiple_of3A_85 = tpu.assume_multiple %add3A_84, 8 : i32
      %dma_wait3A_86 = tpu.memref_slice %arg3[%multiple_of3A_85] : memref<323584xi32, #tpu.memory_space<hbm>> -> memref<128xi32, #tpu.memory_space<hbm>>
      %dma_wait3A_87 = tpu.memref_slice %arg3[%multiple_of3A_85] : memref<323584xi32, #tpu.memory_space<hbm>> -> memref<128xi32, #tpu.memory_space<hbm>>
      tpu.wait_dma2 semaphore(%arg16 : memref<!tpu.dma_semaphore, #tpu.memory_space<semaphore_mem>>) src(%dma_wait3A_87 : memref<128xi32, #tpu.memory_space<hbm>>) dst(%arg8 : memref<128xi32, #tpu.memory_space<vmem>>)
      %mul3A_88 = arith.constant 128 : i32
      %mul3A_89 = arith.muli %add3A_81, %mul3A_88 : i32
      %add3A_90 = arith.addi %mul3A_19, %mul3A_89 : i32
      %multiple_of3A_91 = tpu.assume_multiple %add3A_90, 8 : i32
      %dma_wait3A_92 = tpu.memref_slice %arg4[%multiple_of3A_91] : memref<323584xi32, #tpu.memory_space<hbm>> -> memref<128xi32, #tpu.memory_space<hbm>>
      %dma_wait3A_93 = tpu.memref_slice %arg4[%multiple_of3A_91] : memref<323584xi32, #tpu.memory_space<hbm>> -> memref<128xi32, #tpu.memory_space<hbm>>
      tpu.wait_dma2 semaphore(%arg16 : memref<!tpu.dma_semaphore, #tpu.memory_space<semaphore_mem>>) src(%dma_wait3A_93 : memref<128xi32, #tpu.memory_space<hbm>>) dst(%arg9 : memref<128xi32, #tpu.memory_space<vmem>>)
      %dma_start3A_94 = arith.constant 0 : i32
      %dma_start3A_95 = arith.constant 0 : i32
      %dma_start3A_96 = tpu.memref_slice %arg2[%arg0, %dma_start3A_94, %dma_start3A_95] : memref<2x10000x128xf32, #tpu.memory_space<hbm>> -> memref<1x10000x128xf32, #tpu.memory_space<hbm>>
      %dma_start3A_97 = tpu.memref_squeeze %dma_start3A_96 : memref<1x10000x128xf32, #tpu.memory_space<hbm>> -> memref<10000x128xf32, #tpu.memory_space<hbm>>
      %dma_start3A_98 = arith.constant 0 : i32
      %dma_start3A_99 = arith.constant 0 : i32
      %dma_start3A_100 = tpu.memref_slice %dma_start3A_97[%dma_start3A_98, %dma_start3A_99] : memref<10000x128xf32, #tpu.memory_space<hbm>> -> memref<10000x128xf32, #tpu.memory_space<hbm>>
      tpu.enqueue_indirect_dma source(%dma_start3A_100 : memref<10000x128xf32, #tpu.memory_space<hbm>>) target(%arg11 : memref<128x128xf32, #tpu.memory_space<vmem>>) offsets(%arg8 : memref<128xi32, #tpu.memory_space<vmem>>) semaphore(%arg14 : memref<!tpu.dma_semaphore, #tpu.memory_space<semaphore_mem>>)
      %dma_wait3A_101 = arith.constant 0 : i32
      %dma_wait3A_102 = arith.constant 0 : i32
      %dma_wait3A_103 = tpu.memref_slice %arg2[%arg0, %dma_wait3A_101, %dma_wait3A_102] : memref<2x10000x128xf32, #tpu.memory_space<hbm>> -> memref<1x10000x128xf32, #tpu.memory_space<hbm>>
      %dma_wait3A_104 = tpu.memref_squeeze %dma_wait3A_103 : memref<1x10000x128xf32, #tpu.memory_space<hbm>> -> memref<10000x128xf32, #tpu.memory_space<hbm>>
      %dma_wait3A_105 = arith.constant 0 : i32
      %dma_wait3A_106 = arith.constant 0 : i32
      %dma_wait3A_107 = tpu.memref_slice %dma_wait3A_104[%dma_wait3A_105, %dma_wait3A_106] : memref<10000x128xf32, #tpu.memory_space<hbm>> -> memref<10000x128xf32, #tpu.memory_space<hbm>>
      tpu.wait_indirect_dma semaphore(%arg13 : memref<!tpu.dma_semaphore, #tpu.memory_space<semaphore_mem>>) src(%dma_wait3A_107 : memref<10000x128xf32, #tpu.memory_space<hbm>>) dst(%arg10 : memref<128x128xf32, #tpu.memory_space<vmem>>)
      "tpu.region"() ({
        %run_scoped3A = tpu.sem_alloc : memref<!tpu.dma_semaphore, #tpu.memory_space<semaphore_mem>>
        %dma_start3A_159 = arith.constant 0 : i32
        %dma_start3A_160 = arith.constant 0 : i32
        %dma_start3A_161 = tpu.memref_slice %arg12[%dma_start3A_159, %dma_start3A_160] : memref<10240x128xf32, #tpu.memory_space<vmem_shared>> -> memref<10240x128xf32, #tpu.memory_space<vmem_shared>>
        tpu.enqueue_indirect_dma source(%arg10 : memref<128x128xf32, #tpu.memory_space<vmem>>) target(%dma_start3A_161 : memref<10240x128xf32, #tpu.memory_space<vmem_shared>>) offsets(%arg7 : memref<128xi32, #tpu.memory_space<vmem>>) semaphore(%run_scoped3A : memref<!tpu.dma_semaphore, #tpu.memory_space<semaphore_mem>>) {add = true}
        %dma_wait3A_162 = arith.constant 0 : i32
        %dma_wait3A_163 = arith.constant 0 : i32
        %dma_wait3A_164 = tpu.memref_slice %arg12[%dma_wait3A_162, %dma_wait3A_163] : memref<10240x128xf32, #tpu.memory_space<vmem_shared>> -> memref<10240x128xf32, #tpu.memory_space<vmem_shared>>
        tpu.wait_indirect_dma semaphore(%run_scoped3A : memref<!tpu.dma_semaphore, #tpu.memory_space<semaphore_mem>>) src(%arg10 : memref<128x128xf32, #tpu.memory_space<vmem>>) dst(%dma_wait3A_164 : memref<10240x128xf32, #tpu.memory_space<vmem_shared>>)
        tpu.yield
      }) : () -> ()
      %mul3A_108 = arith.constant 128 : i32
      %mul3A_109 = arith.muli %min3A_75, %mul3A_108 : i32
      %add3A_110 = arith.addi %mul3A_19, %mul3A_109 : i32
      %multiple_of3A_111 = tpu.assume_multiple %add3A_110, 8 : i32
      %dma_start3A_112 = tpu.memref_slice %arg3[%multiple_of3A_111] : memref<323584xi32, #tpu.memory_space<hbm>> -> memref<128xi32, #tpu.memory_space<hbm>>
      %dma_start3A_113 = tpu.memref_slice %arg3[%multiple_of3A_111] : memref<323584xi32, #tpu.memory_space<hbm>> -> memref<128xi32, #tpu.memory_space<hbm>>
      tpu.enqueue_dma source(%dma_start3A_113 : memref<128xi32, #tpu.memory_space<hbm>>) target(%arg6 : memref<128xi32, #tpu.memory_space<vmem>>) target_semaphore(%arg15 : memref<!tpu.dma_semaphore, #tpu.memory_space<semaphore_mem>>)
      %mul3A_114 = arith.constant 128 : i32
      %mul3A_115 = arith.muli %min3A_75, %mul3A_114 : i32
      %add3A_116 = arith.addi %mul3A_19, %mul3A_115 : i32
      %multiple_of3A_117 = tpu.assume_multiple %add3A_116, 8 : i32
      %dma_start3A_118 = tpu.memref_slice %arg4[%multiple_of3A_117] : memref<323584xi32, #tpu.memory_space<hbm>> -> memref<128xi32, #tpu.memory_space<hbm>>
      %dma_start3A_119 = tpu.memref_slice %arg4[%multiple_of3A_117] : memref<323584xi32, #tpu.memory_space<hbm>> -> memref<128xi32, #tpu.memory_space<hbm>>
      tpu.enqueue_dma source(%dma_start3A_119 : memref<128xi32, #tpu.memory_space<hbm>>) target(%arg7 : memref<128xi32, #tpu.memory_space<vmem>>) target_semaphore(%arg15 : memref<!tpu.dma_semaphore, #tpu.memory_space<semaphore_mem>>)
      %dma_wait3A_120 = arith.constant 0 : i32
      %dma_wait3A_121 = arith.constant 0 : i32
      %dma_wait3A_122 = tpu.memref_slice %arg2[%arg0, %dma_wait3A_120, %dma_wait3A_121] : memref<2x10000x128xf32, #tpu.memory_space<hbm>> -> memref<1x10000x128xf32, #tpu.memory_space<hbm>>
      %dma_wait3A_123 = tpu.memref_squeeze %dma_wait3A_122 : memref<1x10000x128xf32, #tpu.memory_space<hbm>> -> memref<10000x128xf32, #tpu.memory_space<hbm>>
      %dma_wait3A_124 = arith.constant 0 : i32
      %dma_wait3A_125 = arith.constant 0 : i32
      %dma_wait3A_126 = tpu.memref_slice %dma_wait3A_123[%dma_wait3A_124, %dma_wait3A_125] : memref<10000x128xf32, #tpu.memory_space<hbm>> -> memref<10000x128xf32, #tpu.memory_space<hbm>>
      tpu.wait_indirect_dma semaphore(%arg14 : memref<!tpu.dma_semaphore, #tpu.memory_space<semaphore_mem>>) src(%dma_wait3A_126 : memref<10000x128xf32, #tpu.memory_space<hbm>>) dst(%arg11 : memref<128x128xf32, #tpu.memory_space<vmem>>)
      "tpu.region"() ({
        %run_scoped3A = tpu.sem_alloc : memref<!tpu.dma_semaphore, #tpu.memory_space<semaphore_mem>>
        %dma_start3A_159 = arith.constant 0 : i32
        %dma_start3A_160 = arith.constant 0 : i32
        %dma_start3A_161 = tpu.memref_slice %arg12[%dma_start3A_159, %dma_start3A_160] : memref<10240x128xf32, #tpu.memory_space<vmem_shared>> -> memref<10240x128xf32, #tpu.memory_space<vmem_shared>>
        tpu.enqueue_indirect_dma source(%arg11 : memref<128x128xf32, #tpu.memory_space<vmem>>) target(%dma_start3A_161 : memref<10240x128xf32, #tpu.memory_space<vmem_shared>>) offsets(%arg9 : memref<128xi32, #tpu.memory_space<vmem>>) semaphore(%run_scoped3A : memref<!tpu.dma_semaphore, #tpu.memory_space<semaphore_mem>>) {add = true}
        %dma_wait3A_162 = arith.constant 0 : i32
        %dma_wait3A_163 = arith.constant 0 : i32
        %dma_wait3A_164 = tpu.memref_slice %arg12[%dma_wait3A_162, %dma_wait3A_163] : memref<10240x128xf32, #tpu.memory_space<vmem_shared>> -> memref<10240x128xf32, #tpu.memory_space<vmem_shared>>
        tpu.wait_indirect_dma semaphore(%run_scoped3A : memref<!tpu.dma_semaphore, #tpu.memory_space<semaphore_mem>>) src(%arg11 : memref<128x128xf32, #tpu.memory_space<vmem>>) dst(%dma_wait3A_164 : memref<10240x128xf32, #tpu.memory_space<vmem_shared>>)
        tpu.yield
      }) : () -> ()
      %mul3A_127 = arith.constant 128 : i32
      %mul3A_128 = arith.muli %min3A_79, %mul3A_127 : i32
      %add3A_129 = arith.addi %mul3A_19, %mul3A_128 : i32
      %multiple_of3A_130 = tpu.assume_multiple %add3A_129, 8 : i32
      %dma_start3A_131 = tpu.memref_slice %arg3[%multiple_of3A_130] : memref<323584xi32, #tpu.memory_space<hbm>> -> memref<128xi32, #tpu.memory_space<hbm>>
      %dma_start3A_132 = tpu.memref_slice %arg3[%multiple_of3A_130] : memref<323584xi32, #tpu.memory_space<hbm>> -> memref<128xi32, #tpu.memory_space<hbm>>
      tpu.enqueue_dma source(%dma_start3A_132 : memref<128xi32, #tpu.memory_space<hbm>>) target(%arg8 : memref<128xi32, #tpu.memory_space<vmem>>) target_semaphore(%arg16 : memref<!tpu.dma_semaphore, #tpu.memory_space<semaphore_mem>>)
      %mul3A_133 = arith.constant 128 : i32
      %mul3A_134 = arith.muli %min3A_79, %mul3A_133 : i32
      %add3A_135 = arith.addi %mul3A_19, %mul3A_134 : i32
      %multiple_of3A_136 = tpu.assume_multiple %add3A_135, 8 : i32
      %dma_start3A_137 = tpu.memref_slice %arg4[%multiple_of3A_136] : memref<323584xi32, #tpu.memory_space<hbm>> -> memref<128xi32, #tpu.memory_space<hbm>>
      %dma_start3A_138 = tpu.memref_slice %arg4[%multiple_of3A_136] : memref<323584xi32, #tpu.memory_space<hbm>> -> memref<128xi32, #tpu.memory_space<hbm>>
      tpu.enqueue_dma source(%dma_start3A_138 : memref<128xi32, #tpu.memory_space<hbm>>) target(%arg9 : memref<128xi32, #tpu.memory_space<vmem>>) target_semaphore(%arg16 : memref<!tpu.dma_semaphore, #tpu.memory_space<semaphore_mem>>)
      %mul3A_139 = arith.constant 128 : i32
      %mul3A_140 = arith.muli %min3A_75, %mul3A_139 : i32
      %add3A_141 = arith.addi %mul3A_19, %mul3A_140 : i32
      %multiple_of3A_142 = tpu.assume_multiple %add3A_141, 8 : i32
      %dma_wait3A_143 = tpu.memref_slice %arg3[%multiple_of3A_142] : memref<323584xi32, #tpu.memory_space<hbm>> -> memref<128xi32, #tpu.memory_space<hbm>>
      %dma_wait3A_144 = tpu.memref_slice %arg3[%multiple_of3A_142] : memref<323584xi32, #tpu.memory_space<hbm>> -> memref<128xi32, #tpu.memory_space<hbm>>
      tpu.wait_dma2 semaphore(%arg15 : memref<!tpu.dma_semaphore, #tpu.memory_space<semaphore_mem>>) src(%dma_wait3A_144 : memref<128xi32, #tpu.memory_space<hbm>>) dst(%arg6 : memref<128xi32, #tpu.memory_space<vmem>>)
      %mul3A_145 = arith.constant 128 : i32
      %mul3A_146 = arith.muli %min3A_75, %mul3A_145 : i32
      %add3A_147 = arith.addi %mul3A_19, %mul3A_146 : i32
      %multiple_of3A_148 = tpu.assume_multiple %add3A_147, 8 : i32
      %dma_wait3A_149 = tpu.memref_slice %arg4[%multiple_of3A_148] : memref<323584xi32, #tpu.memory_space<hbm>> -> memref<128xi32, #tpu.memory_space<hbm>>
      %dma_wait3A_150 = tpu.memref_slice %arg4[%multiple_of3A_148] : memref<323584xi32, #tpu.memory_space<hbm>> -> memref<128xi32, #tpu.memory_space<hbm>>
      tpu.wait_dma2 semaphore(%arg15 : memref<!tpu.dma_semaphore, #tpu.memory_space<semaphore_mem>>) src(%dma_wait3A_150 : memref<128xi32, #tpu.memory_space<hbm>>) dst(%arg7 : memref<128xi32, #tpu.memory_space<vmem>>)
      %dma_start3A_151 = arith.constant 0 : i32
      %dma_start3A_152 = arith.constant 0 : i32
      %dma_start3A_153 = tpu.memref_slice %arg2[%arg0, %dma_start3A_151, %dma_start3A_152] : memref<2x10000x128xf32, #tpu.memory_space<hbm>> -> memref<1x10000x128xf32, #tpu.memory_space<hbm>>
      %dma_start3A_154 = tpu.memref_squeeze %dma_start3A_153 : memref<1x10000x128xf32, #tpu.memory_space<hbm>> -> memref<10000x128xf32, #tpu.memory_space<hbm>>
      %dma_start3A_155 = arith.constant 0 : i32
      %dma_start3A_156 = arith.constant 0 : i32
      %dma_start3A_157 = tpu.memref_slice %dma_start3A_154[%dma_start3A_155, %dma_start3A_156] : memref<10000x128xf32, #tpu.memory_space<hbm>> -> memref<10000x128xf32, #tpu.memory_space<hbm>>
      tpu.enqueue_indirect_dma source(%dma_start3A_157 : memref<10000x128xf32, #tpu.memory_space<hbm>>) target(%arg10 : memref<128x128xf32, #tpu.memory_space<vmem>>) offsets(%arg6 : memref<128xi32, #tpu.memory_space<vmem>>) semaphore(%arg13 : memref<!tpu.dma_semaphore, #tpu.memory_space<semaphore_mem>>)
      %scan3A_158 = arith.constant 0 : i32
      scf.yield %scan3A_158 : i32
    }
    %scan3A_48 = arith.constant 79 : i32
    %add3A_49 = arith.constant 20096 : i32
    %add3A_50 = arith.addi %mul3A_19, %add3A_49 : i32
    %multiple_of3A_51 = tpu.assume_multiple %add3A_50, 8 : i32
    %dma_wait3A = tpu.memref_slice %arg3[%multiple_of3A_51] : memref<323584xi32, #tpu.memory_space<hbm>> -> memref<128xi32, #tpu.memory_space<hbm>>
    %dma_wait3A_52 = tpu.memref_slice %arg3[%multiple_of3A_51] : memref<323584xi32, #tpu.memory_space<hbm>> -> memref<128xi32, #tpu.memory_space<hbm>>
    tpu.wait_dma2 semaphore(%arg16 : memref<!tpu.dma_semaphore, #tpu.memory_space<semaphore_mem>>) src(%dma_wait3A_52 : memref<128xi32, #tpu.memory_space<hbm>>) dst(%arg8 : memref<128xi32, #tpu.memory_space<vmem>>)
    %add3A_53 = arith.constant 20096 : i32
    %add3A_54 = arith.addi %mul3A_19, %add3A_53 : i32
    %multiple_of3A_55 = tpu.assume_multiple %add3A_54, 8 : i32
    %dma_wait3A_56 = tpu.memref_slice %arg4[%multiple_of3A_55] : memref<323584xi32, #tpu.memory_space<hbm>> -> memref<128xi32, #tpu.memory_space<hbm>>
    %dma_wait3A_57 = tpu.memref_slice %arg4[%multiple_of3A_55] : memref<323584xi32, #tpu.memory_space<hbm>> -> memref<128xi32, #tpu.memory_space<hbm>>
    tpu.wait_dma2 semaphore(%arg16 : memref<!tpu.dma_semaphore, #tpu.memory_space<semaphore_mem>>) src(%dma_wait3A_57 : memref<128xi32, #tpu.memory_space<hbm>>) dst(%arg9 : memref<128xi32, #tpu.memory_space<vmem>>)
    %dma_wait3A_58 = arith.constant 0 : i32
    %dma_wait3A_59 = arith.constant 0 : i32
    %dma_wait3A_60 = tpu.memref_slice %arg2[%arg0, %dma_wait3A_58, %dma_wait3A_59] : memref<2x10000x128xf32, #tpu.memory_space<hbm>> -> memref<1x10000x128xf32, #tpu.memory_space<hbm>>
    %dma_wait3A_61 = tpu.memref_squeeze %dma_wait3A_60 : memref<1x10000x128xf32, #tpu.memory_space<hbm>> -> memref<10000x128xf32, #tpu.memory_space<hbm>>
    %dma_wait3A_62 = arith.constant 0 : i32
    %dma_wait3A_63 = arith.constant 0 : i32
    %dma_wait3A_64 = tpu.memref_slice %dma_wait3A_61[%dma_wait3A_62, %dma_wait3A_63] : memref<10000x128xf32, #tpu.memory_space<hbm>> -> memref<10000x128xf32, #tpu.memory_space<hbm>>
    tpu.wait_indirect_dma semaphore(%arg13 : memref<!tpu.dma_semaphore, #tpu.memory_space<semaphore_mem>>) src(%dma_wait3A_64 : memref<10000x128xf32, #tpu.memory_space<hbm>>) dst(%arg10 : memref<128x128xf32, #tpu.memory_space<vmem>>)
    %barrier3A_65 = arith.constant 0 : index
    tpu.barrier barrier_id(%barrier3A_65)
    %mul3A_66 = arith.constant 640 : i32
    %mul3A_67 = arith.muli %arg1, %mul3A_66 : i32
    %multiple_of3A_68 = tpu.assume_multiple %mul3A_67, 8 : i32
    "tpu.region"() ({
      %run_scoped3A = tpu.sem_alloc : memref<!tpu.dma_semaphore, #tpu.memory_space<semaphore_mem>>
      %dma_start3A_69 = arith.constant 0 : i32
      %dma_start3A_70 = arith.constant 0 : i32
      %dma_start3A_71 = tpu.memref_slice %arg5[%arg0, %dma_start3A_69, %dma_start3A_70] : memref<2x10240x128xf32, #tpu.memory_space<hbm>> -> memref<1x10240x128xf32, #tpu.memory_space<hbm>>
      %dma_start3A_72 = tpu.memref_squeeze %dma_start3A_71 : memref<1x10240x128xf32, #tpu.memory_space<hbm>> -> memref<10240x128xf32, #tpu.memory_space<hbm>>
      %dma_start3A_73 = arith.constant 0 : i32
      %dma_start3A_74 = tpu.memref_slice %dma_start3A_72[%multiple_of3A_68, %dma_start3A_73] : memref<10240x128xf32, #tpu.memory_space<hbm>> -> memref<640x128xf32, #tpu.memory_space<hbm>>
      %dma_start3A_75 = arith.constant 0 : i32
      %dma_start3A_76 = tpu.memref_slice %arg12[%multiple_of3A_68, %dma_start3A_75] : memref<10240x128xf32, #tpu.memory_space<vmem_shared>> -> memref<640x128xf32, #tpu.memory_space<vmem_shared>>
      tpu.enqueue_dma source(%dma_start3A_76 : memref<640x128xf32, #tpu.memory_space<vmem_shared>>) target(%dma_start3A_74 : memref<640x128xf32, #tpu.memory_space<hbm>>) target_semaphore(%run_scoped3A : memref<!tpu.dma_semaphore, #tpu.memory_space<semaphore_mem>>)
      %dma_wait3A_77 = arith.constant 0 : i32
      %dma_wait3A_78 = arith.constant 0 : i32
      %dma_wait3A_79 = tpu.memref_slice %arg5[%arg0, %dma_wait3A_77, %dma_wait3A_78] : memref<2x10240x128xf32, #tpu.memory_space<hbm>> -> memref<1x10240x128xf32, #tpu.memory_space<hbm>>
      %dma_wait3A_80 = tpu.memref_squeeze %dma_wait3A_79 : memref<1x10240x128xf32, #tpu.memory_space<hbm>> -> memref<10240x128xf32, #tpu.memory_space<hbm>>
      %dma_wait3A_81 = arith.constant 0 : i32
      %dma_wait3A_82 = tpu.memref_slice %dma_wait3A_80[%multiple_of3A_68, %dma_wait3A_81] : memref<10240x128xf32, #tpu.memory_space<hbm>> -> memref<640x128xf32, #tpu.memory_space<hbm>>
      %dma_wait3A_83 = arith.constant 0 : i32
      %dma_wait3A_84 = tpu.memref_slice %arg12[%multiple_of3A_68, %dma_wait3A_83] : memref<10240x128xf32, #tpu.memory_space<vmem_shared>> -> memref<640x128xf32, #tpu.memory_space<vmem_shared>>
      tpu.wait_dma2 semaphore(%run_scoped3A : memref<!tpu.dma_semaphore, #tpu.memory_space<semaphore_mem>>) src(%dma_wait3A_84 : memref<640x128xf32, #tpu.memory_space<vmem_shared>>) dst(%dma_wait3A_82 : memref<640x128xf32, #tpu.memory_space<hbm>>)
      tpu.yield
    }) : () -> ()
    return
  }
}

#map = affine_map<(d0, d1) -> (0, 0)>
#map1 = affine_map<(d0, d1) -> (0)>
#map2 = affine_map<(d0, d1) -> (0, 0, 0)>
module attributes {stable_mosaic.version = 14 : i64} {
  func.func @_sc_segsum_edge(%arg0: i32, %arg1: i32, %arg2: memref<10000x128xf32, #tpu.memory_space<hbm>>, %arg3: memref<323584xi32, #tpu.memory_space<hbm>>, %arg4: memref<323584xi32, #tpu.memory_space<hbm>>, %arg5: memref<2x10240x128xf32, #tpu.memory_space<hbm>>, %arg6: memref<128xi32, #tpu.memory_space<vmem>>, %arg7: memref<128xi32, #tpu.memory_space<vmem>>, %arg8: memref<128xi32, #tpu.memory_space<vmem>>, %arg9: memref<128xi32, #tpu.memory_space<vmem>>, %arg10: memref<128x128xf32, #tpu.memory_space<vmem>>, %arg11: memref<128x128xf32, #tpu.memory_space<vmem>>, %arg12: memref<10240x128xf32, #tpu.memory_space<vmem_shared>>, %arg13: memref<!tpu.dma_semaphore, #tpu.memory_space<semaphore_mem>>, %arg14: memref<!tpu.dma_semaphore, #tpu.memory_space<semaphore_mem>>, %arg15: memref<!tpu.dma_semaphore, #tpu.memory_space<semaphore_mem>>, %arg16: memref<!tpu.dma_semaphore, #tpu.memory_space<semaphore_mem>>) attributes {dimension_semantics = [#tpu.dimension_semantics<core_parallel>, #tpu.dimension_semantics<subcore_parallel>], iteration_bounds = array<i64: 2, 16>, scalar_prefetch = 0 : i64, scratch_operands = 11 : i64, tpu.core_type = #tpu.core_type<sc_vector_subcore>, window_params = [{transform_indices = #map}, {transform_indices = #map1}, {transform_indices = #map1}, {transform_indices = #map2}]} {
    %scan3A = arith.constant 0 : i32
    %scan3A_0 = arith.constant 0 : i32
    %scan3A_1 = arith.constant 128 : i32
    %scan3A_2 = arith.addi %scan3A_0, %scan3A_1 : i32
    %scan3A_3 = arith.constant 1 : i32
    %scan3A_4 = scf.for %scan3A_64 = %scan3A_0 to %scan3A_2 step %scan3A_3 iter_args(%scan3A_65 = %scan3A) -> (i32)  : i32 {
      %broadcast_in_dim3A = arith.constant 0.000000e+00 : f32
      %broadcast_in_dim3A_66 = vector.broadcast %broadcast_in_dim3A : f32 to vector<16xf32>
      %swap3A = arith.index_cast %scan3A_64 : i32 to index
      %swap3A_67 = arith.constant 0 : index
      %swap3A_68 = tpu.vector_load %arg10[%swap3A, %swap3A_67] {strides = array<i32>} : memref<128x128xf32, #tpu.memory_space<vmem>>, vector<1x16xf32>,
      %swap3A_69 = vector.shape_cast %swap3A_68 : vector<1x16xf32> to vector<16xf32>
      %swap3A_70 = vector.shape_cast %broadcast_in_dim3A_66 : vector<16xf32> to vector<1x16xf32>
      tpu.vector_store %arg10[%swap3A, %swap3A_67], %swap3A_70 {strides = array<i32>} : memref<128x128xf32, #tpu.memory_space<vmem>>, vector<1x16xf32>,
      %broadcast_in_dim3A_71 = arith.constant 0.000000e+00 : f32
      %broadcast_in_dim3A_72 = vector.broadcast %broadcast_in_dim3A_71 : f32 to vector<16xf32>
      %swap3A_73 = arith.index_cast %scan3A_64 : i32 to index
      %swap3A_74 = arith.constant 16 : index
      %swap3A_75 = tpu.vector_load %arg10[%swap3A_73, %swap3A_74] {strides = array<i32>} : memref<128x128xf32, #tpu.memory_space<vmem>>, vector<1x16xf32>,
      %swap3A_76 = vector.shape_cast %swap3A_75 : vector<1x16xf32> to vector<16xf32>
      %swap3A_77 = vector.shape_cast %broadcast_in_dim3A_72 : vector<16xf32> to vector<1x16xf32>
      tpu.vector_store %arg10[%swap3A_73, %swap3A_74], %swap3A_77 {strides = array<i32>} : memref<128x128xf32, #tpu.memory_space<vmem>>, vector<1x16xf32>,
      %broadcast_in_dim3A_78 = arith.constant 0.000000e+00 : f32
      %broadcast_in_dim3A_79 = vector.broadcast %broadcast_in_dim3A_78 : f32 to vector<16xf32>
      %swap3A_80 = arith.index_cast %scan3A_64 : i32 to index
      %swap3A_81 = arith.constant 32 : index
      %swap3A_82 = tpu.vector_load %arg10[%swap3A_80, %swap3A_81] {strides = array<i32>} : memref<128x128xf32, #tpu.memory_space<vmem>>, vector<1x16xf32>,
      %swap3A_83 = vector.shape_cast %swap3A_82 : vector<1x16xf32> to vector<16xf32>
      %swap3A_84 = vector.shape_cast %broadcast_in_dim3A_79 : vector<16xf32> to vector<1x16xf32>
      tpu.vector_store %arg10[%swap3A_80, %swap3A_81], %swap3A_84 {strides = array<i32>} : memref<128x128xf32, #tpu.memory_space<vmem>>, vector<1x16xf32>,
      %broadcast_in_dim3A_85 = arith.constant 0.000000e+00 : f32
      %broadcast_in_dim3A_86 = vector.broadcast %broadcast_in_dim3A_85 : f32 to vector<16xf32>
      %swap3A_87 = arith.index_cast %scan3A_64 : i32 to index
      %swap3A_88 = arith.constant 48 : index
      %swap3A_89 = tpu.vector_load %arg10[%swap3A_87, %swap3A_88] {strides = array<i32>} : memref<128x128xf32, #tpu.memory_space<vmem>>, vector<1x16xf32>,
      %swap3A_90 = vector.shape_cast %swap3A_89 : vector<1x16xf32> to vector<16xf32>
      %swap3A_91 = vector.shape_cast %broadcast_in_dim3A_86 : vector<16xf32> to vector<1x16xf32>
      tpu.vector_store %arg10[%swap3A_87, %swap3A_88], %swap3A_91 {strides = array<i32>} : memref<128x128xf32, #tpu.memory_space<vmem>>, vector<1x16xf32>,
      %broadcast_in_dim3A_92 = arith.constant 0.000000e+00 : f32
      %broadcast_in_dim3A_93 = vector.broadcast %broadcast_in_dim3A_92 : f32 to vector<16xf32>
      %swap3A_94 = arith.index_cast %scan3A_64 : i32 to index
      %swap3A_95 = arith.constant 64 : index
      %swap3A_96 = tpu.vector_load %arg10[%swap3A_94, %swap3A_95] {strides = array<i32>} : memref<128x128xf32, #tpu.memory_space<vmem>>, vector<1x16xf32>,
      %swap3A_97 = vector.shape_cast %swap3A_96 : vector<1x16xf32> to vector<16xf32>
      %swap3A_98 = vector.shape_cast %broadcast_in_dim3A_93 : vector<16xf32> to vector<1x16xf32>
      tpu.vector_store %arg10[%swap3A_94, %swap3A_95], %swap3A_98 {strides = array<i32>} : memref<128x128xf32, #tpu.memory_space<vmem>>, vector<1x16xf32>,
      %broadcast_in_dim3A_99 = arith.constant 0.000000e+00 : f32
      %broadcast_in_dim3A_100 = vector.broadcast %broadcast_in_dim3A_99 : f32 to vector<16xf32>
      %swap3A_101 = arith.index_cast %scan3A_64 : i32 to index
      %swap3A_102 = arith.constant 80 : index
      %swap3A_103 = tpu.vector_load %arg10[%swap3A_101, %swap3A_102] {strides = array<i32>} : memref<128x128xf32, #tpu.memory_space<vmem>>, vector<1x16xf32>,
      %swap3A_104 = vector.shape_cast %swap3A_103 : vector<1x16xf32> to vector<16xf32>
      %swap3A_105 = vector.shape_cast %broadcast_in_dim3A_100 : vector<16xf32> to vector<1x16xf32>
      tpu.vector_store %arg10[%swap3A_101, %swap3A_102], %swap3A_105 {strides = array<i32>} : memref<128x128xf32, #tpu.memory_space<vmem>>, vector<1x16xf32>,
      %broadcast_in_dim3A_106 = arith.constant 0.000000e+00 : f32
      %broadcast_in_dim3A_107 = vector.broadcast %broadcast_in_dim3A_106 : f32 to vector<16xf32>
      %swap3A_108 = arith.index_cast %scan3A_64 : i32 to index
      %swap3A_109 = arith.constant 96 : index
      %swap3A_110 = tpu.vector_load %arg10[%swap3A_108, %swap3A_109] {strides = array<i32>} : memref<128x128xf32, #tpu.memory_space<vmem>>, vector<1x16xf32>,
      %swap3A_111 = vector.shape_cast %swap3A_110 : vector<1x16xf32> to vector<16xf32>
      %swap3A_112 = vector.shape_cast %broadcast_in_dim3A_107 : vector<16xf32> to vector<1x16xf32>
      tpu.vector_store %arg10[%swap3A_108, %swap3A_109], %swap3A_112 {strides = array<i32>} : memref<128x128xf32, #tpu.memory_space<vmem>>, vector<1x16xf32>,
      %broadcast_in_dim3A_113 = arith.constant 0.000000e+00 : f32
      %broadcast_in_dim3A_114 = vector.broadcast %broadcast_in_dim3A_113 : f32 to vector<16xf32>
      %swap3A_115 = arith.index_cast %scan3A_64 : i32 to index
      %swap3A_116 = arith.constant 112 : index
      %swap3A_117 = tpu.vector_load %arg10[%swap3A_115, %swap3A_116] {strides = array<i32>} : memref<128x128xf32, #tpu.memory_space<vmem>>, vector<1x16xf32>,
      %swap3A_118 = vector.shape_cast %swap3A_117 : vector<1x16xf32> to vector<16xf32>
      %swap3A_119 = vector.shape_cast %broadcast_in_dim3A_114 : vector<16xf32> to vector<1x16xf32>
      tpu.vector_store %arg10[%swap3A_115, %swap3A_116], %swap3A_119 {strides = array<i32>} : memref<128x128xf32, #tpu.memory_space<vmem>>, vector<1x16xf32>,
      %scan3A_120 = arith.constant 0 : i32
      scf.yield %scan3A_120 : i32
    }
    %scan3A_5 = arith.constant 128 : i32
    %mul3A = arith.constant 640 : i32
    %mul3A_6 = arith.muli %arg1, %mul3A : i32
    %multiple_of3A = tpu.assume_multiple %mul3A_6, 8 : i32
    %add3A = arith.constant 0 : i32
    %add3A_7 = arith.addi %multiple_of3A, %add3A : i32
    "tpu.region"() ({
      %run_scoped3A = tpu.sem_alloc : memref<!tpu.dma_semaphore, #tpu.memory_space<semaphore_mem>>
      %dma_start3A_64 = arith.constant 0 : i32
      %dma_start3A_65 = tpu.memref_slice %arg12[%add3A_7, %dma_start3A_64] : memref<10240x128xf32, #tpu.memory_space<vmem_shared>> -> memref<128x128xf32, #tpu.memory_space<vmem_shared>>
      %dma_start3A_66 = arith.constant 0 : i32
      %dma_start3A_67 = tpu.memref_slice %arg12[%add3A_7, %dma_start3A_66] : memref<10240x128xf32, #tpu.memory_space<vmem_shared>> -> memref<128x128xf32, #tpu.memory_space<vmem_shared>>
      tpu.enqueue_dma source(%arg10 : memref<128x128xf32, #tpu.memory_space<vmem>>) target(%dma_start3A_67 : memref<128x128xf32, #tpu.memory_space<vmem_shared>>) target_semaphore(%run_scoped3A : memref<!tpu.dma_semaphore, #tpu.memory_space<semaphore_mem>>)
      %dma_wait3A_68 = arith.constant 0 : i32
      %dma_wait3A_69 = tpu.memref_slice %arg12[%add3A_7, %dma_wait3A_68] : memref<10240x128xf32, #tpu.memory_space<vmem_shared>> -> memref<128x128xf32, #tpu.memory_space<vmem_shared>>
      %dma_wait3A_70 = arith.constant 0 : i32
      %dma_wait3A_71 = tpu.memref_slice %arg12[%add3A_7, %dma_wait3A_70] : memref<10240x128xf32, #tpu.memory_space<vmem_shared>> -> memref<128x128xf32, #tpu.memory_space<vmem_shared>>
      tpu.wait_dma2 semaphore(%run_scoped3A : memref<!tpu.dma_semaphore, #tpu.memory_space<semaphore_mem>>) src(%arg10 : memref<128x128xf32, #tpu.memory_space<vmem>>) dst(%dma_wait3A_71 : memref<128x128xf32, #tpu.memory_space<vmem_shared>>)
      tpu.yield
    }) : () -> ()
    %add3A_8 = arith.constant 128 : i32
    %add3A_9 = arith.addi %multiple_of3A, %add3A_8 : i32
    "tpu.region"() ({
      %run_scoped3A = tpu.sem_alloc : memref<!tpu.dma_semaphore, #tpu.memory_space<semaphore_mem>>
      %dma_start3A_64 = arith.constant 0 : i32
      %dma_start3A_65 = tpu.memref_slice %arg12[%add3A_9, %dma_start3A_64] : memref<10240x128xf32, #tpu.memory_space<vmem_shared>> -> memref<128x128xf32, #tpu.memory_space<vmem_shared>>
      %dma_start3A_66 = arith.constant 0 : i32
      %dma_start3A_67 = tpu.memref_slice %arg12[%add3A_9, %dma_start3A_66] : memref<10240x128xf32, #tpu.memory_space<vmem_shared>> -> memref<128x128xf32, #tpu.memory_space<vmem_shared>>
      tpu.enqueue_dma source(%arg10 : memref<128x128xf32, #tpu.memory_space<vmem>>) target(%dma_start3A_67 : memref<128x128xf32, #tpu.memory_space<vmem_shared>>) target_semaphore(%run_scoped3A : memref<!tpu.dma_semaphore, #tpu.memory_space<semaphore_mem>>)
      %dma_wait3A_68 = arith.constant 0 : i32
      %dma_wait3A_69 = tpu.memref_slice %arg12[%add3A_9, %dma_wait3A_68] : memref<10240x128xf32, #tpu.memory_space<vmem_shared>> -> memref<128x128xf32, #tpu.memory_space<vmem_shared>>
      %dma_wait3A_70 = arith.constant 0 : i32
      %dma_wait3A_71 = tpu.memref_slice %arg12[%add3A_9, %dma_wait3A_70] : memref<10240x128xf32, #tpu.memory_space<vmem_shared>> -> memref<128x128xf32, #tpu.memory_space<vmem_shared>>
      tpu.wait_dma2 semaphore(%run_scoped3A : memref<!tpu.dma_semaphore, #tpu.memory_space<semaphore_mem>>) src(%arg10 : memref<128x128xf32, #tpu.memory_space<vmem>>) dst(%dma_wait3A_71 : memref<128x128xf32, #tpu.memory_space<vmem_shared>>)
      tpu.yield
    }) : () -> ()
    %add3A_10 = arith.constant 256 : i32
    %add3A_11 = arith.addi %multiple_of3A, %add3A_10 : i32
    "tpu.region"() ({
      %run_scoped3A = tpu.sem_alloc : memref<!tpu.dma_semaphore, #tpu.memory_space<semaphore_mem>>
      %dma_start3A_64 = arith.constant 0 : i32
      %dma_start3A_65 = tpu.memref_slice %arg12[%add3A_11, %dma_start3A_64] : memref<10240x128xf32, #tpu.memory_space<vmem_shared>> -> memref<128x128xf32, #tpu.memory_space<vmem_shared>>
      %dma_start3A_66 = arith.constant 0 : i32
      %dma_start3A_67 = tpu.memref_slice %arg12[%add3A_11, %dma_start3A_66] : memref<10240x128xf32, #tpu.memory_space<vmem_shared>> -> memref<128x128xf32, #tpu.memory_space<vmem_shared>>
      tpu.enqueue_dma source(%arg10 : memref<128x128xf32, #tpu.memory_space<vmem>>) target(%dma_start3A_67 : memref<128x128xf32, #tpu.memory_space<vmem_shared>>) target_semaphore(%run_scoped3A : memref<!tpu.dma_semaphore, #tpu.memory_space<semaphore_mem>>)
      %dma_wait3A_68 = arith.constant 0 : i32
      %dma_wait3A_69 = tpu.memref_slice %arg12[%add3A_11, %dma_wait3A_68] : memref<10240x128xf32, #tpu.memory_space<vmem_shared>> -> memref<128x128xf32, #tpu.memory_space<vmem_shared>>
      %dma_wait3A_70 = arith.constant 0 : i32
      %dma_wait3A_71 = tpu.memref_slice %arg12[%add3A_11, %dma_wait3A_70] : memref<10240x128xf32, #tpu.memory_space<vmem_shared>> -> memref<128x128xf32, #tpu.memory_space<vmem_shared>>
      tpu.wait_dma2 semaphore(%run_scoped3A : memref<!tpu.dma_semaphore, #tpu.memory_space<semaphore_mem>>) src(%arg10 : memref<128x128xf32, #tpu.memory_space<vmem>>) dst(%dma_wait3A_71 : memref<128x128xf32, #tpu.memory_space<vmem_shared>>)
      tpu.yield
    }) : () -> ()
    %add3A_12 = arith.constant 384 : i32
    %add3A_13 = arith.addi %multiple_of3A, %add3A_12 : i32
    "tpu.region"() ({
      %run_scoped3A = tpu.sem_alloc : memref<!tpu.dma_semaphore, #tpu.memory_space<semaphore_mem>>
      %dma_start3A_64 = arith.constant 0 : i32
      %dma_start3A_65 = tpu.memref_slice %arg12[%add3A_13, %dma_start3A_64] : memref<10240x128xf32, #tpu.memory_space<vmem_shared>> -> memref<128x128xf32, #tpu.memory_space<vmem_shared>>
      %dma_start3A_66 = arith.constant 0 : i32
      %dma_start3A_67 = tpu.memref_slice %arg12[%add3A_13, %dma_start3A_66] : memref<10240x128xf32, #tpu.memory_space<vmem_shared>> -> memref<128x128xf32, #tpu.memory_space<vmem_shared>>
      tpu.enqueue_dma source(%arg10 : memref<128x128xf32, #tpu.memory_space<vmem>>) target(%dma_start3A_67 : memref<128x128xf32, #tpu.memory_space<vmem_shared>>) target_semaphore(%run_scoped3A : memref<!tpu.dma_semaphore, #tpu.memory_space<semaphore_mem>>)
      %dma_wait3A_68 = arith.constant 0 : i32
      %dma_wait3A_69 = tpu.memref_slice %arg12[%add3A_13, %dma_wait3A_68] : memref<10240x128xf32, #tpu.memory_space<vmem_shared>> -> memref<128x128xf32, #tpu.memory_space<vmem_shared>>
      %dma_wait3A_70 = arith.constant 0 : i32
      %dma_wait3A_71 = tpu.memref_slice %arg12[%add3A_13, %dma_wait3A_70] : memref<10240x128xf32, #tpu.memory_space<vmem_shared>> -> memref<128x128xf32, #tpu.memory_space<vmem_shared>>
      tpu.wait_dma2 semaphore(%run_scoped3A : memref<!tpu.dma_semaphore, #tpu.memory_space<semaphore_mem>>) src(%arg10 : memref<128x128xf32, #tpu.memory_space<vmem>>) dst(%dma_wait3A_71 : memref<128x128xf32, #tpu.memory_space<vmem_shared>>)
      tpu.yield
    }) : () -> ()
    %add3A_14 = arith.constant 512 : i32
    %add3A_15 = arith.addi %multiple_of3A, %add3A_14 : i32
    "tpu.region"() ({
      %run_scoped3A = tpu.sem_alloc : memref<!tpu.dma_semaphore, #tpu.memory_space<semaphore_mem>>
      %dma_start3A_64 = arith.constant 0 : i32
      %dma_start3A_65 = tpu.memref_slice %arg12[%add3A_15, %dma_start3A_64] : memref<10240x128xf32, #tpu.memory_space<vmem_shared>> -> memref<128x128xf32, #tpu.memory_space<vmem_shared>>
      %dma_start3A_66 = arith.constant 0 : i32
      %dma_start3A_67 = tpu.memref_slice %arg12[%add3A_15, %dma_start3A_66] : memref<10240x128xf32, #tpu.memory_space<vmem_shared>> -> memref<128x128xf32, #tpu.memory_space<vmem_shared>>
      tpu.enqueue_dma source(%arg10 : memref<128x128xf32, #tpu.memory_space<vmem>>) target(%dma_start3A_67 : memref<128x128xf32, #tpu.memory_space<vmem_shared>>) target_semaphore(%run_scoped3A : memref<!tpu.dma_semaphore, #tpu.memory_space<semaphore_mem>>)
      %dma_wait3A_68 = arith.constant 0 : i32
      %dma_wait3A_69 = tpu.memref_slice %arg12[%add3A_15, %dma_wait3A_68] : memref<10240x128xf32, #tpu.memory_space<vmem_shared>> -> memref<128x128xf32, #tpu.memory_space<vmem_shared>>
      %dma_wait3A_70 = arith.constant 0 : i32
      %dma_wait3A_71 = tpu.memref_slice %arg12[%add3A_15, %dma_wait3A_70] : memref<10240x128xf32, #tpu.memory_space<vmem_shared>> -> memref<128x128xf32, #tpu.memory_space<vmem_shared>>
      tpu.wait_dma2 semaphore(%run_scoped3A : memref<!tpu.dma_semaphore, #tpu.memory_space<semaphore_mem>>) src(%arg10 : memref<128x128xf32, #tpu.memory_space<vmem>>) dst(%dma_wait3A_71 : memref<128x128xf32, #tpu.memory_space<vmem_shared>>)
      tpu.yield
    }) : () -> ()
    %barrier3A = arith.constant 0 : index
    tpu.barrier barrier_id(%barrier3A)
    %mul3A_16 = arith.constant 16 : i32
    %mul3A_17 = arith.muli %arg0, %mul3A_16 : i32
    %add3A_18 = arith.addi %mul3A_17, %arg1 : i32
    %mul3A_19 = arith.constant 79 : i32
    %mul3A_20 = arith.muli %add3A_18, %mul3A_19 : i32
    %mul3A_21 = arith.constant 128 : i32
    %mul3A_22 = arith.muli %mul3A_20, %mul3A_21 : i32
    %add3A_23 = arith.constant 0 : i32
    %add3A_24 = arith.addi %mul3A_22, %add3A_23 : i32
    %multiple_of3A_25 = tpu.assume_multiple %add3A_24, 8 : i32
    "tpu.region"() ({
      %run_scoped3A = tpu.sem_alloc : memref<!tpu.dma_semaphore, #tpu.memory_space<semaphore_mem>>
      %dma_start3A_64 = tpu.memref_slice %arg3[%multiple_of3A_25] : memref<323584xi32, #tpu.memory_space<hbm>> -> memref<128xi32, #tpu.memory_space<hbm>>
      %dma_start3A_65 = tpu.memref_slice %arg3[%multiple_of3A_25] : memref<323584xi32, #tpu.memory_space<hbm>> -> memref<128xi32, #tpu.memory_space<hbm>>
      tpu.enqueue_dma source(%dma_start3A_65 : memref<128xi32, #tpu.memory_space<hbm>>) target(%arg6 : memref<128xi32, #tpu.memory_space<vmem>>) target_semaphore(%run_scoped3A : memref<!tpu.dma_semaphore, #tpu.memory_space<semaphore_mem>>)
      %dma_wait3A_66 = tpu.memref_slice %arg3[%multiple_of3A_25] : memref<323584xi32, #tpu.memory_space<hbm>> -> memref<128xi32, #tpu.memory_space<hbm>>
      %dma_wait3A_67 = tpu.memref_slice %arg3[%multiple_of3A_25] : memref<323584xi32, #tpu.memory_space<hbm>> -> memref<128xi32, #tpu.memory_space<hbm>>
      tpu.wait_dma2 semaphore(%run_scoped3A : memref<!tpu.dma_semaphore, #tpu.memory_space<semaphore_mem>>) src(%dma_wait3A_67 : memref<128xi32, #tpu.memory_space<hbm>>) dst(%arg6 : memref<128xi32, #tpu.memory_space<vmem>>)
      tpu.yield
    }) : () -> ()
    %add3A_26 = arith.constant 0 : i32
    %add3A_27 = arith.addi %mul3A_22, %add3A_26 : i32
    %multiple_of3A_28 = tpu.assume_multiple %add3A_27, 8 : i32
    "tpu.region"() ({
      %run_scoped3A = tpu.sem_alloc : memref<!tpu.dma_semaphore, #tpu.memory_space<semaphore_mem>>
      %dma_start3A_64 = tpu.memref_slice %arg4[%multiple_of3A_28] : memref<323584xi32, #tpu.memory_space<hbm>> -> memref<128xi32, #tpu.memory_space<hbm>>
      %dma_start3A_65 = tpu.memref_slice %arg4[%multiple_of3A_28] : memref<323584xi32, #tpu.memory_space<hbm>> -> memref<128xi32, #tpu.memory_space<hbm>>
      tpu.enqueue_dma source(%dma_start3A_65 : memref<128xi32, #tpu.memory_space<hbm>>) target(%arg7 : memref<128xi32, #tpu.memory_space<vmem>>) target_semaphore(%run_scoped3A : memref<!tpu.dma_semaphore, #tpu.memory_space<semaphore_mem>>)
      %dma_wait3A_66 = tpu.memref_slice %arg4[%multiple_of3A_28] : memref<323584xi32, #tpu.memory_space<hbm>> -> memref<128xi32, #tpu.memory_space<hbm>>
      %dma_wait3A_67 = tpu.memref_slice %arg4[%multiple_of3A_28] : memref<323584xi32, #tpu.memory_space<hbm>> -> memref<128xi32, #tpu.memory_space<hbm>>
      tpu.wait_dma2 semaphore(%run_scoped3A : memref<!tpu.dma_semaphore, #tpu.memory_space<semaphore_mem>>) src(%dma_wait3A_67 : memref<128xi32, #tpu.memory_space<hbm>>) dst(%arg7 : memref<128xi32, #tpu.memory_space<vmem>>)
      tpu.yield
    }) : () -> ()
    %add3A_29 = arith.constant 128 : i32
    %add3A_30 = arith.addi %mul3A_22, %add3A_29 : i32
    %multiple_of3A_31 = tpu.assume_multiple %add3A_30, 8 : i32
    %dma_start3A = tpu.memref_slice %arg3[%multiple_of3A_31] : memref<323584xi32, #tpu.memory_space<hbm>> -> memref<128xi32, #tpu.memory_space<hbm>>
    %dma_start3A_32 = tpu.memref_slice %arg3[%multiple_of3A_31] : memref<323584xi32, #tpu.memory_space<hbm>> -> memref<128xi32, #tpu.memory_space<hbm>>
    tpu.enqueue_dma source(%dma_start3A_32 : memref<128xi32, #tpu.memory_space<hbm>>) target(%arg8 : memref<128xi32, #tpu.memory_space<vmem>>) target_semaphore(%arg16 : memref<!tpu.dma_semaphore, #tpu.memory_space<semaphore_mem>>)
    %add3A_33 = arith.constant 128 : i32
    %add3A_34 = arith.addi %mul3A_22, %add3A_33 : i32
    %multiple_of3A_35 = tpu.assume_multiple %add3A_34, 8 : i32
    %dma_start3A_36 = tpu.memref_slice %arg4[%multiple_of3A_35] : memref<323584xi32, #tpu.memory_space<hbm>> -> memref<128xi32, #tpu.memory_space<hbm>>
    %dma_start3A_37 = tpu.memref_slice %arg4[%multiple_of3A_35] : memref<323584xi32, #tpu.memory_space<hbm>> -> memref<128xi32, #tpu.memory_space<hbm>>
    tpu.enqueue_dma source(%dma_start3A_37 : memref<128xi32, #tpu.memory_space<hbm>>) target(%arg9 : memref<128xi32, #tpu.memory_space<vmem>>) target_semaphore(%arg16 : memref<!tpu.dma_semaphore, #tpu.memory_space<semaphore_mem>>)
    %dma_start3A_38 = arith.constant 0 : i32
    %dma_start3A_39 = arith.constant 0 : i32
    %dma_start3A_40 = tpu.memref_slice %arg2[%dma_start3A_38, %dma_start3A_39] : memref<10000x128xf32, #tpu.memory_space<hbm>> -> memref<10000x128xf32, #tpu.memory_space<hbm>>
    tpu.enqueue_indirect_dma source(%dma_start3A_40 : memref<10000x128xf32, #tpu.memory_space<hbm>>) target(%arg10 : memref<128x128xf32, #tpu.memory_space<vmem>>) offsets(%arg6 : memref<128xi32, #tpu.memory_space<vmem>>) semaphore(%arg13 : memref<!tpu.dma_semaphore, #tpu.memory_space<semaphore_mem>>)
    %scan3A_41 = arith.constant 0 : i32
    %scan3A_42 = arith.constant 0 : i32
    %scan3A_43 = arith.constant 39 : i32
    %scan3A_44 = arith.addi %scan3A_42, %scan3A_43 : i32
    %scan3A_45 = arith.constant 1 : i32
    %scan3A_46 = scf.for %scan3A_64 = %scan3A_42 to %scan3A_44 step %scan3A_45 iter_args(%scan3A_65 = %scan3A_41) -> (i32)  : i32 {
      %mul3A_66 = arith.constant 2 : i32
      %mul3A_67 = arith.muli %mul3A_66, %scan3A_64 : i32
      %add3A_68 = arith.constant 2 : i32
      %add3A_69 = arith.addi %mul3A_67, %add3A_68 : i32
      %min3A = arith.constant 78 : i32
      %min3A_70 = arith.minsi %add3A_69, %min3A : i32
      %add3A_71 = arith.constant 3 : i32
      %add3A_72 = arith.addi %mul3A_67, %add3A_71 : i32
      %min3A_73 = arith.constant 78 : i32
      %min3A_74 = arith.minsi %add3A_72, %min3A_73 : i32
      %add3A_75 = arith.constant 1 : i32
      %add3A_76 = arith.addi %mul3A_67, %add3A_75 : i32
      %mul3A_77 = arith.constant 128 : i32
      %mul3A_78 = arith.muli %add3A_76, %mul3A_77 : i32
      %add3A_79 = arith.addi %mul3A_22, %mul3A_78 : i32
      %multiple_of3A_80 = tpu.assume_multiple %add3A_79, 8 : i32
      %dma_wait3A_81 = tpu.memref_slice %arg3[%multiple_of3A_80] : memref<323584xi32, #tpu.memory_space<hbm>> -> memref<128xi32, #tpu.memory_space<hbm>>
      %dma_wait3A_82 = tpu.memref_slice %arg3[%multiple_of3A_80] : memref<323584xi32, #tpu.memory_space<hbm>> -> memref<128xi32, #tpu.memory_space<hbm>>
      tpu.wait_dma2 semaphore(%arg16 : memref<!tpu.dma_semaphore, #tpu.memory_space<semaphore_mem>>) src(%dma_wait3A_82 : memref<128xi32, #tpu.memory_space<hbm>>) dst(%arg8 : memref<128xi32, #tpu.memory_space<vmem>>)
      %mul3A_83 = arith.constant 128 : i32
      %mul3A_84 = arith.muli %add3A_76, %mul3A_83 : i32
      %add3A_85 = arith.addi %mul3A_22, %mul3A_84 : i32
      %multiple_of3A_86 = tpu.assume_multiple %add3A_85, 8 : i32
      %dma_wait3A_87 = tpu.memref_slice %arg4[%multiple_of3A_86] : memref<323584xi32, #tpu.memory_space<hbm>> -> memref<128xi32, #tpu.memory_space<hbm>>
      %dma_wait3A_88 = tpu.memref_slice %arg4[%multiple_of3A_86] : memref<323584xi32, #tpu.memory_space<hbm>> -> memref<128xi32, #tpu.memory_space<hbm>>
      tpu.wait_dma2 semaphore(%arg16 : memref<!tpu.dma_semaphore, #tpu.memory_space<semaphore_mem>>) src(%dma_wait3A_88 : memref<128xi32, #tpu.memory_space<hbm>>) dst(%arg9 : memref<128xi32, #tpu.memory_space<vmem>>)
      %dma_start3A_89 = arith.constant 0 : i32
      %dma_start3A_90 = arith.constant 0 : i32
      %dma_start3A_91 = tpu.memref_slice %arg2[%dma_start3A_89, %dma_start3A_90] : memref<10000x128xf32, #tpu.memory_space<hbm>> -> memref<10000x128xf32, #tpu.memory_space<hbm>>
      tpu.enqueue_indirect_dma source(%dma_start3A_91 : memref<10000x128xf32, #tpu.memory_space<hbm>>) target(%arg11 : memref<128x128xf32, #tpu.memory_space<vmem>>) offsets(%arg8 : memref<128xi32, #tpu.memory_space<vmem>>) semaphore(%arg14 : memref<!tpu.dma_semaphore, #tpu.memory_space<semaphore_mem>>)
      %dma_wait3A_92 = arith.constant 0 : i32
      %dma_wait3A_93 = arith.constant 0 : i32
      %dma_wait3A_94 = tpu.memref_slice %arg2[%dma_wait3A_92, %dma_wait3A_93] : memref<10000x128xf32, #tpu.memory_space<hbm>> -> memref<10000x128xf32, #tpu.memory_space<hbm>>
      tpu.wait_indirect_dma semaphore(%arg13 : memref<!tpu.dma_semaphore, #tpu.memory_space<semaphore_mem>>) src(%dma_wait3A_94 : memref<10000x128xf32, #tpu.memory_space<hbm>>) dst(%arg10 : memref<128x128xf32, #tpu.memory_space<vmem>>)
      "tpu.region"() ({
        %run_scoped3A = tpu.sem_alloc : memref<!tpu.dma_semaphore, #tpu.memory_space<semaphore_mem>>
        %dma_start3A_138 = arith.constant 0 : i32
        %dma_start3A_139 = arith.constant 0 : i32
        %dma_start3A_140 = tpu.memref_slice %arg12[%dma_start3A_138, %dma_start3A_139] : memref<10240x128xf32, #tpu.memory_space<vmem_shared>> -> memref<10240x128xf32, #tpu.memory_space<vmem_shared>>
        tpu.enqueue_indirect_dma source(%arg10 : memref<128x128xf32, #tpu.memory_space<vmem>>) target(%dma_start3A_140 : memref<10240x128xf32, #tpu.memory_space<vmem_shared>>) offsets(%arg7 : memref<128xi32, #tpu.memory_space<vmem>>) semaphore(%run_scoped3A : memref<!tpu.dma_semaphore, #tpu.memory_space<semaphore_mem>>) {add = true}
        %dma_wait3A_141 = arith.constant 0 : i32
        %dma_wait3A_142 = arith.constant 0 : i32
        %dma_wait3A_143 = tpu.memref_slice %arg12[%dma_wait3A_141, %dma_wait3A_142] : memref<10240x128xf32, #tpu.memory_space<vmem_shared>> -> memref<10240x128xf32, #tpu.memory_space<vmem_shared>>
        tpu.wait_indirect_dma semaphore(%run_scoped3A : memref<!tpu.dma_semaphore, #tpu.memory_space<semaphore_mem>>) src(%arg10 : memref<128x128xf32, #tpu.memory_space<vmem>>) dst(%dma_wait3A_143 : memref<10240x128xf32, #tpu.memory_space<vmem_shared>>)
        tpu.yield
      }) : () -> ()
      %mul3A_95 = arith.constant 128 : i32
      %mul3A_96 = arith.muli %min3A_70, %mul3A_95 : i32
      %add3A_97 = arith.addi %mul3A_22, %mul3A_96 : i32
      %multiple_of3A_98 = tpu.assume_multiple %add3A_97, 8 : i32
      %dma_start3A_99 = tpu.memref_slice %arg3[%multiple_of3A_98] : memref<323584xi32, #tpu.memory_space<hbm>> -> memref<128xi32, #tpu.memory_space<hbm>>
      %dma_start3A_100 = tpu.memref_slice %arg3[%multiple_of3A_98] : memref<323584xi32, #tpu.memory_space<hbm>> -> memref<128xi32, #tpu.memory_space<hbm>>
      tpu.enqueue_dma source(%dma_start3A_100 : memref<128xi32, #tpu.memory_space<hbm>>) target(%arg6 : memref<128xi32, #tpu.memory_space<vmem>>) target_semaphore(%arg15 : memref<!tpu.dma_semaphore, #tpu.memory_space<semaphore_mem>>)
      %mul3A_101 = arith.constant 128 : i32
      %mul3A_102 = arith.muli %min3A_70, %mul3A_101 : i32
      %add3A_103 = arith.addi %mul3A_22, %mul3A_102 : i32
      %multiple_of3A_104 = tpu.assume_multiple %add3A_103, 8 : i32
      %dma_start3A_105 = tpu.memref_slice %arg4[%multiple_of3A_104] : memref<323584xi32, #tpu.memory_space<hbm>> -> memref<128xi32, #tpu.memory_space<hbm>>
      %dma_start3A_106 = tpu.memref_slice %arg4[%multiple_of3A_104] : memref<323584xi32, #tpu.memory_space<hbm>> -> memref<128xi32, #tpu.memory_space<hbm>>
      tpu.enqueue_dma source(%dma_start3A_106 : memref<128xi32, #tpu.memory_space<hbm>>) target(%arg7 : memref<128xi32, #tpu.memory_space<vmem>>) target_semaphore(%arg15 : memref<!tpu.dma_semaphore, #tpu.memory_space<semaphore_mem>>)
      %dma_wait3A_107 = arith.constant 0 : i32
      %dma_wait3A_108 = arith.constant 0 : i32
      %dma_wait3A_109 = tpu.memref_slice %arg2[%dma_wait3A_107, %dma_wait3A_108] : memref<10000x128xf32, #tpu.memory_space<hbm>> -> memref<10000x128xf32, #tpu.memory_space<hbm>>
      tpu.wait_indirect_dma semaphore(%arg14 : memref<!tpu.dma_semaphore, #tpu.memory_space<semaphore_mem>>) src(%dma_wait3A_109 : memref<10000x128xf32, #tpu.memory_space<hbm>>) dst(%arg11 : memref<128x128xf32, #tpu.memory_space<vmem>>)
      "tpu.region"() ({
        %run_scoped3A = tpu.sem_alloc : memref<!tpu.dma_semaphore, #tpu.memory_space<semaphore_mem>>
        %dma_start3A_138 = arith.constant 0 : i32
        %dma_start3A_139 = arith.constant 0 : i32
        %dma_start3A_140 = tpu.memref_slice %arg12[%dma_start3A_138, %dma_start3A_139] : memref<10240x128xf32, #tpu.memory_space<vmem_shared>> -> memref<10240x128xf32, #tpu.memory_space<vmem_shared>>
        tpu.enqueue_indirect_dma source(%arg11 : memref<128x128xf32, #tpu.memory_space<vmem>>) target(%dma_start3A_140 : memref<10240x128xf32, #tpu.memory_space<vmem_shared>>) offsets(%arg9 : memref<128xi32, #tpu.memory_space<vmem>>) semaphore(%run_scoped3A : memref<!tpu.dma_semaphore, #tpu.memory_space<semaphore_mem>>) {add = true}
        %dma_wait3A_141 = arith.constant 0 : i32
        %dma_wait3A_142 = arith.constant 0 : i32
        %dma_wait3A_143 = tpu.memref_slice %arg12[%dma_wait3A_141, %dma_wait3A_142] : memref<10240x128xf32, #tpu.memory_space<vmem_shared>> -> memref<10240x128xf32, #tpu.memory_space<vmem_shared>>
        tpu.wait_indirect_dma semaphore(%run_scoped3A : memref<!tpu.dma_semaphore, #tpu.memory_space<semaphore_mem>>) src(%arg11 : memref<128x128xf32, #tpu.memory_space<vmem>>) dst(%dma_wait3A_143 : memref<10240x128xf32, #tpu.memory_space<vmem_shared>>)
        tpu.yield
      }) : () -> ()
      %mul3A_110 = arith.constant 128 : i32
      %mul3A_111 = arith.muli %min3A_74, %mul3A_110 : i32
      %add3A_112 = arith.addi %mul3A_22, %mul3A_111 : i32
      %multiple_of3A_113 = tpu.assume_multiple %add3A_112, 8 : i32
      %dma_start3A_114 = tpu.memref_slice %arg3[%multiple_of3A_113] : memref<323584xi32, #tpu.memory_space<hbm>> -> memref<128xi32, #tpu.memory_space<hbm>>
      %dma_start3A_115 = tpu.memref_slice %arg3[%multiple_of3A_113] : memref<323584xi32, #tpu.memory_space<hbm>> -> memref<128xi32, #tpu.memory_space<hbm>>
      tpu.enqueue_dma source(%dma_start3A_115 : memref<128xi32, #tpu.memory_space<hbm>>) target(%arg8 : memref<128xi32, #tpu.memory_space<vmem>>) target_semaphore(%arg16 : memref<!tpu.dma_semaphore, #tpu.memory_space<semaphore_mem>>)
      %mul3A_116 = arith.constant 128 : i32
      %mul3A_117 = arith.muli %min3A_74, %mul3A_116 : i32
      %add3A_118 = arith.addi %mul3A_22, %mul3A_117 : i32
      %multiple_of3A_119 = tpu.assume_multiple %add3A_118, 8 : i32
      %dma_start3A_120 = tpu.memref_slice %arg4[%multiple_of3A_119] : memref<323584xi32, #tpu.memory_space<hbm>> -> memref<128xi32, #tpu.memory_space<hbm>>
      %dma_start3A_121 = tpu.memref_slice %arg4[%multiple_of3A_119] : memref<323584xi32, #tpu.memory_space<hbm>> -> memref<128xi32, #tpu.memory_space<hbm>>
      tpu.enqueue_dma source(%dma_start3A_121 : memref<128xi32, #tpu.memory_space<hbm>>) target(%arg9 : memref<128xi32, #tpu.memory_space<vmem>>) target_semaphore(%arg16 : memref<!tpu.dma_semaphore, #tpu.memory_space<semaphore_mem>>)
      %mul3A_122 = arith.constant 128 : i32
      %mul3A_123 = arith.muli %min3A_70, %mul3A_122 : i32
      %add3A_124 = arith.addi %mul3A_22, %mul3A_123 : i32
      %multiple_of3A_125 = tpu.assume_multiple %add3A_124, 8 : i32
      %dma_wait3A_126 = tpu.memref_slice %arg3[%multiple_of3A_125] : memref<323584xi32, #tpu.memory_space<hbm>> -> memref<128xi32, #tpu.memory_space<hbm>>
      %dma_wait3A_127 = tpu.memref_slice %arg3[%multiple_of3A_125] : memref<323584xi32, #tpu.memory_space<hbm>> -> memref<128xi32, #tpu.memory_space<hbm>>
      tpu.wait_dma2 semaphore(%arg15 : memref<!tpu.dma_semaphore, #tpu.memory_space<semaphore_mem>>) src(%dma_wait3A_127 : memref<128xi32, #tpu.memory_space<hbm>>) dst(%arg6 : memref<128xi32, #tpu.memory_space<vmem>>)
      %mul3A_128 = arith.constant 128 : i32
      %mul3A_129 = arith.muli %min3A_70, %mul3A_128 : i32
      %add3A_130 = arith.addi %mul3A_22, %mul3A_129 : i32
      %multiple_of3A_131 = tpu.assume_multiple %add3A_130, 8 : i32
      %dma_wait3A_132 = tpu.memref_slice %arg4[%multiple_of3A_131] : memref<323584xi32, #tpu.memory_space<hbm>> -> memref<128xi32, #tpu.memory_space<hbm>>
      %dma_wait3A_133 = tpu.memref_slice %arg4[%multiple_of3A_131] : memref<323584xi32, #tpu.memory_space<hbm>> -> memref<128xi32, #tpu.memory_space<hbm>>
      tpu.wait_dma2 semaphore(%arg15 : memref<!tpu.dma_semaphore, #tpu.memory_space<semaphore_mem>>) src(%dma_wait3A_133 : memref<128xi32, #tpu.memory_space<hbm>>) dst(%arg7 : memref<128xi32, #tpu.memory_space<vmem>>)
      %dma_start3A_134 = arith.constant 0 : i32
      %dma_start3A_135 = arith.constant 0 : i32
      %dma_start3A_136 = tpu.memref_slice %arg2[%dma_start3A_134, %dma_start3A_135] : memref<10000x128xf32, #tpu.memory_space<hbm>> -> memref<10000x128xf32, #tpu.memory_space<hbm>>
      tpu.enqueue_indirect_dma source(%dma_start3A_136 : memref<10000x128xf32, #tpu.memory_space<hbm>>) target(%arg10 : memref<128x128xf32, #tpu.memory_space<vmem>>) offsets(%arg6 : memref<128xi32, #tpu.memory_space<vmem>>) semaphore(%arg13 : memref<!tpu.dma_semaphore, #tpu.memory_space<semaphore_mem>>)
      %scan3A_137 = arith.constant 0 : i32
      scf.yield %scan3A_137 : i32
    }
    %scan3A_47 = arith.constant 39 : i32
    %add3A_48 = arith.constant 9984 : i32
    %add3A_49 = arith.addi %mul3A_22, %add3A_48 : i32
    %multiple_of3A_50 = tpu.assume_multiple %add3A_49, 8 : i32
    %dma_wait3A = tpu.memref_slice %arg3[%multiple_of3A_50] : memref<323584xi32, #tpu.memory_space<hbm>> -> memref<128xi32, #tpu.memory_space<hbm>>
    %dma_wait3A_51 = tpu.memref_slice %arg3[%multiple_of3A_50] : memref<323584xi32, #tpu.memory_space<hbm>> -> memref<128xi32, #tpu.memory_space<hbm>>
    tpu.wait_dma2 semaphore(%arg16 : memref<!tpu.dma_semaphore, #tpu.memory_space<semaphore_mem>>) src(%dma_wait3A_51 : memref<128xi32, #tpu.memory_space<hbm>>) dst(%arg8 : memref<128xi32, #tpu.memory_space<vmem>>)
    %add3A_52 = arith.constant 9984 : i32
    %add3A_53 = arith.addi %mul3A_22, %add3A_52 : i32
    %multiple_of3A_54 = tpu.assume_multiple %add3A_53, 8 : i32
    %dma_wait3A_55 = tpu.memref_slice %arg4[%multiple_of3A_54] : memref<323584xi32, #tpu.memory_space<hbm>> -> memref<128xi32, #tpu.memory_space<hbm>>
    %dma_wait3A_56 = tpu.memref_slice %arg4[%multiple_of3A_54] : memref<323584xi32, #tpu.memory_space<hbm>> -> memref<128xi32, #tpu.memory_space<hbm>>
    tpu.wait_dma2 semaphore(%arg16 : memref<!tpu.dma_semaphore, #tpu.memory_space<semaphore_mem>>) src(%dma_wait3A_56 : memref<128xi32, #tpu.memory_space<hbm>>) dst(%arg9 : memref<128xi32, #tpu.memory_space<vmem>>)
    %dma_wait3A_57 = arith.constant 0 : i32
    %dma_wait3A_58 = arith.constant 0 : i32
    %dma_wait3A_59 = tpu.memref_slice %arg2[%dma_wait3A_57, %dma_wait3A_58] : memref<10000x128xf32, #tpu.memory_space<hbm>> -> memref<10000x128xf32, #tpu.memory_space<hbm>>
    tpu.wait_indirect_dma semaphore(%arg13 : memref<!tpu.dma_semaphore, #tpu.memory_space<semaphore_mem>>) src(%dma_wait3A_59 : memref<10000x128xf32, #tpu.memory_space<hbm>>) dst(%arg10 : memref<128x128xf32, #tpu.memory_space<vmem>>)
    "tpu.region"() ({
      %run_scoped3A = tpu.sem_alloc : memref<!tpu.dma_semaphore, #tpu.memory_space<semaphore_mem>>
      %dma_start3A_64 = arith.constant 0 : i32
      %dma_start3A_65 = arith.constant 0 : i32
      %dma_start3A_66 = tpu.memref_slice %arg12[%dma_start3A_64, %dma_start3A_65] : memref<10240x128xf32, #tpu.memory_space<vmem_shared>> -> memref<10240x128xf32, #tpu.memory_space<vmem_shared>>
      tpu.enqueue_indirect_dma source(%arg10 : memref<128x128xf32, #tpu.memory_space<vmem>>) target(%dma_start3A_66 : memref<10240x128xf32, #tpu.memory_space<vmem_shared>>) offsets(%arg7 : memref<128xi32, #tpu.memory_space<vmem>>) semaphore(%run_scoped3A : memref<!tpu.dma_semaphore, #tpu.memory_space<semaphore_mem>>) {add = true}
      %dma_wait3A_67 = arith.constant 0 : i32
      %dma_wait3A_68 = arith.constant 0 : i32
      %dma_wait3A_69 = tpu.memref_slice %arg12[%dma_wait3A_67, %dma_wait3A_68] : memref<10240x128xf32, #tpu.memory_space<vmem_shared>> -> memref<10240x128xf32, #tpu.memory_space<vmem_shared>>
      tpu.wait_indirect_dma semaphore(%run_scoped3A : memref<!tpu.dma_semaphore, #tpu.memory_space<semaphore_mem>>) src(%arg10 : memref<128x128xf32, #tpu.memory_space<vmem>>) dst(%dma_wait3A_69 : memref<10240x128xf32, #tpu.memory_space<vmem_shared>>)
      tpu.yield
    }) : () -> ()
    %barrier3A_60 = arith.constant 0 : index
    tpu.barrier barrier_id(%barrier3A_60)
    %mul3A_61 = arith.constant 640 : i32
    %mul3A_62 = arith.muli %arg1, %mul3A_61 : i32
    %multiple_of3A_63 = tpu.assume_multiple %mul3A_62, 8 : i32
    "tpu.region"() ({
      %run_scoped3A = tpu.sem_alloc : memref<!tpu.dma_semaphore, #tpu.memory_space<semaphore_mem>>
      %dma_start3A_64 = arith.constant 0 : i32
      %dma_start3A_65 = arith.constant 0 : i32
      %dma_start3A_66 = tpu.memref_slice %arg5[%arg0, %dma_start3A_64, %dma_start3A_65] : memref<2x10240x128xf32, #tpu.memory_space<hbm>> -> memref<1x10240x128xf32, #tpu.memory_space<hbm>>
      %dma_start3A_67 = tpu.memref_squeeze %dma_start3A_66 : memref<1x10240x128xf32, #tpu.memory_space<hbm>> -> memref<10240x128xf32, #tpu.memory_space<hbm>>
      %dma_start3A_68 = arith.constant 0 : i32
      %dma_start3A_69 = tpu.memref_slice %dma_start3A_67[%multiple_of3A_63, %dma_start3A_68] : memref<10240x128xf32, #tpu.memory_space<hbm>> -> memref<640x128xf32, #tpu.memory_space<hbm>>
      %dma_start3A_70 = arith.constant 0 : i32
      %dma_start3A_71 = tpu.memref_slice %arg12[%multiple_of3A_63, %dma_start3A_70] : memref<10240x128xf32, #tpu.memory_space<vmem_shared>> -> memref<640x128xf32, #tpu.memory_space<vmem_shared>>
      tpu.enqueue_dma source(%dma_start3A_71 : memref<640x128xf32, #tpu.memory_space<vmem_shared>>) target(%dma_start3A_69 : memref<640x128xf32, #tpu.memory_space<hbm>>) target_semaphore(%run_scoped3A : memref<!tpu.dma_semaphore, #tpu.memory_space<semaphore_mem>>)
      %dma_wait3A_72 = arith.constant 0 : i32
      %dma_wait3A_73 = arith.constant 0 : i32
      %dma_wait3A_74 = tpu.memref_slice %arg5[%arg0, %dma_wait3A_72, %dma_wait3A_73] : memref<2x10240x128xf32, #tpu.memory_space<hbm>> -> memref<1x10240x128xf32, #tpu.memory_space<hbm>>
      %dma_wait3A_75 = tpu.memref_squeeze %dma_wait3A_74 : memref<1x10240x128xf32, #tpu.memory_space<hbm>> -> memref<10240x128xf32, #tpu.memory_space<hbm>>
      %dma_wait3A_76 = arith.constant 0 : i32
      %dma_wait3A_77 = tpu.memref_slice %dma_wait3A_75[%multiple_of3A_63, %dma_wait3A_76] : memref<10240x128xf32, #tpu.memory_space<hbm>> -> memref<640x128xf32, #tpu.memory_space<hbm>>
      %dma_wait3A_78 = arith.constant 0 : i32
      %dma_wait3A_79 = tpu.memref_slice %arg12[%multiple_of3A_63, %dma_wait3A_78] : memref<10240x128xf32, #tpu.memory_space<vmem_shared>> -> memref<640x128xf32, #tpu.memory_space<vmem_shared>>
      tpu.wait_dma2 semaphore(%run_scoped3A : memref<!tpu.dma_semaphore, #tpu.memory_space<semaphore_mem>>) src(%dma_wait3A_79 : memref<640x128xf32, #tpu.memory_space<vmem_shared>>) dst(%dma_wait3A_77 : memref<640x128xf32, #tpu.memory_space<hbm>>)
      tpu.yield
    }) : () -> ()
    return
  }
}

#map = affine_map<(d0, d1) -> (0, 0, 0)>
#map1 = affine_map<(d0, d1) -> (0)>
module attributes {stable_mosaic.version = 14 : i64} {
  func.func @_sc_segsum_feat(%arg0: i32, %arg1: i32, %arg2: memref<2x10000x128xf32, #tpu.memory_space<hbm>>, %arg3: memref<323584xi32, #tpu.memory_space<hbm>>, %arg4: memref<323584xi32, #tpu.memory_space<hbm>>, %arg5: memref<2x10240x128xf32, #tpu.memory_space<hbm>>, %arg6: memref<128xi32, #tpu.memory_space<vmem>>, %arg7: memref<128xi32, #tpu.memory_space<vmem>>, %arg8: memref<128xi32, #tpu.memory_space<vmem>>, %arg9: memref<128xi32, #tpu.memory_space<vmem>>, %arg10: memref<128x128xf32, #tpu.memory_space<vmem>>, %arg11: memref<128x128xf32, #tpu.memory_space<vmem>>, %arg12: memref<10240x128xf32, #tpu.memory_space<vmem_shared>>, %arg13: memref<!tpu.dma_semaphore, #tpu.memory_space<semaphore_mem>>, %arg14: memref<!tpu.dma_semaphore, #tpu.memory_space<semaphore_mem>>, %arg15: memref<!tpu.dma_semaphore, #tpu.memory_space<semaphore_mem>>, %arg16: memref<!tpu.dma_semaphore, #tpu.memory_space<semaphore_mem>>) attributes {dimension_semantics = [#tpu.dimension_semantics<core_parallel>, #tpu.dimension_semantics<subcore_parallel>], iteration_bounds = array<i64: 2, 16>, scalar_prefetch = 0 : i64, scratch_operands = 11 : i64, tpu.core_type = #tpu.core_type<sc_vector_subcore>, window_params = [{transform_indices = #map}, {transform_indices = #map1}, {transform_indices = #map1}, {transform_indices = #map}]} {
    %scan3A = arith.constant 0 : i32
    %scan3A_0 = arith.constant 0 : i32
    %scan3A_1 = arith.constant 128 : i32
    %scan3A_2 = arith.addi %scan3A_0, %scan3A_1 : i32
    %scan3A_3 = arith.constant 1 : i32
    %scan3A_4 = scf.for %scan3A_69 = %scan3A_0 to %scan3A_2 step %scan3A_3 iter_args(%scan3A_70 = %scan3A) -> (i32)  : i32 {
      %broadcast_in_dim3A = arith.constant 0.000000e+00 : f32
      %broadcast_in_dim3A_71 = vector.broadcast %broadcast_in_dim3A : f32 to vector<16xf32>
      %swap3A = arith.index_cast %scan3A_69 : i32 to index
      %swap3A_72 = arith.constant 0 : index
      %swap3A_73 = tpu.vector_load %arg10[%swap3A, %swap3A_72] {strides = array<i32>} : memref<128x128xf32, #tpu.memory_space<vmem>>, vector<1x16xf32>,
      %swap3A_74 = vector.shape_cast %swap3A_73 : vector<1x16xf32> to vector<16xf32>
      %swap3A_75 = vector.shape_cast %broadcast_in_dim3A_71 : vector<16xf32> to vector<1x16xf32>
      tpu.vector_store %arg10[%swap3A, %swap3A_72], %swap3A_75 {strides = array<i32>} : memref<128x128xf32, #tpu.memory_space<vmem>>, vector<1x16xf32>,
      %broadcast_in_dim3A_76 = arith.constant 0.000000e+00 : f32
      %broadcast_in_dim3A_77 = vector.broadcast %broadcast_in_dim3A_76 : f32 to vector<16xf32>
      %swap3A_78 = arith.index_cast %scan3A_69 : i32 to index
      %swap3A_79 = arith.constant 16 : index
      %swap3A_80 = tpu.vector_load %arg10[%swap3A_78, %swap3A_79] {strides = array<i32>} : memref<128x128xf32, #tpu.memory_space<vmem>>, vector<1x16xf32>,
      %swap3A_81 = vector.shape_cast %swap3A_80 : vector<1x16xf32> to vector<16xf32>
      %swap3A_82 = vector.shape_cast %broadcast_in_dim3A_77 : vector<16xf32> to vector<1x16xf32>
      tpu.vector_store %arg10[%swap3A_78, %swap3A_79], %swap3A_82 {strides = array<i32>} : memref<128x128xf32, #tpu.memory_space<vmem>>, vector<1x16xf32>,
      %broadcast_in_dim3A_83 = arith.constant 0.000000e+00 : f32
      %broadcast_in_dim3A_84 = vector.broadcast %broadcast_in_dim3A_83 : f32 to vector<16xf32>
      %swap3A_85 = arith.index_cast %scan3A_69 : i32 to index
      %swap3A_86 = arith.constant 32 : index
      %swap3A_87 = tpu.vector_load %arg10[%swap3A_85, %swap3A_86] {strides = array<i32>} : memref<128x128xf32, #tpu.memory_space<vmem>>, vector<1x16xf32>,
      %swap3A_88 = vector.shape_cast %swap3A_87 : vector<1x16xf32> to vector<16xf32>
      %swap3A_89 = vector.shape_cast %broadcast_in_dim3A_84 : vector<16xf32> to vector<1x16xf32>
      tpu.vector_store %arg10[%swap3A_85, %swap3A_86], %swap3A_89 {strides = array<i32>} : memref<128x128xf32, #tpu.memory_space<vmem>>, vector<1x16xf32>,
      %broadcast_in_dim3A_90 = arith.constant 0.000000e+00 : f32
      %broadcast_in_dim3A_91 = vector.broadcast %broadcast_in_dim3A_90 : f32 to vector<16xf32>
      %swap3A_92 = arith.index_cast %scan3A_69 : i32 to index
      %swap3A_93 = arith.constant 48 : index
      %swap3A_94 = tpu.vector_load %arg10[%swap3A_92, %swap3A_93] {strides = array<i32>} : memref<128x128xf32, #tpu.memory_space<vmem>>, vector<1x16xf32>,
      %swap3A_95 = vector.shape_cast %swap3A_94 : vector<1x16xf32> to vector<16xf32>
      %swap3A_96 = vector.shape_cast %broadcast_in_dim3A_91 : vector<16xf32> to vector<1x16xf32>
      tpu.vector_store %arg10[%swap3A_92, %swap3A_93], %swap3A_96 {strides = array<i32>} : memref<128x128xf32, #tpu.memory_space<vmem>>, vector<1x16xf32>,
      %broadcast_in_dim3A_97 = arith.constant 0.000000e+00 : f32
      %broadcast_in_dim3A_98 = vector.broadcast %broadcast_in_dim3A_97 : f32 to vector<16xf32>
      %swap3A_99 = arith.index_cast %scan3A_69 : i32 to index
      %swap3A_100 = arith.constant 64 : index
      %swap3A_101 = tpu.vector_load %arg10[%swap3A_99, %swap3A_100] {strides = array<i32>} : memref<128x128xf32, #tpu.memory_space<vmem>>, vector<1x16xf32>,
      %swap3A_102 = vector.shape_cast %swap3A_101 : vector<1x16xf32> to vector<16xf32>
      %swap3A_103 = vector.shape_cast %broadcast_in_dim3A_98 : vector<16xf32> to vector<1x16xf32>
      tpu.vector_store %arg10[%swap3A_99, %swap3A_100], %swap3A_103 {strides = array<i32>} : memref<128x128xf32, #tpu.memory_space<vmem>>, vector<1x16xf32>,
      %broadcast_in_dim3A_104 = arith.constant 0.000000e+00 : f32
      %broadcast_in_dim3A_105 = vector.broadcast %broadcast_in_dim3A_104 : f32 to vector<16xf32>
      %swap3A_106 = arith.index_cast %scan3A_69 : i32 to index
      %swap3A_107 = arith.constant 80 : index
      %swap3A_108 = tpu.vector_load %arg10[%swap3A_106, %swap3A_107] {strides = array<i32>} : memref<128x128xf32, #tpu.memory_space<vmem>>, vector<1x16xf32>,
      %swap3A_109 = vector.shape_cast %swap3A_108 : vector<1x16xf32> to vector<16xf32>
      %swap3A_110 = vector.shape_cast %broadcast_in_dim3A_105 : vector<16xf32> to vector<1x16xf32>
      tpu.vector_store %arg10[%swap3A_106, %swap3A_107], %swap3A_110 {strides = array<i32>} : memref<128x128xf32, #tpu.memory_space<vmem>>, vector<1x16xf32>,
      %broadcast_in_dim3A_111 = arith.constant 0.000000e+00 : f32
      %broadcast_in_dim3A_112 = vector.broadcast %broadcast_in_dim3A_111 : f32 to vector<16xf32>
      %swap3A_113 = arith.index_cast %scan3A_69 : i32 to index
      %swap3A_114 = arith.constant 96 : index
      %swap3A_115 = tpu.vector_load %arg10[%swap3A_113, %swap3A_114] {strides = array<i32>} : memref<128x128xf32, #tpu.memory_space<vmem>>, vector<1x16xf32>,
      %swap3A_116 = vector.shape_cast %swap3A_115 : vector<1x16xf32> to vector<16xf32>
      %swap3A_117 = vector.shape_cast %broadcast_in_dim3A_112 : vector<16xf32> to vector<1x16xf32>
      tpu.vector_store %arg10[%swap3A_113, %swap3A_114], %swap3A_117 {strides = array<i32>} : memref<128x128xf32, #tpu.memory_space<vmem>>, vector<1x16xf32>,
      %broadcast_in_dim3A_118 = arith.constant 0.000000e+00 : f32
      %broadcast_in_dim3A_119 = vector.broadcast %broadcast_in_dim3A_118 : f32 to vector<16xf32>
      %swap3A_120 = arith.index_cast %scan3A_69 : i32 to index
      %swap3A_121 = arith.constant 112 : index
      %swap3A_122 = tpu.vector_load %arg10[%swap3A_120, %swap3A_121] {strides = array<i32>} : memref<128x128xf32, #tpu.memory_space<vmem>>, vector<1x16xf32>,
      %swap3A_123 = vector.shape_cast %swap3A_122 : vector<1x16xf32> to vector<16xf32>
      %swap3A_124 = vector.shape_cast %broadcast_in_dim3A_119 : vector<16xf32> to vector<1x16xf32>
      tpu.vector_store %arg10[%swap3A_120, %swap3A_121], %swap3A_124 {strides = array<i32>} : memref<128x128xf32, #tpu.memory_space<vmem>>, vector<1x16xf32>,
      %scan3A_125 = arith.constant 0 : i32
      scf.yield %scan3A_125 : i32
    }
    %scan3A_5 = arith.constant 128 : i32
    %mul3A = arith.constant 640 : i32
    %mul3A_6 = arith.muli %arg1, %mul3A : i32
    %multiple_of3A = tpu.assume_multiple %mul3A_6, 8 : i32
    %add3A = arith.constant 0 : i32
    %add3A_7 = arith.addi %multiple_of3A, %add3A : i32
    "tpu.region"() ({
      %run_scoped3A = tpu.sem_alloc : memref<!tpu.dma_semaphore, #tpu.memory_space<semaphore_mem>>
      %dma_start3A_69 = arith.constant 0 : i32
      %dma_start3A_70 = tpu.memref_slice %arg12[%add3A_7, %dma_start3A_69] : memref<10240x128xf32, #tpu.memory_space<vmem_shared>> -> memref<128x128xf32, #tpu.memory_space<vmem_shared>>
      %dma_start3A_71 = arith.constant 0 : i32
      %dma_start3A_72 = tpu.memref_slice %arg12[%add3A_7, %dma_start3A_71] : memref<10240x128xf32, #tpu.memory_space<vmem_shared>> -> memref<128x128xf32, #tpu.memory_space<vmem_shared>>
      tpu.enqueue_dma source(%arg10 : memref<128x128xf32, #tpu.memory_space<vmem>>) target(%dma_start3A_72 : memref<128x128xf32, #tpu.memory_space<vmem_shared>>) target_semaphore(%run_scoped3A : memref<!tpu.dma_semaphore, #tpu.memory_space<semaphore_mem>>)
      %dma_wait3A_73 = arith.constant 0 : i32
      %dma_wait3A_74 = tpu.memref_slice %arg12[%add3A_7, %dma_wait3A_73] : memref<10240x128xf32, #tpu.memory_space<vmem_shared>> -> memref<128x128xf32, #tpu.memory_space<vmem_shared>>
      %dma_wait3A_75 = arith.constant 0 : i32
      %dma_wait3A_76 = tpu.memref_slice %arg12[%add3A_7, %dma_wait3A_75] : memref<10240x128xf32, #tpu.memory_space<vmem_shared>> -> memref<128x128xf32, #tpu.memory_space<vmem_shared>>
      tpu.wait_dma2 semaphore(%run_scoped3A : memref<!tpu.dma_semaphore, #tpu.memory_space<semaphore_mem>>) src(%arg10 : memref<128x128xf32, #tpu.memory_space<vmem>>) dst(%dma_wait3A_76 : memref<128x128xf32, #tpu.memory_space<vmem_shared>>)
      tpu.yield
    }) : () -> ()
    %add3A_8 = arith.constant 128 : i32
    %add3A_9 = arith.addi %multiple_of3A, %add3A_8 : i32
    "tpu.region"() ({
      %run_scoped3A = tpu.sem_alloc : memref<!tpu.dma_semaphore, #tpu.memory_space<semaphore_mem>>
      %dma_start3A_69 = arith.constant 0 : i32
      %dma_start3A_70 = tpu.memref_slice %arg12[%add3A_9, %dma_start3A_69] : memref<10240x128xf32, #tpu.memory_space<vmem_shared>> -> memref<128x128xf32, #tpu.memory_space<vmem_shared>>
      %dma_start3A_71 = arith.constant 0 : i32
      %dma_start3A_72 = tpu.memref_slice %arg12[%add3A_9, %dma_start3A_71] : memref<10240x128xf32, #tpu.memory_space<vmem_shared>> -> memref<128x128xf32, #tpu.memory_space<vmem_shared>>
      tpu.enqueue_dma source(%arg10 : memref<128x128xf32, #tpu.memory_space<vmem>>) target(%dma_start3A_72 : memref<128x128xf32, #tpu.memory_space<vmem_shared>>) target_semaphore(%run_scoped3A : memref<!tpu.dma_semaphore, #tpu.memory_space<semaphore_mem>>)
      %dma_wait3A_73 = arith.constant 0 : i32
      %dma_wait3A_74 = tpu.memref_slice %arg12[%add3A_9, %dma_wait3A_73] : memref<10240x128xf32, #tpu.memory_space<vmem_shared>> -> memref<128x128xf32, #tpu.memory_space<vmem_shared>>
      %dma_wait3A_75 = arith.constant 0 : i32
      %dma_wait3A_76 = tpu.memref_slice %arg12[%add3A_9, %dma_wait3A_75] : memref<10240x128xf32, #tpu.memory_space<vmem_shared>> -> memref<128x128xf32, #tpu.memory_space<vmem_shared>>
      tpu.wait_dma2 semaphore(%run_scoped3A : memref<!tpu.dma_semaphore, #tpu.memory_space<semaphore_mem>>) src(%arg10 : memref<128x128xf32, #tpu.memory_space<vmem>>) dst(%dma_wait3A_76 : memref<128x128xf32, #tpu.memory_space<vmem_shared>>)
      tpu.yield
    }) : () -> ()
    %add3A_10 = arith.constant 256 : i32
    %add3A_11 = arith.addi %multiple_of3A, %add3A_10 : i32
    "tpu.region"() ({
      %run_scoped3A = tpu.sem_alloc : memref<!tpu.dma_semaphore, #tpu.memory_space<semaphore_mem>>
      %dma_start3A_69 = arith.constant 0 : i32
      %dma_start3A_70 = tpu.memref_slice %arg12[%add3A_11, %dma_start3A_69] : memref<10240x128xf32, #tpu.memory_space<vmem_shared>> -> memref<128x128xf32, #tpu.memory_space<vmem_shared>>
      %dma_start3A_71 = arith.constant 0 : i32
      %dma_start3A_72 = tpu.memref_slice %arg12[%add3A_11, %dma_start3A_71] : memref<10240x128xf32, #tpu.memory_space<vmem_shared>> -> memref<128x128xf32, #tpu.memory_space<vmem_shared>>
      tpu.enqueue_dma source(%arg10 : memref<128x128xf32, #tpu.memory_space<vmem>>) target(%dma_start3A_72 : memref<128x128xf32, #tpu.memory_space<vmem_shared>>) target_semaphore(%run_scoped3A : memref<!tpu.dma_semaphore, #tpu.memory_space<semaphore_mem>>)
      %dma_wait3A_73 = arith.constant 0 : i32
      %dma_wait3A_74 = tpu.memref_slice %arg12[%add3A_11, %dma_wait3A_73] : memref<10240x128xf32, #tpu.memory_space<vmem_shared>> -> memref<128x128xf32, #tpu.memory_space<vmem_shared>>
      %dma_wait3A_75 = arith.constant 0 : i32
      %dma_wait3A_76 = tpu.memref_slice %arg12[%add3A_11, %dma_wait3A_75] : memref<10240x128xf32, #tpu.memory_space<vmem_shared>> -> memref<128x128xf32, #tpu.memory_space<vmem_shared>>
      tpu.wait_dma2 semaphore(%run_scoped3A : memref<!tpu.dma_semaphore, #tpu.memory_space<semaphore_mem>>) src(%arg10 : memref<128x128xf32, #tpu.memory_space<vmem>>) dst(%dma_wait3A_76 : memref<128x128xf32, #tpu.memory_space<vmem_shared>>)
      tpu.yield
    }) : () -> ()
    %add3A_12 = arith.constant 384 : i32
    %add3A_13 = arith.addi %multiple_of3A, %add3A_12 : i32
    "tpu.region"() ({
      %run_scoped3A = tpu.sem_alloc : memref<!tpu.dma_semaphore, #tpu.memory_space<semaphore_mem>>
      %dma_start3A_69 = arith.constant 0 : i32
      %dma_start3A_70 = tpu.memref_slice %arg12[%add3A_13, %dma_start3A_69] : memref<10240x128xf32, #tpu.memory_space<vmem_shared>> -> memref<128x128xf32, #tpu.memory_space<vmem_shared>>
      %dma_start3A_71 = arith.constant 0 : i32
      %dma_start3A_72 = tpu.memref_slice %arg12[%add3A_13, %dma_start3A_71] : memref<10240x128xf32, #tpu.memory_space<vmem_shared>> -> memref<128x128xf32, #tpu.memory_space<vmem_shared>>
      tpu.enqueue_dma source(%arg10 : memref<128x128xf32, #tpu.memory_space<vmem>>) target(%dma_start3A_72 : memref<128x128xf32, #tpu.memory_space<vmem_shared>>) target_semaphore(%run_scoped3A : memref<!tpu.dma_semaphore, #tpu.memory_space<semaphore_mem>>)
      %dma_wait3A_73 = arith.constant 0 : i32
      %dma_wait3A_74 = tpu.memref_slice %arg12[%add3A_13, %dma_wait3A_73] : memref<10240x128xf32, #tpu.memory_space<vmem_shared>> -> memref<128x128xf32, #tpu.memory_space<vmem_shared>>
      %dma_wait3A_75 = arith.constant 0 : i32
      %dma_wait3A_76 = tpu.memref_slice %arg12[%add3A_13, %dma_wait3A_75] : memref<10240x128xf32, #tpu.memory_space<vmem_shared>> -> memref<128x128xf32, #tpu.memory_space<vmem_shared>>
      tpu.wait_dma2 semaphore(%run_scoped3A : memref<!tpu.dma_semaphore, #tpu.memory_space<semaphore_mem>>) src(%arg10 : memref<128x128xf32, #tpu.memory_space<vmem>>) dst(%dma_wait3A_76 : memref<128x128xf32, #tpu.memory_space<vmem_shared>>)
      tpu.yield
    }) : () -> ()
    %add3A_14 = arith.constant 512 : i32
    %add3A_15 = arith.addi %multiple_of3A, %add3A_14 : i32
    "tpu.region"() ({
      %run_scoped3A = tpu.sem_alloc : memref<!tpu.dma_semaphore, #tpu.memory_space<semaphore_mem>>
      %dma_start3A_69 = arith.constant 0 : i32
      %dma_start3A_70 = tpu.memref_slice %arg12[%add3A_15, %dma_start3A_69] : memref<10240x128xf32, #tpu.memory_space<vmem_shared>> -> memref<128x128xf32, #tpu.memory_space<vmem_shared>>
      %dma_start3A_71 = arith.constant 0 : i32
      %dma_start3A_72 = tpu.memref_slice %arg12[%add3A_15, %dma_start3A_71] : memref<10240x128xf32, #tpu.memory_space<vmem_shared>> -> memref<128x128xf32, #tpu.memory_space<vmem_shared>>
      tpu.enqueue_dma source(%arg10 : memref<128x128xf32, #tpu.memory_space<vmem>>) target(%dma_start3A_72 : memref<128x128xf32, #tpu.memory_space<vmem_shared>>) target_semaphore(%run_scoped3A : memref<!tpu.dma_semaphore, #tpu.memory_space<semaphore_mem>>)
      %dma_wait3A_73 = arith.constant 0 : i32
      %dma_wait3A_74 = tpu.memref_slice %arg12[%add3A_15, %dma_wait3A_73] : memref<10240x128xf32, #tpu.memory_space<vmem_shared>> -> memref<128x128xf32, #tpu.memory_space<vmem_shared>>
      %dma_wait3A_75 = arith.constant 0 : i32
      %dma_wait3A_76 = tpu.memref_slice %arg12[%add3A_15, %dma_wait3A_75] : memref<10240x128xf32, #tpu.memory_space<vmem_shared>> -> memref<128x128xf32, #tpu.memory_space<vmem_shared>>
      tpu.wait_dma2 semaphore(%run_scoped3A : memref<!tpu.dma_semaphore, #tpu.memory_space<semaphore_mem>>) src(%arg10 : memref<128x128xf32, #tpu.memory_space<vmem>>) dst(%dma_wait3A_76 : memref<128x128xf32, #tpu.memory_space<vmem_shared>>)
      tpu.yield
    }) : () -> ()
    %barrier3A = arith.constant 0 : index
    tpu.barrier barrier_id(%barrier3A)
    %mul3A_16 = arith.constant 158 : i32
    %mul3A_17 = arith.muli %arg1, %mul3A_16 : i32
    %mul3A_18 = arith.constant 128 : i32
    %mul3A_19 = arith.muli %mul3A_17, %mul3A_18 : i32
    %add3A_20 = arith.constant 0 : i32
    %add3A_21 = arith.addi %mul3A_19, %add3A_20 : i32
    %multiple_of3A_22 = tpu.assume_multiple %add3A_21, 8 : i32
    "tpu.region"() ({
      %run_scoped3A = tpu.sem_alloc : memref<!tpu.dma_semaphore, #tpu.memory_space<semaphore_mem>>
      %dma_start3A_69 = tpu.memref_slice %arg3[%multiple_of3A_22] : memref<323584xi32, #tpu.memory_space<hbm>> -> memref<128xi32, #tpu.memory_space<hbm>>
      %dma_start3A_70 = tpu.memref_slice %arg3[%multiple_of3A_22] : memref<323584xi32, #tpu.memory_space<hbm>> -> memref<128xi32, #tpu.memory_space<hbm>>
      tpu.enqueue_dma source(%dma_start3A_70 : memref<128xi32, #tpu.memory_space<hbm>>) target(%arg6 : memref<128xi32, #tpu.memory_space<vmem>>) target_semaphore(%run_scoped3A : memref<!tpu.dma_semaphore, #tpu.memory_space<semaphore_mem>>)
      %dma_wait3A_71 = tpu.memref_slice %arg3[%multiple_of3A_22] : memref<323584xi32, #tpu.memory_space<hbm>> -> memref<128xi32, #tpu.memory_space<hbm>>
      %dma_wait3A_72 = tpu.memref_slice %arg3[%multiple_of3A_22] : memref<323584xi32, #tpu.memory_space<hbm>> -> memref<128xi32, #tpu.memory_space<hbm>>
      tpu.wait_dma2 semaphore(%run_scoped3A : memref<!tpu.dma_semaphore, #tpu.memory_space<semaphore_mem>>) src(%dma_wait3A_72 : memref<128xi32, #tpu.memory_space<hbm>>) dst(%arg6 : memref<128xi32, #tpu.memory_space<vmem>>)
      tpu.yield
    }) : () -> ()
    %add3A_23 = arith.constant 0 : i32
    %add3A_24 = arith.addi %mul3A_19, %add3A_23 : i32
    %multiple_of3A_25 = tpu.assume_multiple %add3A_24, 8 : i32
    "tpu.region"() ({
      %run_scoped3A = tpu.sem_alloc : memref<!tpu.dma_semaphore, #tpu.memory_space<semaphore_mem>>
      %dma_start3A_69 = tpu.memref_slice %arg4[%multiple_of3A_25] : memref<323584xi32, #tpu.memory_space<hbm>> -> memref<128xi32, #tpu.memory_space<hbm>>
      %dma_start3A_70 = tpu.memref_slice %arg4[%multiple_of3A_25] : memref<323584xi32, #tpu.memory_space<hbm>> -> memref<128xi32, #tpu.memory_space<hbm>>
      tpu.enqueue_dma source(%dma_start3A_70 : memref<128xi32, #tpu.memory_space<hbm>>) target(%arg7 : memref<128xi32, #tpu.memory_space<vmem>>) target_semaphore(%run_scoped3A : memref<!tpu.dma_semaphore, #tpu.memory_space<semaphore_mem>>)
      %dma_wait3A_71 = tpu.memref_slice %arg4[%multiple_of3A_25] : memref<323584xi32, #tpu.memory_space<hbm>> -> memref<128xi32, #tpu.memory_space<hbm>>
      %dma_wait3A_72 = tpu.memref_slice %arg4[%multiple_of3A_25] : memref<323584xi32, #tpu.memory_space<hbm>> -> memref<128xi32, #tpu.memory_space<hbm>>
      tpu.wait_dma2 semaphore(%run_scoped3A : memref<!tpu.dma_semaphore, #tpu.memory_space<semaphore_mem>>) src(%dma_wait3A_72 : memref<128xi32, #tpu.memory_space<hbm>>) dst(%arg7 : memref<128xi32, #tpu.memory_space<vmem>>)
      tpu.yield
    }) : () -> ()
    %add3A_26 = arith.constant 128 : i32
    %add3A_27 = arith.addi %mul3A_19, %add3A_26 : i32
    %multiple_of3A_28 = tpu.assume_multiple %add3A_27, 8 : i32
    %dma_start3A = tpu.memref_slice %arg3[%multiple_of3A_28] : memref<323584xi32, #tpu.memory_space<hbm>> -> memref<128xi32, #tpu.memory_space<hbm>>
    %dma_start3A_29 = tpu.memref_slice %arg3[%multiple_of3A_28] : memref<323584xi32, #tpu.memory_space<hbm>> -> memref<128xi32, #tpu.memory_space<hbm>>
    tpu.enqueue_dma source(%dma_start3A_29 : memref<128xi32, #tpu.memory_space<hbm>>) target(%arg8 : memref<128xi32, #tpu.memory_space<vmem>>) target_semaphore(%arg16 : memref<!tpu.dma_semaphore, #tpu.memory_space<semaphore_mem>>)
    %add3A_30 = arith.constant 128 : i32
    %add3A_31 = arith.addi %mul3A_19, %add3A_30 : i32
    %multiple_of3A_32 = tpu.assume_multiple %add3A_31, 8 : i32
    %dma_start3A_33 = tpu.memref_slice %arg4[%multiple_of3A_32] : memref<323584xi32, #tpu.memory_space<hbm>> -> memref<128xi32, #tpu.memory_space<hbm>>
    %dma_start3A_34 = tpu.memref_slice %arg4[%multiple_of3A_32] : memref<323584xi32, #tpu.memory_space<hbm>> -> memref<128xi32, #tpu.memory_space<hbm>>
    tpu.enqueue_dma source(%dma_start3A_34 : memref<128xi32, #tpu.memory_space<hbm>>) target(%arg9 : memref<128xi32, #tpu.memory_space<vmem>>) target_semaphore(%arg16 : memref<!tpu.dma_semaphore, #tpu.memory_space<semaphore_mem>>)
    %dma_start3A_35 = arith.constant 0 : i32
    %dma_start3A_36 = arith.constant 0 : i32
    %dma_start3A_37 = tpu.memref_slice %arg2[%arg0, %dma_start3A_35, %dma_start3A_36] : memref<2x10000x128xf32, #tpu.memory_space<hbm>> -> memref<1x10000x128xf32, #tpu.memory_space<hbm>>
    %dma_start3A_38 = tpu.memref_squeeze %dma_start3A_37 : memref<1x10000x128xf32, #tpu.memory_space<hbm>> -> memref<10000x128xf32, #tpu.memory_space<hbm>>
    %dma_start3A_39 = arith.constant 0 : i32
    %dma_start3A_40 = arith.constant 0 : i32
    %dma_start3A_41 = tpu.memref_slice %dma_start3A_38[%dma_start3A_39, %dma_start3A_40] : memref<10000x128xf32, #tpu.memory_space<hbm>> -> memref<10000x128xf32, #tpu.memory_space<hbm>>
    tpu.enqueue_indirect_dma source(%dma_start3A_41 : memref<10000x128xf32, #tpu.memory_space<hbm>>) target(%arg10 : memref<128x128xf32, #tpu.memory_space<vmem>>) offsets(%arg6 : memref<128xi32, #tpu.memory_space<vmem>>) semaphore(%arg13 : memref<!tpu.dma_semaphore, #tpu.memory_space<semaphore_mem>>)
    %scan3A_42 = arith.constant 0 : i32
    %scan3A_43 = arith.constant 0 : i32
    %scan3A_44 = arith.constant 79 : i32
    %scan3A_45 = arith.addi %scan3A_43, %scan3A_44 : i32
    %scan3A_46 = arith.constant 1 : i32
    %scan3A_47 = scf.for %scan3A_69 = %scan3A_43 to %scan3A_45 step %scan3A_46 iter_args(%scan3A_70 = %scan3A_42) -> (i32)  : i32 {
      %mul3A_71 = arith.constant 2 : i32
      %mul3A_72 = arith.muli %mul3A_71, %scan3A_69 : i32
      %add3A_73 = arith.constant 2 : i32
      %add3A_74 = arith.addi %mul3A_72, %add3A_73 : i32
      %min3A = arith.constant 157 : i32
      %min3A_75 = arith.minsi %add3A_74, %min3A : i32
      %add3A_76 = arith.constant 3 : i32
      %add3A_77 = arith.addi %mul3A_72, %add3A_76 : i32
      %min3A_78 = arith.constant 157 : i32
      %min3A_79 = arith.minsi %add3A_77, %min3A_78 : i32
      %add3A_80 = arith.constant 1 : i32
      %add3A_81 = arith.addi %mul3A_72, %add3A_80 : i32
      %mul3A_82 = arith.constant 128 : i32
      %mul3A_83 = arith.muli %add3A_81, %mul3A_82 : i32
      %add3A_84 = arith.addi %mul3A_19, %mul3A_83 : i32
      %multiple_of3A_85 = tpu.assume_multiple %add3A_84, 8 : i32
      %dma_wait3A_86 = tpu.memref_slice %arg3[%multiple_of3A_85] : memref<323584xi32, #tpu.memory_space<hbm>> -> memref<128xi32, #tpu.memory_space<hbm>>
      %dma_wait3A_87 = tpu.memref_slice %arg3[%multiple_of3A_85] : memref<323584xi32, #tpu.memory_space<hbm>> -> memref<128xi32, #tpu.memory_space<hbm>>
      tpu.wait_dma2 semaphore(%arg16 : memref<!tpu.dma_semaphore, #tpu.memory_space<semaphore_mem>>) src(%dma_wait3A_87 : memref<128xi32, #tpu.memory_space<hbm>>) dst(%arg8 : memref<128xi32, #tpu.memory_space<vmem>>)
      %mul3A_88 = arith.constant 128 : i32
      %mul3A_89 = arith.muli %add3A_81, %mul3A_88 : i32
      %add3A_90 = arith.addi %mul3A_19, %mul3A_89 : i32
      %multiple_of3A_91 = tpu.assume_multiple %add3A_90, 8 : i32
      %dma_wait3A_92 = tpu.memref_slice %arg4[%multiple_of3A_91] : memref<323584xi32, #tpu.memory_space<hbm>> -> memref<128xi32, #tpu.memory_space<hbm>>
      %dma_wait3A_93 = tpu.memref_slice %arg4[%multiple_of3A_91] : memref<323584xi32, #tpu.memory_space<hbm>> -> memref<128xi32, #tpu.memory_space<hbm>>
      tpu.wait_dma2 semaphore(%arg16 : memref<!tpu.dma_semaphore, #tpu.memory_space<semaphore_mem>>) src(%dma_wait3A_93 : memref<128xi32, #tpu.memory_space<hbm>>) dst(%arg9 : memref<128xi32, #tpu.memory_space<vmem>>)
      %dma_start3A_94 = arith.constant 0 : i32
      %dma_start3A_95 = arith.constant 0 : i32
      %dma_start3A_96 = tpu.memref_slice %arg2[%arg0, %dma_start3A_94, %dma_start3A_95] : memref<2x10000x128xf32, #tpu.memory_space<hbm>> -> memref<1x10000x128xf32, #tpu.memory_space<hbm>>
      %dma_start3A_97 = tpu.memref_squeeze %dma_start3A_96 : memref<1x10000x128xf32, #tpu.memory_space<hbm>> -> memref<10000x128xf32, #tpu.memory_space<hbm>>
      %dma_start3A_98 = arith.constant 0 : i32
      %dma_start3A_99 = arith.constant 0 : i32
      %dma_start3A_100 = tpu.memref_slice %dma_start3A_97[%dma_start3A_98, %dma_start3A_99] : memref<10000x128xf32, #tpu.memory_space<hbm>> -> memref<10000x128xf32, #tpu.memory_space<hbm>>
      tpu.enqueue_indirect_dma source(%dma_start3A_100 : memref<10000x128xf32, #tpu.memory_space<hbm>>) target(%arg11 : memref<128x128xf32, #tpu.memory_space<vmem>>) offsets(%arg8 : memref<128xi32, #tpu.memory_space<vmem>>) semaphore(%arg14 : memref<!tpu.dma_semaphore, #tpu.memory_space<semaphore_mem>>)
      %dma_wait3A_101 = arith.constant 0 : i32
      %dma_wait3A_102 = arith.constant 0 : i32
      %dma_wait3A_103 = tpu.memref_slice %arg2[%arg0, %dma_wait3A_101, %dma_wait3A_102] : memref<2x10000x128xf32, #tpu.memory_space<hbm>> -> memref<1x10000x128xf32, #tpu.memory_space<hbm>>
      %dma_wait3A_104 = tpu.memref_squeeze %dma_wait3A_103 : memref<1x10000x128xf32, #tpu.memory_space<hbm>> -> memref<10000x128xf32, #tpu.memory_space<hbm>>
      %dma_wait3A_105 = arith.constant 0 : i32
      %dma_wait3A_106 = arith.constant 0 : i32
      %dma_wait3A_107 = tpu.memref_slice %dma_wait3A_104[%dma_wait3A_105, %dma_wait3A_106] : memref<10000x128xf32, #tpu.memory_space<hbm>> -> memref<10000x128xf32, #tpu.memory_space<hbm>>
      tpu.wait_indirect_dma semaphore(%arg13 : memref<!tpu.dma_semaphore, #tpu.memory_space<semaphore_mem>>) src(%dma_wait3A_107 : memref<10000x128xf32, #tpu.memory_space<hbm>>) dst(%arg10 : memref<128x128xf32, #tpu.memory_space<vmem>>)
      "tpu.region"() ({
        %run_scoped3A = tpu.sem_alloc : memref<!tpu.dma_semaphore, #tpu.memory_space<semaphore_mem>>
        %dma_start3A_159 = arith.constant 0 : i32
        %dma_start3A_160 = arith.constant 0 : i32
        %dma_start3A_161 = tpu.memref_slice %arg12[%dma_start3A_159, %dma_start3A_160] : memref<10240x128xf32, #tpu.memory_space<vmem_shared>> -> memref<10240x128xf32, #tpu.memory_space<vmem_shared>>
        tpu.enqueue_indirect_dma source(%arg10 : memref<128x128xf32, #tpu.memory_space<vmem>>) target(%dma_start3A_161 : memref<10240x128xf32, #tpu.memory_space<vmem_shared>>) offsets(%arg7 : memref<128xi32, #tpu.memory_space<vmem>>) semaphore(%run_scoped3A : memref<!tpu.dma_semaphore, #tpu.memory_space<semaphore_mem>>) {add = true}
        %dma_wait3A_162 = arith.constant 0 : i32
        %dma_wait3A_163 = arith.constant 0 : i32
        %dma_wait3A_164 = tpu.memref_slice %arg12[%dma_wait3A_162, %dma_wait3A_163] : memref<10240x128xf32, #tpu.memory_space<vmem_shared>> -> memref<10240x128xf32, #tpu.memory_space<vmem_shared>>
        tpu.wait_indirect_dma semaphore(%run_scoped3A : memref<!tpu.dma_semaphore, #tpu.memory_space<semaphore_mem>>) src(%arg10 : memref<128x128xf32, #tpu.memory_space<vmem>>) dst(%dma_wait3A_164 : memref<10240x128xf32, #tpu.memory_space<vmem_shared>>)
        tpu.yield
      }) : () -> ()
      %mul3A_108 = arith.constant 128 : i32
      %mul3A_109 = arith.muli %min3A_75, %mul3A_108 : i32
      %add3A_110 = arith.addi %mul3A_19, %mul3A_109 : i32
      %multiple_of3A_111 = tpu.assume_multiple %add3A_110, 8 : i32
      %dma_start3A_112 = tpu.memref_slice %arg3[%multiple_of3A_111] : memref<323584xi32, #tpu.memory_space<hbm>> -> memref<128xi32, #tpu.memory_space<hbm>>
      %dma_start3A_113 = tpu.memref_slice %arg3[%multiple_of3A_111] : memref<323584xi32, #tpu.memory_space<hbm>> -> memref<128xi32, #tpu.memory_space<hbm>>
      tpu.enqueue_dma source(%dma_start3A_113 : memref<128xi32, #tpu.memory_space<hbm>>) target(%arg6 : memref<128xi32, #tpu.memory_space<vmem>>) target_semaphore(%arg15 : memref<!tpu.dma_semaphore, #tpu.memory_space<semaphore_mem>>)
      %mul3A_114 = arith.constant 128 : i32
      %mul3A_115 = arith.muli %min3A_75, %mul3A_114 : i32
      %add3A_116 = arith.addi %mul3A_19, %mul3A_115 : i32
      %multiple_of3A_117 = tpu.assume_multiple %add3A_116, 8 : i32
      %dma_start3A_118 = tpu.memref_slice %arg4[%multiple_of3A_117] : memref<323584xi32, #tpu.memory_space<hbm>> -> memref<128xi32, #tpu.memory_space<hbm>>
      %dma_start3A_119 = tpu.memref_slice %arg4[%multiple_of3A_117] : memref<323584xi32, #tpu.memory_space<hbm>> -> memref<128xi32, #tpu.memory_space<hbm>>
      tpu.enqueue_dma source(%dma_start3A_119 : memref<128xi32, #tpu.memory_space<hbm>>) target(%arg7 : memref<128xi32, #tpu.memory_space<vmem>>) target_semaphore(%arg15 : memref<!tpu.dma_semaphore, #tpu.memory_space<semaphore_mem>>)
      %dma_wait3A_120 = arith.constant 0 : i32
      %dma_wait3A_121 = arith.constant 0 : i32
      %dma_wait3A_122 = tpu.memref_slice %arg2[%arg0, %dma_wait3A_120, %dma_wait3A_121] : memref<2x10000x128xf32, #tpu.memory_space<hbm>> -> memref<1x10000x128xf32, #tpu.memory_space<hbm>>
      %dma_wait3A_123 = tpu.memref_squeeze %dma_wait3A_122 : memref<1x10000x128xf32, #tpu.memory_space<hbm>> -> memref<10000x128xf32, #tpu.memory_space<hbm>>
      %dma_wait3A_124 = arith.constant 0 : i32
      %dma_wait3A_125 = arith.constant 0 : i32
      %dma_wait3A_126 = tpu.memref_slice %dma_wait3A_123[%dma_wait3A_124, %dma_wait3A_125] : memref<10000x128xf32, #tpu.memory_space<hbm>> -> memref<10000x128xf32, #tpu.memory_space<hbm>>
      tpu.wait_indirect_dma semaphore(%arg14 : memref<!tpu.dma_semaphore, #tpu.memory_space<semaphore_mem>>) src(%dma_wait3A_126 : memref<10000x128xf32, #tpu.memory_space<hbm>>) dst(%arg11 : memref<128x128xf32, #tpu.memory_space<vmem>>)
      "tpu.region"() ({
        %run_scoped3A = tpu.sem_alloc : memref<!tpu.dma_semaphore, #tpu.memory_space<semaphore_mem>>
        %dma_start3A_159 = arith.constant 0 : i32
        %dma_start3A_160 = arith.constant 0 : i32
        %dma_start3A_161 = tpu.memref_slice %arg12[%dma_start3A_159, %dma_start3A_160] : memref<10240x128xf32, #tpu.memory_space<vmem_shared>> -> memref<10240x128xf32, #tpu.memory_space<vmem_shared>>
        tpu.enqueue_indirect_dma source(%arg11 : memref<128x128xf32, #tpu.memory_space<vmem>>) target(%dma_start3A_161 : memref<10240x128xf32, #tpu.memory_space<vmem_shared>>) offsets(%arg9 : memref<128xi32, #tpu.memory_space<vmem>>) semaphore(%run_scoped3A : memref<!tpu.dma_semaphore, #tpu.memory_space<semaphore_mem>>) {add = true}
        %dma_wait3A_162 = arith.constant 0 : i32
        %dma_wait3A_163 = arith.constant 0 : i32
        %dma_wait3A_164 = tpu.memref_slice %arg12[%dma_wait3A_162, %dma_wait3A_163] : memref<10240x128xf32, #tpu.memory_space<vmem_shared>> -> memref<10240x128xf32, #tpu.memory_space<vmem_shared>>
        tpu.wait_indirect_dma semaphore(%run_scoped3A : memref<!tpu.dma_semaphore, #tpu.memory_space<semaphore_mem>>) src(%arg11 : memref<128x128xf32, #tpu.memory_space<vmem>>) dst(%dma_wait3A_164 : memref<10240x128xf32, #tpu.memory_space<vmem_shared>>)
        tpu.yield
      }) : () -> ()
      %mul3A_127 = arith.constant 128 : i32
      %mul3A_128 = arith.muli %min3A_79, %mul3A_127 : i32
      %add3A_129 = arith.addi %mul3A_19, %mul3A_128 : i32
      %multiple_of3A_130 = tpu.assume_multiple %add3A_129, 8 : i32
      %dma_start3A_131 = tpu.memref_slice %arg3[%multiple_of3A_130] : memref<323584xi32, #tpu.memory_space<hbm>> -> memref<128xi32, #tpu.memory_space<hbm>>
      %dma_start3A_132 = tpu.memref_slice %arg3[%multiple_of3A_130] : memref<323584xi32, #tpu.memory_space<hbm>> -> memref<128xi32, #tpu.memory_space<hbm>>
      tpu.enqueue_dma source(%dma_start3A_132 : memref<128xi32, #tpu.memory_space<hbm>>) target(%arg8 : memref<128xi32, #tpu.memory_space<vmem>>) target_semaphore(%arg16 : memref<!tpu.dma_semaphore, #tpu.memory_space<semaphore_mem>>)
      %mul3A_133 = arith.constant 128 : i32
      %mul3A_134 = arith.muli %min3A_79, %mul3A_133 : i32
      %add3A_135 = arith.addi %mul3A_19, %mul3A_134 : i32
      %multiple_of3A_136 = tpu.assume_multiple %add3A_135, 8 : i32
      %dma_start3A_137 = tpu.memref_slice %arg4[%multiple_of3A_136] : memref<323584xi32, #tpu.memory_space<hbm>> -> memref<128xi32, #tpu.memory_space<hbm>>
      %dma_start3A_138 = tpu.memref_slice %arg4[%multiple_of3A_136] : memref<323584xi32, #tpu.memory_space<hbm>> -> memref<128xi32, #tpu.memory_space<hbm>>
      tpu.enqueue_dma source(%dma_start3A_138 : memref<128xi32, #tpu.memory_space<hbm>>) target(%arg9 : memref<128xi32, #tpu.memory_space<vmem>>) target_semaphore(%arg16 : memref<!tpu.dma_semaphore, #tpu.memory_space<semaphore_mem>>)
      %mul3A_139 = arith.constant 128 : i32
      %mul3A_140 = arith.muli %min3A_75, %mul3A_139 : i32
      %add3A_141 = arith.addi %mul3A_19, %mul3A_140 : i32
      %multiple_of3A_142 = tpu.assume_multiple %add3A_141, 8 : i32
      %dma_wait3A_143 = tpu.memref_slice %arg3[%multiple_of3A_142] : memref<323584xi32, #tpu.memory_space<hbm>> -> memref<128xi32, #tpu.memory_space<hbm>>
      %dma_wait3A_144 = tpu.memref_slice %arg3[%multiple_of3A_142] : memref<323584xi32, #tpu.memory_space<hbm>> -> memref<128xi32, #tpu.memory_space<hbm>>
      tpu.wait_dma2 semaphore(%arg15 : memref<!tpu.dma_semaphore, #tpu.memory_space<semaphore_mem>>) src(%dma_wait3A_144 : memref<128xi32, #tpu.memory_space<hbm>>) dst(%arg6 : memref<128xi32, #tpu.memory_space<vmem>>)
      %mul3A_145 = arith.constant 128 : i32
      %mul3A_146 = arith.muli %min3A_75, %mul3A_145 : i32
      %add3A_147 = arith.addi %mul3A_19, %mul3A_146 : i32
      %multiple_of3A_148 = tpu.assume_multiple %add3A_147, 8 : i32
      %dma_wait3A_149 = tpu.memref_slice %arg4[%multiple_of3A_148] : memref<323584xi32, #tpu.memory_space<hbm>> -> memref<128xi32, #tpu.memory_space<hbm>>
      %dma_wait3A_150 = tpu.memref_slice %arg4[%multiple_of3A_148] : memref<323584xi32, #tpu.memory_space<hbm>> -> memref<128xi32, #tpu.memory_space<hbm>>
      tpu.wait_dma2 semaphore(%arg15 : memref<!tpu.dma_semaphore, #tpu.memory_space<semaphore_mem>>) src(%dma_wait3A_150 : memref<128xi32, #tpu.memory_space<hbm>>) dst(%arg7 : memref<128xi32, #tpu.memory_space<vmem>>)
      %dma_start3A_151 = arith.constant 0 : i32
      %dma_start3A_152 = arith.constant 0 : i32
      %dma_start3A_153 = tpu.memref_slice %arg2[%arg0, %dma_start3A_151, %dma_start3A_152] : memref<2x10000x128xf32, #tpu.memory_space<hbm>> -> memref<1x10000x128xf32, #tpu.memory_space<hbm>>
      %dma_start3A_154 = tpu.memref_squeeze %dma_start3A_153 : memref<1x10000x128xf32, #tpu.memory_space<hbm>> -> memref<10000x128xf32, #tpu.memory_space<hbm>>
      %dma_start3A_155 = arith.constant 0 : i32
      %dma_start3A_156 = arith.constant 0 : i32
      %dma_start3A_157 = tpu.memref_slice %dma_start3A_154[%dma_start3A_155, %dma_start3A_156] : memref<10000x128xf32, #tpu.memory_space<hbm>> -> memref<10000x128xf32, #tpu.memory_space<hbm>>
      tpu.enqueue_indirect_dma source(%dma_start3A_157 : memref<10000x128xf32, #tpu.memory_space<hbm>>) target(%arg10 : memref<128x128xf32, #tpu.memory_space<vmem>>) offsets(%arg6 : memref<128xi32, #tpu.memory_space<vmem>>) semaphore(%arg13 : memref<!tpu.dma_semaphore, #tpu.memory_space<semaphore_mem>>)
      %scan3A_158 = arith.constant 0 : i32
      scf.yield %scan3A_158 : i32
    }
    %scan3A_48 = arith.constant 79 : i32
    %add3A_49 = arith.constant 20096 : i32
    %add3A_50 = arith.addi %mul3A_19, %add3A_49 : i32
    %multiple_of3A_51 = tpu.assume_multiple %add3A_50, 8 : i32
    %dma_wait3A = tpu.memref_slice %arg3[%multiple_of3A_51] : memref<323584xi32, #tpu.memory_space<hbm>> -> memref<128xi32, #tpu.memory_space<hbm>>
    %dma_wait3A_52 = tpu.memref_slice %arg3[%multiple_of3A_51] : memref<323584xi32, #tpu.memory_space<hbm>> -> memref<128xi32, #tpu.memory_space<hbm>>
    tpu.wait_dma2 semaphore(%arg16 : memref<!tpu.dma_semaphore, #tpu.memory_space<semaphore_mem>>) src(%dma_wait3A_52 : memref<128xi32, #tpu.memory_space<hbm>>) dst(%arg8 : memref<128xi32, #tpu.memory_space<vmem>>)
    %add3A_53 = arith.constant 20096 : i32
    %add3A_54 = arith.addi %mul3A_19, %add3A_53 : i32
    %multiple_of3A_55 = tpu.assume_multiple %add3A_54, 8 : i32
    %dma_wait3A_56 = tpu.memref_slice %arg4[%multiple_of3A_55] : memref<323584xi32, #tpu.memory_space<hbm>> -> memref<128xi32, #tpu.memory_space<hbm>>
    %dma_wait3A_57 = tpu.memref_slice %arg4[%multiple_of3A_55] : memref<323584xi32, #tpu.memory_space<hbm>> -> memref<128xi32, #tpu.memory_space<hbm>>
    tpu.wait_dma2 semaphore(%arg16 : memref<!tpu.dma_semaphore, #tpu.memory_space<semaphore_mem>>) src(%dma_wait3A_57 : memref<128xi32, #tpu.memory_space<hbm>>) dst(%arg9 : memref<128xi32, #tpu.memory_space<vmem>>)
    %dma_wait3A_58 = arith.constant 0 : i32
    %dma_wait3A_59 = arith.constant 0 : i32
    %dma_wait3A_60 = tpu.memref_slice %arg2[%arg0, %dma_wait3A_58, %dma_wait3A_59] : memref<2x10000x128xf32, #tpu.memory_space<hbm>> -> memref<1x10000x128xf32, #tpu.memory_space<hbm>>
    %dma_wait3A_61 = tpu.memref_squeeze %dma_wait3A_60 : memref<1x10000x128xf32, #tpu.memory_space<hbm>> -> memref<10000x128xf32, #tpu.memory_space<hbm>>
    %dma_wait3A_62 = arith.constant 0 : i32
    %dma_wait3A_63 = arith.constant 0 : i32
    %dma_wait3A_64 = tpu.memref_slice %dma_wait3A_61[%dma_wait3A_62, %dma_wait3A_63] : memref<10000x128xf32, #tpu.memory_space<hbm>> -> memref<10000x128xf32, #tpu.memory_space<hbm>>
    tpu.wait_indirect_dma semaphore(%arg13 : memref<!tpu.dma_semaphore, #tpu.memory_space<semaphore_mem>>) src(%dma_wait3A_64 : memref<10000x128xf32, #tpu.memory_space<hbm>>) dst(%arg10 : memref<128x128xf32, #tpu.memory_space<vmem>>)
    %barrier3A_65 = arith.constant 0 : index
    tpu.barrier barrier_id(%barrier3A_65)
    %mul3A_66 = arith.constant 640 : i32
    %mul3A_67 = arith.muli %arg1, %mul3A_66 : i32
    %multiple_of3A_68 = tpu.assume_multiple %mul3A_67, 8 : i32
    "tpu.region"() ({
      %run_scoped3A = tpu.sem_alloc : memref<!tpu.dma_semaphore, #tpu.memory_space<semaphore_mem>>
      %dma_start3A_69 = arith.constant 0 : i32
      %dma_start3A_70 = arith.constant 0 : i32
      %dma_start3A_71 = tpu.memref_slice %arg5[%arg0, %dma_start3A_69, %dma_start3A_70] : memref<2x10240x128xf32, #tpu.memory_space<hbm>> -> memref<1x10240x128xf32, #tpu.memory_space<hbm>>
      %dma_start3A_72 = tpu.memref_squeeze %dma_start3A_71 : memref<1x10240x128xf32, #tpu.memory_space<hbm>> -> memref<10240x128xf32, #tpu.memory_space<hbm>>
      %dma_start3A_73 = arith.constant 0 : i32
      %dma_start3A_74 = tpu.memref_slice %dma_start3A_72[%multiple_of3A_68, %dma_start3A_73] : memref<10240x128xf32, #tpu.memory_space<hbm>> -> memref<640x128xf32, #tpu.memory_space<hbm>>
      %dma_start3A_75 = arith.constant 0 : i32
      %dma_start3A_76 = tpu.memref_slice %arg12[%multiple_of3A_68, %dma_start3A_75] : memref<10240x128xf32, #tpu.memory_space<vmem_shared>> -> memref<640x128xf32, #tpu.memory_space<vmem_shared>>
      tpu.enqueue_dma source(%dma_start3A_76 : memref<640x128xf32, #tpu.memory_space<vmem_shared>>) target(%dma_start3A_74 : memref<640x128xf32, #tpu.memory_space<hbm>>) target_semaphore(%run_scoped3A : memref<!tpu.dma_semaphore, #tpu.memory_space<semaphore_mem>>)
      %dma_wait3A_77 = arith.constant 0 : i32
      %dma_wait3A_78 = arith.constant 0 : i32
      %dma_wait3A_79 = tpu.memref_slice %arg5[%arg0, %dma_wait3A_77, %dma_wait3A_78] : memref<2x10240x128xf32, #tpu.memory_space<hbm>> -> memref<1x10240x128xf32, #tpu.memory_space<hbm>>
      %dma_wait3A_80 = tpu.memref_squeeze %dma_wait3A_79 : memref<1x10240x128xf32, #tpu.memory_space<hbm>> -> memref<10240x128xf32, #tpu.memory_space<hbm>>
      %dma_wait3A_81 = arith.constant 0 : i32
      %dma_wait3A_82 = tpu.memref_slice %dma_wait3A_80[%multiple_of3A_68, %dma_wait3A_81] : memref<10240x128xf32, #tpu.memory_space<hbm>> -> memref<640x128xf32, #tpu.memory_space<hbm>>
      %dma_wait3A_83 = arith.constant 0 : i32
      %dma_wait3A_84 = tpu.memref_slice %arg12[%multiple_of3A_68, %dma_wait3A_83] : memref<10240x128xf32, #tpu.memory_space<vmem_shared>> -> memref<640x128xf32, #tpu.memory_space<vmem_shared>>
      tpu.wait_dma2 semaphore(%run_scoped3A : memref<!tpu.dma_semaphore, #tpu.memory_space<semaphore_mem>>) src(%dma_wait3A_84 : memref<640x128xf32, #tpu.memory_space<vmem_shared>>) dst(%dma_wait3A_82 : memref<640x128xf32, #tpu.memory_space<hbm>>)
      tpu.yield
    }) : () -> ()
    return
  }
}

module attributes {stable_mosaic.version = 14 : i64} {
  func.func @_tc_layer1_body(%arg0: i32, %arg1: memref<2x1000x128xf32, #tpu.memory_space<vmem>>, %arg2: memref<1000x128xf32, #tpu.memory_space<vmem>>, %arg3: memref<128x256xf32, #tpu.memory_space<vmem>>, %arg4: memref<128x256xf32, #tpu.memory_space<vmem>>, %arg5: memref<1x256xf32, #tpu.memory_space<vmem>>, %arg6: memref<2x1000x128xf32, #tpu.memory_space<vmem>>) attributes {dimension_semantics = [#tpu.dimension_semantics<arbitrary>], iteration_bounds = array<i64: 10>, scalar_prefetch = 0 : i64, scratch_operands = 0 : i64, tpu.core_type = #tpu.core_type<tc>, window_params = [{transform_indices = @transform_0, window_bounds = array<i64: 2, 1000, 128>}, {transform_indices = @transform_1, window_bounds = array<i64: 1000, 128>}, {pipeline_mode = #tpu.pipeline_mode<synchronous>, transform_indices = @transform_2, window_bounds = array<i64: 128, 256>}, {pipeline_mode = #tpu.pipeline_mode<synchronous>, transform_indices = @transform_3, window_bounds = array<i64: 128, 256>}, {pipeline_mode = #tpu.pipeline_mode<synchronous>, transform_indices = @transform_4, window_bounds = array<i64: 1, 256>}, {transform_indices = @transform_5, window_bounds = array<i64: 2, 1000, 128>}]} {
    %get3A = arith.constant 0 : index
    %get3A_0 = arith.constant 0 : index
    %get3A_1 = arith.constant 0 : index
    %get3A_2 = vector.load %arg1[%get3A, %get3A_0, %get3A_1] : memref<2x1000x128xf32, #tpu.memory_space<vmem>>, vector<1x1000x128xf32>
    %get3A_3 = vector.shape_cast %get3A_2 : vector<1x1000x128xf32> to vector<1000x128xf32>
    %get3A_4 = arith.constant 1 : index
    %get3A_5 = arith.constant 0 : index
    %get3A_6 = arith.constant 0 : index
    %get3A_7 = vector.load %arg1[%get3A_4, %get3A_5, %get3A_6] : memref<2x1000x128xf32, #tpu.memory_space<vmem>>, vector<1x1000x128xf32>
    %get3A_8 = vector.shape_cast %get3A_7 : vector<1x1000x128xf32> to vector<1000x128xf32>
    %add3A = arith.addf %get3A_3, %get3A_8 : vector<1000x128xf32>
    %get3A_9 = arith.constant 0 : index
    %get3A_10 = arith.constant 0 : index
    %get3A_11 = vector.load %arg3[%get3A_9, %get3A_10] : memref<128x256xf32, #tpu.memory_space<vmem>>, vector<128x256xf32>
    %dot_general3A = arith.constant dense<0.000000e+00> : vector<1000x256xf32>
    %dot_general3A_12 = tpu.matmul %add3A, %get3A_11, %dot_general3A {dimension_numbers = #tpu.dot_dimension_numbers<[1], [0], [0], [1], [0, 0, 1, 1], [], []>, transpose_lhs_hint = false} : vector<1000x128xf32>, vector<128x256xf32>, vector<1000x256xf32> -> vector<1000x256xf32>
    %get3A_13 = arith.constant 0 : index
    %get3A_14 = arith.constant 0 : index
    %get3A_15 = vector.load %arg2[%get3A_13, %get3A_14] : memref<1000x128xf32, #tpu.memory_space<vmem>>, vector<1000x128xf32>
    %get3A_16 = arith.constant 0 : index
    %get3A_17 = arith.constant 0 : index
    %get3A_18 = vector.load %arg4[%get3A_16, %get3A_17] : memref<128x256xf32, #tpu.memory_space<vmem>>, vector<128x256xf32>
    %dot_general3A_19 = arith.constant dense<0.000000e+00> : vector<1000x256xf32>
    %dot_general3A_20 = tpu.matmul %get3A_15, %get3A_18, %dot_general3A_19 {dimension_numbers = #tpu.dot_dimension_numbers<[1], [0], [0], [1], [0, 0, 1, 1], [], []>, transpose_lhs_hint = false} : vector<1000x128xf32>, vector<128x256xf32>, vector<1000x256xf32> -> vector<1000x256xf32>
    %add3A_21 = arith.addf %dot_general3A_12, %dot_general3A_20 : vector<1000x256xf32>
    %get3A_22 = arith.constant 0 : index
    %get3A_23 = arith.constant 0 : index
    %get3A_24 = vector.load %arg5[%get3A_22, %get3A_23] : memref<1x256xf32, #tpu.memory_space<vmem>>, vector<1x256xf32>
    %add3A_25 = vector.broadcast %get3A_24 : vector<1x256xf32> to vector<1000x256xf32>
    %add3A_26 = arith.addf %add3A_21, %add3A_25 : vector<1000x256xf32>
    %max3A = arith.constant 0.000000e+00 : f32
    %max3A_27 = vector.broadcast %max3A : f32 to vector<1000x256xf32>
    %max3A_28 = arith.maximumf %add3A_26, %max3A_27 : vector<1000x256xf32>
    %slice3A = vector.extract_strided_slice %max3A_28 {offsets = [0, 0], sizes = [1000, 128], strides = [1, 1]} : vector<1000x256xf32> to vector<1000x128xf32>
    %swap3A = arith.constant 0 : index
    %swap3A_29 = arith.constant 0 : index
    %swap3A_30 = arith.constant 0 : index
    %swap3A_31 = vector.load %arg6[%swap3A, %swap3A_29, %swap3A_30] : memref<2x1000x128xf32, #tpu.memory_space<vmem>>, vector<1x1000x128xf32>
    %swap3A_32 = vector.shape_cast %swap3A_31 : vector<1x1000x128xf32> to vector<1000x128xf32>
    %swap3A_33 = vector.shape_cast %slice3A : vector<1000x128xf32> to vector<1x1000x128xf32>
    tpu.vector_store %arg6[%swap3A, %swap3A_29, %swap3A_30], %swap3A_33 {strides = array<i32>} : memref<2x1000x128xf32, #tpu.memory_space<vmem>>, vector<1x1000x128xf32>,
    %slice3A_34 = vector.extract_strided_slice %max3A_28 {offsets = [0, 128], sizes = [1000, 128], strides = [1, 1]} : vector<1000x256xf32> to vector<1000x128xf32>
    %swap3A_35 = arith.constant 1 : index
    %swap3A_36 = arith.constant 0 : index
    %swap3A_37 = arith.constant 0 : index
    %swap3A_38 = vector.load %arg6[%swap3A_35, %swap3A_36, %swap3A_37] : memref<2x1000x128xf32, #tpu.memory_space<vmem>>, vector<1x1000x128xf32>
    %swap3A_39 = vector.shape_cast %swap3A_38 : vector<1x1000x128xf32> to vector<1000x128xf32>
    %swap3A_40 = vector.shape_cast %slice3A_34 : vector<1000x128xf32> to vector<1x1000x128xf32>
    tpu.vector_store %arg6[%swap3A_35, %swap3A_36, %swap3A_37], %swap3A_40 {strides = array<i32>} : memref<2x1000x128xf32, #tpu.memory_space<vmem>>, vector<1x1000x128xf32>,
    return
  }
  func.func @transform_0(%arg0: i32) -> (i32, i32, i32) {
    %c0_i32 = arith.constant 0 : i32
    %c0_i32_0 = arith.constant 0 : i32
    %c0_i32_1 = arith.constant 0 : i32
    return %c0_i32, %arg0, %c0_i32_0 : i32, i32, i32
  }
  func.func @transform_1(%arg0: i32) -> (i32, i32) {
    %c0_i32 = arith.constant 0 : i32
    %c0_i32_0 = arith.constant 0 : i32
    return %arg0, %c0_i32 : i32, i32
  }
  func.func @transform_2(%arg0: i32) -> (i32, i32) {
    %c0_i32 = arith.constant 0 : i32
    %c0_i32_0 = arith.constant 0 : i32
    %c0_i32_1 = arith.constant 0 : i32
    return %c0_i32, %c0_i32_0 : i32, i32
  }
  func.func @transform_3(%arg0: i32) -> (i32, i32) {
    %c0_i32 = arith.constant 0 : i32
    %c0_i32_0 = arith.constant 0 : i32
    %c0_i32_1 = arith.constant 0 : i32
    return %c0_i32, %c0_i32_0 : i32, i32
  }
  func.func @transform_4(%arg0: i32) -> (i32, i32) {
    %c0_i32 = arith.constant 0 : i32
    %c0_i32_0 = arith.constant 0 : i32
    %c0_i32_1 = arith.constant 0 : i32
    return %c0_i32, %c0_i32_0 : i32, i32
  }
  func.func @transform_5(%arg0: i32) -> (i32, i32, i32) {
    %c0_i32 = arith.constant 0 : i32
    %c0_i32_0 = arith.constant 0 : i32
    %c0_i32_1 = arith.constant 0 : i32
    return %c0_i32, %arg0, %c0_i32_0 : i32, i32, i32
  }
}

module attributes {stable_mosaic.version = 14 : i64} {
  func.func @_tc_layer_body(%arg0: i32, %arg1: memref<2x1000x128xf32, #tpu.memory_space<vmem>>, %arg2: memref<2x1000x128xf32, #tpu.memory_space<vmem>>, %arg3: memref<2x128x256xf32, #tpu.memory_space<vmem>>, %arg4: memref<2x128x256xf32, #tpu.memory_space<vmem>>, %arg5: memref<1x256xf32, #tpu.memory_space<vmem>>, %arg6: memref<2x1000x128xf32, #tpu.memory_space<vmem>>) attributes {dimension_semantics = [#tpu.dimension_semantics<arbitrary>], iteration_bounds = array<i64: 10>, scalar_prefetch = 0 : i64, scratch_operands = 0 : i64, tpu.core_type = #tpu.core_type<tc>, window_params = [{transform_indices = @transform_0, window_bounds = array<i64: 2, 1000, 128>}, {transform_indices = @transform_1, window_bounds = array<i64: 2, 1000, 128>}, {pipeline_mode = #tpu.pipeline_mode<synchronous>, transform_indices = @transform_2, window_bounds = array<i64: 2, 128, 256>}, {pipeline_mode = #tpu.pipeline_mode<synchronous>, transform_indices = @transform_3, window_bounds = array<i64: 2, 128, 256>}, {pipeline_mode = #tpu.pipeline_mode<synchronous>, transform_indices = @transform_4, window_bounds = array<i64: 1, 256>}, {transform_indices = @transform_5, window_bounds = array<i64: 2, 1000, 128>}]} {
    %get3A = arith.constant 0 : index
    %get3A_0 = arith.constant 0 : index
    %get3A_1 = arith.constant 0 : index
    %get3A_2 = vector.load %arg1[%get3A, %get3A_0, %get3A_1] : memref<2x1000x128xf32, #tpu.memory_space<vmem>>, vector<1x1000x128xf32>
    %get3A_3 = vector.shape_cast %get3A_2 : vector<1x1000x128xf32> to vector<1000x128xf32>
    %get3A_4 = arith.constant 0 : index
    %get3A_5 = arith.constant 0 : index
    %get3A_6 = arith.constant 0 : index
    %get3A_7 = vector.load %arg3[%get3A_4, %get3A_5, %get3A_6] : memref<2x128x256xf32, #tpu.memory_space<vmem>>, vector<1x128x256xf32>
    %get3A_8 = vector.shape_cast %get3A_7 : vector<1x128x256xf32> to vector<128x256xf32>
    %dot_general3A = arith.constant dense<0.000000e+00> : vector<1000x256xf32>
    %dot_general3A_9 = tpu.matmul %get3A_3, %get3A_8, %dot_general3A {dimension_numbers = #tpu.dot_dimension_numbers<[1], [0], [0], [1], [0, 0, 1, 1], [], []>, transpose_lhs_hint = false} : vector<1000x128xf32>, vector<128x256xf32>, vector<1000x256xf32> -> vector<1000x256xf32>
    %get3A_10 = arith.constant 1 : index
    %get3A_11 = arith.constant 0 : index
    %get3A_12 = arith.constant 0 : index
    %get3A_13 = vector.load %arg1[%get3A_10, %get3A_11, %get3A_12] : memref<2x1000x128xf32, #tpu.memory_space<vmem>>, vector<1x1000x128xf32>
    %get3A_14 = vector.shape_cast %get3A_13 : vector<1x1000x128xf32> to vector<1000x128xf32>
    %get3A_15 = arith.constant 1 : index
    %get3A_16 = arith.constant 0 : index
    %get3A_17 = arith.constant 0 : index
    %get3A_18 = vector.load %arg3[%get3A_15, %get3A_16, %get3A_17] : memref<2x128x256xf32, #tpu.memory_space<vmem>>, vector<1x128x256xf32>
    %get3A_19 = vector.shape_cast %get3A_18 : vector<1x128x256xf32> to vector<128x256xf32>
    %dot_general3A_20 = arith.constant dense<0.000000e+00> : vector<1000x256xf32>
    %dot_general3A_21 = tpu.matmul %get3A_14, %get3A_19, %dot_general3A_20 {dimension_numbers = #tpu.dot_dimension_numbers<[1], [0], [0], [1], [0, 0, 1, 1], [], []>, transpose_lhs_hint = false} : vector<1000x128xf32>, vector<128x256xf32>, vector<1000x256xf32> -> vector<1000x256xf32>
    %add3A = arith.addf %dot_general3A_9, %dot_general3A_21 : vector<1000x256xf32>
    %get3A_22 = arith.constant 0 : index
    %get3A_23 = arith.constant 0 : index
    %get3A_24 = arith.constant 0 : index
    %get3A_25 = vector.load %arg2[%get3A_22, %get3A_23, %get3A_24] : memref<2x1000x128xf32, #tpu.memory_space<vmem>>, vector<1x1000x128xf32>
    %get3A_26 = vector.shape_cast %get3A_25 : vector<1x1000x128xf32> to vector<1000x128xf32>
    %get3A_27 = arith.constant 0 : index
    %get3A_28 = arith.constant 0 : index
    %get3A_29 = arith.constant 0 : index
    %get3A_30 = vector.load %arg4[%get3A_27, %get3A_28, %get3A_29] : memref<2x128x256xf32, #tpu.memory_space<vmem>>, vector<1x128x256xf32>
    %get3A_31 = vector.shape_cast %get3A_30 : vector<1x128x256xf32> to vector<128x256xf32>
    %dot_general3A_32 = arith.constant dense<0.000000e+00> : vector<1000x256xf32>
    %dot_general3A_33 = tpu.matmul %get3A_26, %get3A_31, %dot_general3A_32 {dimension_numbers = #tpu.dot_dimension_numbers<[1], [0], [0], [1], [0, 0, 1, 1], [], []>, transpose_lhs_hint = false} : vector<1000x128xf32>, vector<128x256xf32>, vector<1000x256xf32> -> vector<1000x256xf32>
    %add3A_34 = arith.addf %add3A, %dot_general3A_33 : vector<1000x256xf32>
    %get3A_35 = arith.constant 1 : index
    %get3A_36 = arith.constant 0 : index
    %get3A_37 = arith.constant 0 : index
    %get3A_38 = vector.load %arg2[%get3A_35, %get3A_36, %get3A_37] : memref<2x1000x128xf32, #tpu.memory_space<vmem>>, vector<1x1000x128xf32>
    %get3A_39 = vector.shape_cast %get3A_38 : vector<1x1000x128xf32> to vector<1000x128xf32>
    %get3A_40 = arith.constant 1 : index
    %get3A_41 = arith.constant 0 : index
    %get3A_42 = arith.constant 0 : index
    %get3A_43 = vector.load %arg4[%get3A_40, %get3A_41, %get3A_42] : memref<2x128x256xf32, #tpu.memory_space<vmem>>, vector<1x128x256xf32>
    %get3A_44 = vector.shape_cast %get3A_43 : vector<1x128x256xf32> to vector<128x256xf32>
    %dot_general3A_45 = arith.constant dense<0.000000e+00> : vector<1000x256xf32>
    %dot_general3A_46 = tpu.matmul %get3A_39, %get3A_44, %dot_general3A_45 {dimension_numbers = #tpu.dot_dimension_numbers<[1], [0], [0], [1], [0, 0, 1, 1], [], []>, transpose_lhs_hint = false} : vector<1000x128xf32>, vector<128x256xf32>, vector<1000x256xf32> -> vector<1000x256xf32>
    %add3A_47 = arith.addf %add3A_34, %dot_general3A_46 : vector<1000x256xf32>
    %get3A_48 = arith.constant 0 : index
    %get3A_49 = arith.constant 0 : index
    %get3A_50 = vector.load %arg5[%get3A_48, %get3A_49] : memref<1x256xf32, #tpu.memory_space<vmem>>, vector<1x256xf32>
    %add3A_51 = vector.broadcast %get3A_50 : vector<1x256xf32> to vector<1000x256xf32>
    %add3A_52 = arith.addf %add3A_47, %add3A_51 : vector<1000x256xf32>
    %max3A = arith.constant 0.000000e+00 : f32
    %max3A_53 = vector.broadcast %max3A : f32 to vector<1000x256xf32>
    %max3A_54 = arith.maximumf %add3A_52, %max3A_53 : vector<1000x256xf32>
    %slice3A = vector.extract_strided_slice %max3A_54 {offsets = [0, 0], sizes = [1000, 128], strides = [1, 1]} : vector<1000x256xf32> to vector<1000x128xf32>
    %swap3A = arith.constant 0 : index
    %swap3A_55 = arith.constant 0 : index
    %swap3A_56 = arith.constant 0 : index
    %swap3A_57 = vector.load %arg6[%swap3A, %swap3A_55, %swap3A_56] : memref<2x1000x128xf32, #tpu.memory_space<vmem>>, vector<1x1000x128xf32>
    %swap3A_58 = vector.shape_cast %swap3A_57 : vector<1x1000x128xf32> to vector<1000x128xf32>
    %swap3A_59 = vector.shape_cast %slice3A : vector<1000x128xf32> to vector<1x1000x128xf32>
    tpu.vector_store %arg6[%swap3A, %swap3A_55, %swap3A_56], %swap3A_59 {strides = array<i32>} : memref<2x1000x128xf32, #tpu.memory_space<vmem>>, vector<1x1000x128xf32>,
    %slice3A_60 = vector.extract_strided_slice %max3A_54 {offsets = [0, 128], sizes = [1000, 128], strides = [1, 1]} : vector<1000x256xf32> to vector<1000x128xf32>
    %swap3A_61 = arith.constant 1 : index
    %swap3A_62 = arith.constant 0 : index
    %swap3A_63 = arith.constant 0 : index
    %swap3A_64 = vector.load %arg6[%swap3A_61, %swap3A_62, %swap3A_63] : memref<2x1000x128xf32, #tpu.memory_space<vmem>>, vector<1x1000x128xf32>
    %swap3A_65 = vector.shape_cast %swap3A_64 : vector<1x1000x128xf32> to vector<1000x128xf32>
    %swap3A_66 = vector.shape_cast %slice3A_60 : vector<1000x128xf32> to vector<1x1000x128xf32>
    tpu.vector_store %arg6[%swap3A_61, %swap3A_62, %swap3A_63], %swap3A_66 {strides = array<i32>} : memref<2x1000x128xf32, #tpu.memory_space<vmem>>, vector<1x1000x128xf32>,
    return
  }
  func.func @transform_0(%arg0: i32) -> (i32, i32, i32) {
    %c0_i32 = arith.constant 0 : i32
    %c0_i32_0 = arith.constant 0 : i32
    %c0_i32_1 = arith.constant 0 : i32
    return %c0_i32, %arg0, %c0_i32_0 : i32, i32, i32
  }
  func.func @transform_1(%arg0: i32) -> (i32, i32, i32) {
    %c0_i32 = arith.constant 0 : i32
    %c0_i32_0 = arith.constant 0 : i32
    %c0_i32_1 = arith.constant 0 : i32
    return %c0_i32, %arg0, %c0_i32_0 : i32, i32, i32
  }
  func.func @transform_2(%arg0: i32) -> (i32, i32, i32) {
    %c0_i32 = arith.constant 0 : i32
    %c0_i32_0 = arith.constant 0 : i32
    %c0_i32_1 = arith.constant 0 : i32
    %c0_i32_2 = arith.constant 0 : i32
    return %c0_i32, %c0_i32_0, %c0_i32_1 : i32, i32, i32
  }
  func.func @transform_3(%arg0: i32) -> (i32, i32, i32) {
    %c0_i32 = arith.constant 0 : i32
    %c0_i32_0 = arith.constant 0 : i32
    %c0_i32_1 = arith.constant 0 : i32
    %c0_i32_2 = arith.constant 0 : i32
    return %c0_i32, %c0_i32_0, %c0_i32_1 : i32, i32, i32
  }
  func.func @transform_4(%arg0: i32) -> (i32, i32) {
    %c0_i32 = arith.constant 0 : i32
    %c0_i32_0 = arith.constant 0 : i32
    %c0_i32_1 = arith.constant 0 : i32
    return %c0_i32, %c0_i32_0 : i32, i32
  }
  func.func @transform_5(%arg0: i32) -> (i32, i32, i32) {
    %c0_i32 = arith.constant 0 : i32
    %c0_i32_0 = arith.constant 0 : i32
    %c0_i32_1 = arith.constant 0 : i32
    return %c0_i32, %arg0, %c0_i32_0 : i32, i32, i32
  }
}

module attributes {stable_mosaic.version = 14 : i64} {
  func.func @_tc_layer3_body(%arg0: i32, %arg1: memref<2x1000x128xf32, #tpu.memory_space<vmem>>, %arg2: memref<2x1000x128xf32, #tpu.memory_space<vmem>>, %arg3: memref<2x128x256xf32, #tpu.memory_space<vmem>>, %arg4: memref<2x128x256xf32, #tpu.memory_space<vmem>>, %arg5: memref<1x256xf32, #tpu.memory_space<vmem>>, %arg6: memref<1x1x1000xi32, #tpu.memory_space<vmem>>, %arg7: memref<256x256xf32, #tpu.memory_space<vmem>>, %arg8: memref<1x256xf32, #tpu.memory_space<vmem>>, %arg9: memref<256x128xf32, #tpu.memory_space<vmem>>, %arg10: memref<1x128xf32, #tpu.memory_space<vmem>>, %arg11: memref<1000x256xf32, #tpu.memory_space<vmem>>, %arg12: memref<16x256xf32, #tpu.memory_space<vmem>>, %arg13: memref<16x128xf32, #tpu.memory_space<vmem>>, %arg14: memref<16x128xf32, #tpu.memory_space<vmem>>) attributes {dimension_semantics = [#tpu.dimension_semantics<arbitrary>], iteration_bounds = array<i64: 10>, scalar_prefetch = 0 : i64, scratch_operands = 0 : i64, tpu.core_type = #tpu.core_type<tc>, window_params = [{transform_indices = @transform_0, window_bounds = array<i64: 2, 1000, 128>}, {transform_indices = @transform_1, window_bounds = array<i64: 2, 1000, 128>}, {pipeline_mode = #tpu.pipeline_mode<synchronous>, transform_indices = @transform_2, window_bounds = array<i64: 2, 128, 256>}, {pipeline_mode = #tpu.pipeline_mode<synchronous>, transform_indices = @transform_3, window_bounds = array<i64: 2, 128, 256>}, {pipeline_mode = #tpu.pipeline_mode<synchronous>, transform_indices = @transform_4, window_bounds = array<i64: 1, 256>}, {transform_indices = @transform_5, window_bounds = array<i64: 1, 1, 1000>}, {pipeline_mode = #tpu.pipeline_mode<synchronous>, transform_indices = @transform_6, window_bounds = array<i64: 256, 256>}, {pipeline_mode = #tpu.pipeline_mode<synchronous>, transform_indices = @transform_7, window_bounds = array<i64: 1, 256>}, {pipeline_mode = #tpu.pipeline_mode<synchronous>, transform_indices = @transform_8, window_bounds = array<i64: 256, 128>}, {pipeline_mode = #tpu.pipeline_mode<synchronous>, transform_indices = @transform_9, window_bounds = array<i64: 1, 128>}, {transform_indices = @transform_10, window_bounds = array<i64: 1000, 256>}, {pipeline_mode = #tpu.pipeline_mode<synchronous>, transform_indices = @transform_11, window_bounds = array<i64: 16, 256>}, {pipeline_mode = #tpu.pipeline_mode<synchronous>, transform_indices = @transform_12, window_bounds = array<i64: 16, 128>}, {pipeline_mode = #tpu.pipeline_mode<synchronous>, transform_indices = @transform_13, window_bounds = array<i64: 16, 128>}]} {
    %get3A = arith.constant 0 : index
    %get3A_0 = arith.constant 0 : index
    %get3A_1 = arith.constant 0 : index
    %get3A_2 = vector.load %arg1[%get3A, %get3A_0, %get3A_1] : memref<2x1000x128xf32, #tpu.memory_space<vmem>>, vector<1x1000x128xf32>
    %get3A_3 = vector.shape_cast %get3A_2 : vector<1x1000x128xf32> to vector<1000x128xf32>
    %get3A_4 = arith.constant 0 : index
    %get3A_5 = arith.constant 0 : index
    %get3A_6 = arith.constant 0 : index
    %get3A_7 = vector.load %arg3[%get3A_4, %get3A_5, %get3A_6] : memref<2x128x256xf32, #tpu.memory_space<vmem>>, vector<1x128x256xf32>
    %get3A_8 = vector.shape_cast %get3A_7 : vector<1x128x256xf32> to vector<128x256xf32>
    %dot_general3A = arith.constant dense<0.000000e+00> : vector<1000x256xf32>
    %dot_general3A_9 = tpu.matmul %get3A_3, %get3A_8, %dot_general3A {dimension_numbers = #tpu.dot_dimension_numbers<[1], [0], [0], [1], [0, 0, 1, 1], [], []>, transpose_lhs_hint = false} : vector<1000x128xf32>, vector<128x256xf32>, vector<1000x256xf32> -> vector<1000x256xf32>
    %get3A_10 = arith.constant 1 : index
    %get3A_11 = arith.constant 0 : index
    %get3A_12 = arith.constant 0 : index
    %get3A_13 = vector.load %arg1[%get3A_10, %get3A_11, %get3A_12] : memref<2x1000x128xf32, #tpu.memory_space<vmem>>, vector<1x1000x128xf32>
    %get3A_14 = vector.shape_cast %get3A_13 : vector<1x1000x128xf32> to vector<1000x128xf32>
    %get3A_15 = arith.constant 1 : index
    %get3A_16 = arith.constant 0 : index
    %get3A_17 = arith.constant 0 : index
    %get3A_18 = vector.load %arg3[%get3A_15, %get3A_16, %get3A_17] : memref<2x128x256xf32, #tpu.memory_space<vmem>>, vector<1x128x256xf32>
    %get3A_19 = vector.shape_cast %get3A_18 : vector<1x128x256xf32> to vector<128x256xf32>
    %dot_general3A_20 = arith.constant dense<0.000000e+00> : vector<1000x256xf32>
    %dot_general3A_21 = tpu.matmul %get3A_14, %get3A_19, %dot_general3A_20 {dimension_numbers = #tpu.dot_dimension_numbers<[1], [0], [0], [1], [0, 0, 1, 1], [], []>, transpose_lhs_hint = false} : vector<1000x128xf32>, vector<128x256xf32>, vector<1000x256xf32> -> vector<1000x256xf32>
    %add3A = arith.addf %dot_general3A_9, %dot_general3A_21 : vector<1000x256xf32>
    %get3A_22 = arith.constant 0 : index
    %get3A_23 = arith.constant 0 : index
    %get3A_24 = arith.constant 0 : index
    %get3A_25 = vector.load %arg2[%get3A_22, %get3A_23, %get3A_24] : memref<2x1000x128xf32, #tpu.memory_space<vmem>>, vector<1x1000x128xf32>
    %get3A_26 = vector.shape_cast %get3A_25 : vector<1x1000x128xf32> to vector<1000x128xf32>
    %get3A_27 = arith.constant 0 : index
    %get3A_28 = arith.constant 0 : index
    %get3A_29 = arith.constant 0 : index
    %get3A_30 = vector.load %arg4[%get3A_27, %get3A_28, %get3A_29] : memref<2x128x256xf32, #tpu.memory_space<vmem>>, vector<1x128x256xf32>
    %get3A_31 = vector.shape_cast %get3A_30 : vector<1x128x256xf32> to vector<128x256xf32>
    %dot_general3A_32 = arith.constant dense<0.000000e+00> : vector<1000x256xf32>
    %dot_general3A_33 = tpu.matmul %get3A_26, %get3A_31, %dot_general3A_32 {dimension_numbers = #tpu.dot_dimension_numbers<[1], [0], [0], [1], [0, 0, 1, 1], [], []>, transpose_lhs_hint = false} : vector<1000x128xf32>, vector<128x256xf32>, vector<1000x256xf32> -> vector<1000x256xf32>
    %add3A_34 = arith.addf %add3A, %dot_general3A_33 : vector<1000x256xf32>
    %get3A_35 = arith.constant 1 : index
    %get3A_36 = arith.constant 0 : index
    %get3A_37 = arith.constant 0 : index
    %get3A_38 = vector.load %arg2[%get3A_35, %get3A_36, %get3A_37] : memref<2x1000x128xf32, #tpu.memory_space<vmem>>, vector<1x1000x128xf32>
    %get3A_39 = vector.shape_cast %get3A_38 : vector<1x1000x128xf32> to vector<1000x128xf32>
    %get3A_40 = arith.constant 1 : index
    %get3A_41 = arith.constant 0 : index
    %get3A_42 = arith.constant 0 : index
    %get3A_43 = vector.load %arg4[%get3A_40, %get3A_41, %get3A_42] : memref<2x128x256xf32, #tpu.memory_space<vmem>>, vector<1x128x256xf32>
    %get3A_44 = vector.shape_cast %get3A_43 : vector<1x128x256xf32> to vector<128x256xf32>
    %dot_general3A_45 = arith.constant dense<0.000000e+00> : vector<1000x256xf32>
    %dot_general3A_46 = tpu.matmul %get3A_39, %get3A_44, %dot_general3A_45 {dimension_numbers = #tpu.dot_dimension_numbers<[1], [0], [0], [1], [0, 0, 1, 1], [], []>, transpose_lhs_hint = false} : vector<1000x128xf32>, vector<128x256xf32>, vector<1000x256xf32> -> vector<1000x256xf32>
    %add3A_47 = arith.addf %add3A_34, %dot_general3A_46 : vector<1000x256xf32>
    %get3A_48 = arith.constant 0 : index
    %get3A_49 = arith.constant 0 : index
    %get3A_50 = vector.load %arg5[%get3A_48, %get3A_49] : memref<1x256xf32, #tpu.memory_space<vmem>>, vector<1x256xf32>
    %add3A_51 = vector.broadcast %get3A_50 : vector<1x256xf32> to vector<1000x256xf32>
    %add3A_52 = arith.addf %add3A_47, %add3A_51 : vector<1000x256xf32>
    %swap3A = arith.constant 0 : index
    %swap3A_53 = arith.constant 0 : index
    %swap3A_54 = vector.load %arg11[%swap3A, %swap3A_53] : memref<1000x256xf32, #tpu.memory_space<vmem>>, vector<1000x256xf32>
    tpu.vector_store %arg11[%swap3A, %swap3A_53], %add3A_52 {strides = array<i32>} : memref<1000x256xf32, #tpu.memory_space<vmem>>, vector<1000x256xf32>,
    %max3A = arith.constant 0.000000e+00 : f32
    %max3A_55 = vector.broadcast %max3A : f32 to vector<1000x256xf32>
    %max3A_56 = arith.maximumf %add3A_52, %max3A_55 : vector<1000x256xf32>
    %get3A_57 = arith.constant 0 : index
    %get3A_58 = arith.constant 0 : index
    %get3A_59 = arith.constant 0 : index
    %get3A_60 = vector.load %arg6[%get3A_57, %get3A_58, %get3A_59] : memref<1x1x1000xi32, #tpu.memory_space<vmem>>, vector<1x1x1000xi32>
    %get3A_61 = vector.shape_cast %get3A_60 : vector<1x1x1000xi32> to vector<1x1000xi32>
    %iota3A = tpu.iota {dimensions = array<i32: 0>} : vector<16x1000xi32>
    %eq3A = vector.broadcast %get3A_61 : vector<1x1000xi32> to vector<16x1000xi32>
    %eq3A_62 = arith.cmpi eq, %eq3A, %iota3A : vector<16x1000xi32>
    %jit3A = arith.constant 1.000000e+00 : f32
    %jit3A_63 = arith.constant 0.000000e+00 : f32
    %broadcast_in_dim3A = vector.broadcast %jit3A : f32 to vector<16x1000xf32>
    %broadcast_in_dim3A_64 = vector.broadcast %jit3A_63 : f32 to vector<16x1000xf32>
    %select_n3A = arith.select %eq3A_62, %broadcast_in_dim3A, %broadcast_in_dim3A_64 : vector<16x1000xi1>, vector<16x1000xf32>
    %eq3A_65 = arith.constant 0 : i32
    %eq3A_66 = arith.cmpi eq, %arg0, %eq3A_65 : i32
    %convert_element_type3A = arith.extui %eq3A_66 : i1 to i32
    %cond3A = arith.constant 0 : i32
    %cond3A_67 = arith.cmpi ne, %convert_element_type3A, %cond3A : i32
    scf.if %cond3A_67 {
      %broadcast_in_dim3A_93 = arith.constant 0.000000e+00 : f32
      %broadcast_in_dim3A_94 = vector.broadcast %broadcast_in_dim3A_93 : f32 to vector<16x256xf32>
      %swap3A_95 = arith.constant 0 : index
      %swap3A_96 = arith.constant 0 : index
      %swap3A_97 = vector.load %arg12[%swap3A_95, %swap3A_96] : memref<16x256xf32, #tpu.memory_space<vmem>>, vector<16x256xf32>
      tpu.vector_store %arg12[%swap3A_95, %swap3A_96], %broadcast_in_dim3A_94 {strides = array<i32>} : memref<16x256xf32, #tpu.memory_space<vmem>>, vector<16x256xf32>,
      %broadcast_in_dim3A_98 = arith.constant 0.000000e+00 : f32
      %broadcast_in_dim3A_99 = vector.broadcast %broadcast_in_dim3A_98 : f32 to vector<16x128xf32>
      %swap3A_100 = arith.constant 0 : index
      %swap3A_101 = arith.constant 0 : index
      %swap3A_102 = vector.load %arg13[%swap3A_100, %swap3A_101] : memref<16x128xf32, #tpu.memory_space<vmem>>, vector<16x128xf32>
      tpu.vector_store %arg13[%swap3A_100, %swap3A_101], %broadcast_in_dim3A_99 {strides = array<i32>} : memref<16x128xf32, #tpu.memory_space<vmem>>, vector<16x128xf32>,
    } else {
    }
    %get3A_68 = arith.constant 0 : index
    %get3A_69 = arith.constant 0 : index
    %get3A_70 = vector.load %arg12[%get3A_68, %get3A_69] : memref<16x256xf32, #tpu.memory_space<vmem>>, vector<16x256xf32>
    %dot_general3A_71 = arith.constant dense<0.000000e+00> : vector<16x256xf32>
    %dot_general3A_72 = tpu.matmul %select_n3A, %max3A_56, %dot_general3A_71 {dimension_numbers = #tpu.dot_dimension_numbers<[1], [0], [0], [1], [0, 0, 1, 1], [], []>, transpose_lhs_hint = false} : vector<16x1000xf32>, vector<1000x256xf32>, vector<16x256xf32> -> vector<16x256xf32>
    %add3A_73 = arith.addf %get3A_70, %dot_general3A_72 : vector<16x256xf32>
    %swap3A_74 = arith.constant 0 : index
    %swap3A_75 = arith.constant 0 : index
    %swap3A_76 = vector.load %arg12[%swap3A_74, %swap3A_75] : memref<16x256xf32, #tpu.memory_space<vmem>>, vector<16x256xf32>
    tpu.vector_store %arg12[%swap3A_74, %swap3A_75], %add3A_73 {strides = array<i32>} : memref<16x256xf32, #tpu.memory_space<vmem>>, vector<16x256xf32>,
    %get3A_77 = arith.constant 0 : index
    %get3A_78 = arith.constant 0 : index
    %get3A_79 = vector.load %arg13[%get3A_77, %get3A_78] : memref<16x128xf32, #tpu.memory_space<vmem>>, vector<16x128xf32>
    %broadcast_in_dim3A_80 = arith.constant 1.000000e+00 : f32
    %broadcast_in_dim3A_81 = vector.broadcast %broadcast_in_dim3A_80 : f32 to vector<1000x128xf32>
    %dot_general3A_82 = arith.constant dense<0.000000e+00> : vector<16x128xf32>
    %dot_general3A_83 = tpu.matmul %select_n3A, %broadcast_in_dim3A_81, %dot_general3A_82 {dimension_numbers = #tpu.dot_dimension_numbers<[1], [0], [0], [1], [0, 0, 1, 1], [], []>, transpose_lhs_hint = false} : vector<16x1000xf32>, vector<1000x128xf32>, vector<16x128xf32> -> vector<16x128xf32>
    %add3A_84 = arith.addf %get3A_79, %dot_general3A_83 : vector<16x128xf32>
    %swap3A_85 = arith.constant 0 : index
    %swap3A_86 = arith.constant 0 : index
    %swap3A_87 = vector.load %arg13[%swap3A_85, %swap3A_86] : memref<16x128xf32, #tpu.memory_space<vmem>>, vector<16x128xf32>
    tpu.vector_store %arg13[%swap3A_85, %swap3A_86], %add3A_84 {strides = array<i32>} : memref<16x128xf32, #tpu.memory_space<vmem>>, vector<16x128xf32>,
    %eq3A_88 = arith.constant 9 : i32
    %eq3A_89 = arith.cmpi eq, %arg0, %eq3A_88 : i32
    %convert_element_type3A_90 = arith.extui %eq3A_89 : i1 to i32
    %cond3A_91 = arith.constant 0 : i32
    %cond3A_92 = arith.cmpi ne, %convert_element_type3A_90, %cond3A_91 : i32
    scf.if %cond3A_92 {
      %get3A_93 = arith.constant 0 : index
      %get3A_94 = arith.constant 0 : index
      %get3A_95 = vector.load %arg13[%get3A_93, %get3A_94] : memref<16x128xf32, #tpu.memory_space<vmem>>, vector<16x1xf32>
      %max3A_96 = arith.constant 1.000000e+00 : f32
      %max3A_97 = vector.broadcast %max3A_96 : f32 to vector<16x1xf32>
      %max3A_98 = arith.maximumf %get3A_95, %max3A_97 : vector<16x1xf32>
      %get3A_99 = arith.constant 0 : index
      %get3A_100 = arith.constant 0 : index
      %get3A_101 = vector.load %arg12[%get3A_99, %get3A_100] : memref<16x256xf32, #tpu.memory_space<vmem>>, vector<16x256xf32>
      %div3A = vector.broadcast %max3A_98 : vector<16x1xf32> to vector<16x256xf32>
      %div3A_102 = arith.divf %get3A_101, %div3A : vector<16x256xf32>
      %get3A_103 = arith.constant 0 : index
      %get3A_104 = arith.constant 0 : index
      %get3A_105 = vector.load %arg7[%get3A_103, %get3A_104] : memref<256x256xf32, #tpu.memory_space<vmem>>, vector<256x256xf32>
      %dot_general3A_106 = arith.constant dense<0.000000e+00> : vector<16x256xf32>
      %dot_general3A_107 = tpu.matmul %div3A_102, %get3A_105, %dot_general3A_106 {dimension_numbers = #tpu.dot_dimension_numbers<[1], [0], [0], [1], [0, 0, 1, 1], [], []>, transpose_lhs_hint = false} : vector<16x256xf32>, vector<256x256xf32>, vector<16x256xf32> -> vector<16x256xf32>
      %get3A_108 = arith.constant 0 : index
      %get3A_109 = arith.constant 0 : index
      %get3A_110 = vector.load %arg8[%get3A_108, %get3A_109] : memref<1x256xf32, #tpu.memory_space<vmem>>, vector<1x256xf32>
      %add3A_111 = vector.broadcast %get3A_110 : vector<1x256xf32> to vector<16x256xf32>
      %add3A_112 = arith.addf %dot_general3A_107, %add3A_111 : vector<16x256xf32>
      %get3A_113 = arith.constant 0 : index
      %get3A_114 = arith.constant 0 : index
      %get3A_115 = vector.load %arg9[%get3A_113, %get3A_114] : memref<256x128xf32, #tpu.memory_space<vmem>>, vector<256x128xf32>
      %dot_general3A_116 = arith.constant dense<0.000000e+00> : vector<16x128xf32>
      %dot_general3A_117 = tpu.matmul %add3A_112, %get3A_115, %dot_general3A_116 {dimension_numbers = #tpu.dot_dimension_numbers<[1], [0], [0], [1], [0, 0, 1, 1], [], []>, transpose_lhs_hint = false} : vector<16x256xf32>, vector<256x128xf32>, vector<16x128xf32> -> vector<16x128xf32>
      %get3A_118 = arith.constant 0 : index
      %get3A_119 = arith.constant 0 : index
      %get3A_120 = vector.load %arg10[%get3A_118, %get3A_119] : memref<1x128xf32, #tpu.memory_space<vmem>>, vector<1x128xf32>
      %add3A_121 = vector.broadcast %get3A_120 : vector<1x128xf32> to vector<16x128xf32>
      %add3A_122 = arith.addf %dot_general3A_117, %add3A_121 : vector<16x128xf32>
      %swap3A_123 = arith.constant 0 : index
      %swap3A_124 = arith.constant 0 : index
      %swap3A_125 = vector.load %arg14[%swap3A_123, %swap3A_124] : memref<16x128xf32, #tpu.memory_space<vmem>>, vector<16x128xf32>
      tpu.vector_store %arg14[%swap3A_123, %swap3A_124], %add3A_122 {strides = array<i32>} : memref<16x128xf32, #tpu.memory_space<vmem>>, vector<16x128xf32>,
    } else {
    }
    return
  }
  func.func @transform_0(%arg0: i32) -> (i32, i32, i32) {
    %c0_i32 = arith.constant 0 : i32
    %c0_i32_0 = arith.constant 0 : i32
    %c0_i32_1 = arith.constant 0 : i32
    return %c0_i32, %arg0, %c0_i32_0 : i32, i32, i32
  }
  func.func @transform_1(%arg0: i32) -> (i32, i32, i32) {
    %c0_i32 = arith.constant 0 : i32
    %c0_i32_0 = arith.constant 0 : i32
    %c0_i32_1 = arith.constant 0 : i32
    return %c0_i32, %arg0, %c0_i32_0 : i32, i32, i32
  }
  func.func @transform_2(%arg0: i32) -> (i32, i32, i32) {
    %c0_i32 = arith.constant 0 : i32
    %c0_i32_0 = arith.constant 0 : i32
    %c0_i32_1 = arith.constant 0 : i32
    %c0_i32_2 = arith.constant 0 : i32
    return %c0_i32, %c0_i32_0, %c0_i32_1 : i32, i32, i32
  }
  func.func @transform_3(%arg0: i32) -> (i32, i32, i32) {
    %c0_i32 = arith.constant 0 : i32
    %c0_i32_0 = arith.constant 0 : i32
    %c0_i32_1 = arith.constant 0 : i32
    %c0_i32_2 = arith.constant 0 : i32
    return %c0_i32, %c0_i32_0, %c0_i32_1 : i32, i32, i32
  }
  func.func @transform_4(%arg0: i32) -> (i32, i32) {
    %c0_i32 = arith.constant 0 : i32
    %c0_i32_0 = arith.constant 0 : i32
    %c0_i32_1 = arith.constant 0 : i32
    return %c0_i32, %c0_i32_0 : i32, i32
  }
  func.func @transform_5(%arg0: i32) -> (i32, i32, i32) {
    %c0_i32 = arith.constant 0 : i32
    %c0_i32_0 = arith.constant 0 : i32
    %c0_i32_1 = arith.constant 0 : i32
    return %arg0, %c0_i32, %c0_i32_0 : i32, i32, i32
  }
  func.func @transform_6(%arg0: i32) -> (i32, i32) {
    %c0_i32 = arith.constant 0 : i32
    %c0_i32_0 = arith.constant 0 : i32
    %c0_i32_1 = arith.constant 0 : i32
    return %c0_i32, %c0_i32_0 : i32, i32
  }
  func.func @transform_7(%arg0: i32) -> (i32, i32) {
    %c0_i32 = arith.constant 0 : i32
    %c0_i32_0 = arith.constant 0 : i32
    %c0_i32_1 = arith.constant 0 : i32
    return %c0_i32, %c0_i32_0 : i32, i32
  }
  func.func @transform_8(%arg0: i32) -> (i32, i32) {
    %c0_i32 = arith.constant 0 : i32
    %c0_i32_0 = arith.constant 0 : i32
    %c0_i32_1 = arith.constant 0 : i32
    return %c0_i32, %c0_i32_0 : i32, i32
  }
  func.func @transform_9(%arg0: i32) -> (i32, i32) {
    %c0_i32 = arith.constant 0 : i32
    %c0_i32_0 = arith.constant 0 : i32
    %c0_i32_1 = arith.constant 0 : i32
    return %c0_i32, %c0_i32_0 : i32, i32
  }
  func.func @transform_10(%arg0: i32) -> (i32, i32) {
    %c0_i32 = arith.constant 0 : i32
    %c0_i32_0 = arith.constant 0 : i32
    return %arg0, %c0_i32 : i32, i32
  }
  func.func @transform_11(%arg0: i32) -> (i32, i32) {
    %c0_i32 = arith.constant 0 : i32
    %c0_i32_0 = arith.constant 0 : i32
    %c0_i32_1 = arith.constant 0 : i32
    return %c0_i32, %c0_i32_0 : i32, i32
  }
  func.func @transform_12(%arg0: i32) -> (i32, i32) {
    %c0_i32 = arith.constant 0 : i32
    %c0_i32_0 = arith.constant 0 : i32
    %c0_i32_1 = arith.constant 0 : i32
    return %c0_i32, %c0_i32_0 : i32, i32
  }
  func.func @transform_13(%arg0: i32) -> (i32, i32) {
    %c0_i32 = arith.constant 0 : i32
    %c0_i32_0 = arith.constant 0 : i32
    %c0_i32_1 = arith.constant 0 : i32
    return %c0_i32, %c0_i32_0 : i32, i32
  }
}

</mosaic_0001>

<sc_bundles>
// kernel: kernel.11.cloned.1.call-start
scs
__scs_entry_jumppad:
0x0: {  	(pc) =	sbr.rel $0x88, $3  }
0x1: {  	(tag) =	ssettag $0x0;
	lr =	simm.s32 $0x1  }
0x2: {  	[smem:$0x3F91] =	sst lr;
	_ =	strace $0xD0000000  }
0x3: {  	_ = 	snop  }
0x4: {  	_ = 	snop  }
0x5: {  	_ = 	snop  }
0x6: {  	_ = 	snop  }
0x7: {  	_ = 	snop  }
__scs_overlays_trampoline_lowered:
0x8: {  	[smem:$0x3FA0] =	sst s0  }
0x9: {  	[smem:$0x3FA1] =	sst s1  }
0xa: {  	[smem:$0x3FA2] =	sst s2  }
0xb: {  	[smem:$0x3FA3] =	sst s3  }
0xc: {  	[smem:$0x3FA4] =	sst s4  }
0xd: {  	[smem:$0x3FA5] =	sst s5  }
0xe: {  	[smem:$0x3FA6] =	sst s6  }
0xf: {  	[smem:$0x3FA7] =	sst s7  }
0x10: {  	[smem:$0x3FA8] =	sst s8  }
0x11: {  	[smem:$0x3FA9] =	sst s9;
	s0 =	simm.s32 @!p0 $0x0  }
0x12: {  	s1 =	sld [smem:$0x3F8F];
	s0 =	simm.s32 @p0 $0x1  }
0x13: {  	[smem:$0x3FAA] =	sst s0;
	s0 =	simm.s32 @!p1 $0x0  }
0x14: {  	s2 =	sld [smem:$0x3F8E];
	s0 =	simm.s32 @p1 $0x1  }
0x15: {  	[smem:$0x3FAB] =	sst s0;
	s0 =	simm.s32 @!p2 $0x0  }
0x16: {  	s3 =	sld [smem:$0x3FDB];
	s0 =	simm.s32 @p2 $0x1  }
0x17: {  	s4 =	simm.s32 $0x1BF5;
	[smem:$0x3FAD] =	sst s0  }
0x18: {  	s0 =	sld [smem:$0x3F90];
	_ =	swait.ge [sflag:s4], $0x0  }
0x19: {  	s7 =	sld [smem:$0x3F91]  }
0x1a: {  	s8 =	sadd.s32 $0xFFFFE003, lr  }
0x1b: {  	s9 =	sadd.s32 $0xFFFFFEF7, lr;
	s5 =	simm.s32 $0xFFFFFFFF;
	p2 =	slt.u32 s8, $0xFFFFF086  }
0x1c: {  	p1 =	slt.u32 s9, $0xF7A;
	s5 =	simm.s32 @!p2 $0x0  }
0x1d: {  	s5 =	simm.s32 @p1 $0x1;
	p0 =	seq.s32 s7, s2  }
0x1e: {  	s7 =	smul.u32 @!p0 $0xF7A, s2;
	p2 =	seq.s32 @!p0 s5, $0x0  }
0x1f: {  	s9 =	smul.u32 $0xF7A, s1;
	s8 =	simm.s32 @!p0 $0x1BF5;
	p2 =	por !p2, p0  }
0x20: {  	[sflag:s8] =	ssyncset.s32 @!p0 $0xFFFFF086;
	s6 =	sadd.s32 @!p0 s3, s7;
	s7 =	simm.s32 @!p0 $0x108  }
0x21: {  	s3 =	sadd.s32 s3, s9;
	s6 =	sadd.s32 @!p0 $0x88, s6;
	s7 =	simm.s32 @p2 $0x1082  }
0x22: {  	[simem:s7], [sflag:s8] =	dma.local @!p0 [hbm:s6], $0xF7A  }
0x23: {  	s9 =	sor.u32 $0xD0000000, s2;
	s6 =	simm.s32 $0x108;
	_ =	swait.ge @!p0 [sflag:s8], $0x0  }
0x24: {  	s3 =	sadd.s32 $0x88, s3;
	s6 =	simm.s32 @!p1 $0x1082;
	[sflag:s4] =	ssyncset.s32 $0xFFFFF086  }
0x25: {  	[simem:s6], [sflag:s4] =	dma.local [hbm:s3], $0xF7A  }
0x26: {  	[smem:$0x3F91] =	sst s1;
	(tag) =	ssettag s2;
	_ =	strace s9  }
0x27: {  	s1 =	sld [smem:$0x3FA1]  }
0x28: {  	s2 =	sld [smem:$0x3FA2]  }
0x29: {  	s4 =	sld [smem:$0x3FA4]  }
0x2a: {  	p0 =	seq.s32 s5, $0x0;
	s5 =	sld [smem:$0x3FA5]  }
0x2b: {  	s6 =	sld [smem:$0x3FA6]  }
0x2c: {  	s7 =	sld [smem:$0x3FA7]  }
0x2d: {  	s3 =	simm.s32 $0x108;
	s8 =	sld [smem:$0x3FA8]  }
0x2e: {  	s3 =	simm.s32 @!p0 $0x1082;
	s9 =	sld [smem:$0x3FA9]  }
0x2f: {  	lr =	sadd.s32 s0, s3;
	s0 =	sld [smem:$0x3FA0]  }
0x30: {  	s3 =	sld [smem:$0x3FA3]  }
0x31: {  	[smem:$0x3FAC] =	sst s10  }
0x32: {  	s10 =	sld [smem:$0x3FAA];
	_ =	sdelay $0x3  }
0x33: {  	p0 =	seq.s32 s10, $0x1;
	s10 =	sld [smem:$0x3FAC];
	_ =	sdelay $0x3  }
0x34: {  	[smem:$0x3FAC] =	sst s10  }
0x35: {  	s10 =	sld [smem:$0x3FAB];
	_ =	sdelay $0x3  }
0x36: {  	p1 =	seq.s32 s10, $0x1;
	s10 =	sld [smem:$0x3FAC];
	_ =	sdelay $0x3  }
0x37: {  	[smem:$0x3FAC] =	sst s10  }
0x38: {  	s10 =	sld [smem:$0x3FAD]  }
0x39: {  	_ = 	snop;
	(pc) =	sbr.ind lr, $3  }
0x3a: {  	_ = 	snop  }
0x3b: {  	_ = 	snop  }
0x3c: {  	p2 =	seq.s32 s10, $0x1;
	s10 =	sld [smem:$0x3FAC]  }
0x3d: {  	_ =	shalt  }
0x3e: {  	_ =	shalt  }
0x3f: {  	_ =	shalt  }
0x40: {  	_ =	shalt  }
0x41: {  	_ =	shalt  }
0x42: {  	_ =	shalt  }
0x43: {  	_ =	shalt  }
0x44: {  	_ =	shalt  }
0x45: {  	_ =	shalt  }
0x46: {  	_ =	shalt  }
0x47: {  	_ =	shalt  }
0x48: {  	_ =	shalt  }
0x49: {  	_ =	shalt  }
0x4a: {  	_ =	shalt  }
0x4b: {  	_ =	shalt  }
0x4c: {  	_ =	shalt  }
0x4d: {  	_ =	shalt  }
0x4e: {  	_ =	shalt  }
0x4f: {  	_ =	shalt  }
0x50: {  	_ =	shalt  }
0x51: {  	_ =	shalt  }
0x52: {  	_ =	shalt  }
0x53: {  	_ =	shalt  }
0x54: {  	_ =	shalt  }
0x55: {  	_ =	shalt  }
0x56: {  	_ =	shalt  }
0x57: {  	_ =	shalt  }
0x58: {  	_ =	shalt  }
0x59: {  	_ =	shalt  }
0x5a: {  	_ =	shalt  }
0x5b: {  	_ =	shalt  }
0x5c: {  	_ =	shalt  }
0x5d: {  	_ =	shalt  }
0x5e: {  	_ =	shalt  }
0x5f: {  	_ =	shalt  }
0x60: {  	_ =	shalt  }
0x61: {  	_ =	shalt  }
0x62: {  	_ =	shalt  }
0x63: {  	_ =	shalt  }
0x64: {  	_ =	shalt  }
0x65: {  	_ =	shalt  }
0x66: {  	_ =	shalt  }
0x67: {  	_ =	shalt  }
0x68: {  	_ =	shalt  }
0x69: {  	_ =	shalt  }
0x6a: {  	_ =	shalt  }
0x6b: {  	_ =	shalt  }
0x6c: {  	_ =	shalt  }
0x6d: {  	_ =	shalt  }
0x6e: {  	_ =	shalt  }
0x6f: {  	_ =	shalt  }
0x70: {  	_ =	shalt  }
0x71: {  	_ =	shalt  }
0x72: {  	_ =	shalt  }
0x73: {  	_ =	shalt  }
0x74: {  	_ =	shalt  }
0x75: {  	_ =	shalt  }
0x76: {  	_ =	shalt  }
0x77: {  	_ =	shalt  }
0x78: {  	_ =	shalt  }
0x79: {  	_ =	shalt  }
0x7a: {  	_ =	shalt  }
0x7b: {  	_ =	shalt  }
0x7c: {  	_ =	shalt  }
0x7d: {  	_ =	shalt  }
0x7e: {  	_ =	shalt  }
0x7f: {  	_ =	shalt  }
0x80: {  	_ =	shalt  }
0x81: {  	_ =	shalt  }
0x82: {  	_ =	shalt  }
0x83: {  	_ =	shalt  }
0x84: {  	_ =	shalt  }
0x85: {  	_ =	shalt  }
0x86: {  	_ =	shalt  }
0x87: {  	_ =	shalt  }
.Lfunc_end0:
.L_simem_size_0:
called_computation.1_lowered:
.L_overlay_start_0:
0x88: {  	s2 =	sld [smem:$0x3FD9]  }
0x89: {  	s3 =	sld [smem:$0x3FFE];
	_ =	sdelay $0x1  }
0x8a: {  	s1 =	srdreg.scid  }
0x8b: {  	s0 =	sand.u32 $0x1, s1  }
0x8c: {  	s14 =	sshll.u32 s0, $0xA;
	s2 =	sadd.s32 s3, s2  }
0x8d: {  	s2 =	sadd.s32 s2, s14  }
0x8e: {  	[smem:$0x3FB8] =	sst s2  }
0x8f: {  	_ = 	snop  }
0x90: {  	s2 =	sld [smem:$0x3FD0];
	_ =	sdelay $0x2  }
0x91: {  	s15 =	simm.s32 $0xA;
	s4 =	simm.s32 $0x10  }
0x92: {  	[smem:s4], [sflag:s15] =	dma.local [hbm:s2], $0x1  }
0x93: {  	_ =	swait.eq [sflag:s15], $0x1  }
0x94: {  	[sflag:s15] =	ssyncset.done $0x0  }
0x95: {  	[sflag:s15] =	ssyncadd.s32 $0xFFFFFFFF  }
0x96: {  	s16 =	sld [smem:$0x10];
	(tm) =	ssettm $0x1  }
0x97: {  	s17 =	sld [smem:$0x3FFB];
	_ =	sdelay $0x3  }
0x98: {  	_ =	strace s17  }
0x99: {  	s3 =	sld [smem:$0x3FFC];
	_ =	sdelay $0x3  }
0x9a: {  	_ =	strace s3  }
0x9b: {  	s3 =	sld [smem:$0x3FFD];
	_ =	sdelay $0x3  }
0x9c: {  	_ =	strace s3  }
0x9d: {  	_ =	strace $0x8FFFFFFF  }
0x9e: {  	s18 =	sld [smem:$0x3FDB];
	_ =	sdelay $0x1  }
0x9f: {  	s19 =	simm.s32 $_scs_section_size  }
0xa0: {  	s5 =	simm.s32 $_size__tile_overlayer_lowered;
	s6 =	simm.s32 $_tile_overlayer_lowered  }
0xa1: {  	s22 =	simm.s32 $0x1BFF;
	s21 =	sshll.u32 s6, $0x1;
	s3 =	sadd.s32 s19, s18  }
0xa2: {  	s7 =	simm.s32 $0x0;
	s20 =	sshll.u32 s5, $0x1;
	s5 =	sadd.s32 s21, s3  }
0xa3: {  	[timem:s7], [sflag:s22] =	dma.local [hbm:s5], s20  }
0xa4: {  	_ =	swait.ge [sflag:s22], s20  }
0xa5: {  	s4 =	ssub.s32 $0x0, s20;
	[sflag:s22] =	ssyncset.done $0x0  }
0xa6: {  	[sflag:s22] =	ssyncadd.s32 s4;
	_ =	sdelay $0x1  }
0xa7: {  	s23 =	simm.s32 $0x1B8B  }
0xa8: {  	_ =	swait.ge [sflag:s23], $0x1  }
0xa9: {  	[sflag:s23] =	ssyncset.done $0x0  }
0xaa: {  	s25 =	simm.s32 $0x1B8E;
	s24 =	sld [smem:$0x3FFE];
	[sflag:s23] =	ssyncadd.s32 $0xFFFFFFFF  }
0xab: {  	s26 =	simm.s32 $execute0_lowered;
	[smem:$0x3FD2] =	sst s25  }
0xac: {  	s5 =	sshll.u32 s26, $0x1;
	_ =	strace $0x80000049;
	[dreg:$0x1] =	wrdreg $0xFFFFFFFF  }
0xad: {  	s28 =	simm.s32 $_size_execute0_lowered;
	s3 =	sadd.s32 s3, s5;
	[dreg:$0x0] =	wrdreg $0x0  }
0xae: {  	s5 =	sshll.u32 s28, $0x1;
	[dreg:$0x2] =	wrdreg s3  }
0xaf: {  	[dreg:$0x3] =	wrdreg s5  }
0xb0: {  	[dreg:$0x4] =	wrdreg $0xC0  }
0xb1: {  	_ =	task [dreg:s7], $0x5FFFF  }
0xb2: {  	[dreg:$0x1] =	wrdreg $0xFFFFFFFF  }
0xb3: {  	[dreg:$0x0] =	wrdreg $0x60  }
0xb4: {  	[dreg:$0x2] =	wrdreg s16  }
0xb5: {  	[dreg:$0x3] =	wrdreg s24  }
0xb6: {  	[dreg:$0x4] =	wrdreg $0x82000  }
0xb7: {  	[dreg:$0x5] =	wrdreg $0x9  }
0xb8: {  	_ =	task.clear_ibuf [dreg:s7], $0x6FFFF;
	_ =	strace $0x90000049  }
0xb9: {  	s29 =	simm.s32 $0x9;
	_ =	strace $0x8000004B  }
0xba: {  	_ =	swait.ge [sflag:s29], $0x1  }
0xbb: {  	[sflag:s29] =	ssyncadd.s32 $0xFFFFFFFF  }
0xbc: {  	_ =	strace $0x9000004B  }
0xbd: {  	_ =	sfence  }
0xbe: {  	s30 =	sld [smem:$0x0];
	_ =	sdelay $0x2  }
0xbf: {  	s31 =	sshll.u32 s1, $0xD;
	s1 =	sshrl.u32 s1, $0x2  }
0xc0: {  	s3 =	sand.u32 $0x4000, s31;
	s1 =	sadd.s32 s1, s30  }
0xc1: {  	s0 =	sor.u32 s3, s0;
	s1 =	sshll.u32 s1, $0x11  }
0xc2: {  	s0 =	sor.u32 s1, s0  }
0xc3: {  	s0 =	sadd.s32 $0x8F2B, s0  }
0xc4: {  	[sflag:s0] =	ssyncadd.remote.s32 $0x1  }
0xc5: {  	_ =	sfence.sel $0xFFFF  }
0xc6: {  	[dreg:$0x0] =	wrdreg $0xFFFFFFFF;
	(pc) =	sbr.abs _section_cstart, $3  }
0xc7: {  	[dreg:$0x1] =	wrdreg $0xFFFFFFFF  }
0xc8: {  	_ =	task.clear_ibuf [dreg:s7], $0x2FFFF;
	_ =	strace $0x9FFFFFFF  }
0xc9: {  	(tm) =	ssettm $0x7FFFFFFF  }
tec
execute0_lowered:
.L_overlay_start_1:
0x0: {  	(tag) =	ssettag $0x1  }
0x1: {  	s0 =	rddreg [dreg:$0x0]  }
0x2: {  	s3 =	rddreg [dreg:$0x1]  }
0x3: {  	s1 =	rddreg [dreg:$0x2]  }
0x4: {  	s2 =	simm.s32 $0x0;
	s4 =	srdreg.scid;
	s8 =	stileid.u32  }
0x5: {  	s28 =	simm.s32 $0x4;
	s29 =	simm.s32 $0x4200;
	s6 =	smul.u32 $0x50000, s8  }
0x6: {  	s30 =	simm.s32 $0x1;
	s31 =	simm.s32 $0x2;
	s17 =	smul.u32 $0x4F00, s8  }
0x7: {  	[smem:$0x7FF] =	sst s2;
	s5 =	sand.u32 $0x1, s4;
	s25 =	smul.u32 $0x2800, s8  }
0x8: {  	s20 =	sadd.s32 $0xD200, s3;
	s19 =	sadd.s32 $0x3400, s3;
	s4 =	smul.u32 $0x28000, s5  }
0x9: {  	_ =	strace $0x8000004A;
	s7 =	ssub.s32 $0x2, s5;
	s5 =	smul.u32 $0x27100, s5  }
0xa: {  	s16 =	sshrl.u32 s7, $0x1;
	s6 =	sshrl.u32 s6, $0x2;
	s3 =	sadd.s32 s4, s3  }
0xb: {  	s14 =	ssub.s32 s7, s16;
	s4 =	sadd.s32 s6, s1;
	s6 =	sshrl.u32 s17, $0x3  }
0xc: {  	s13 =	sadd.s32 s0, s5;
	s0 =	simm.s32 $0x3;
	s18 =	sadd.s32 $0x4000, s4  }
0xd: {  	s21 =	sadd.s32 $0x8000, s4;
	s22 =	sadd.s32 $0xC000, s4;
	s23 =	sadd.s32 $0x10000, s4  }
0xe: {  	s9 =	sadd.s32 s20, s6;
	s10 =	sadd.s32 s19, s6;
	[dreg:$0x4] =	wrdreg s18  }
0xf: {  	s12 =	sor.u32 $0x10, s6;
	s24 =	sadd.s32 $0x17000, s3;
	[dreg:$0x5] =	wrdreg s21  }
0x10: {  	s14 =	smax.u32 s14, $0x1;
	s26 =	sadd.s32 $0x9D0, s6;
	[dreg:$0x6] =	wrdreg s22  }
0x11: {  	s6 =	sadd.s32 $0x9C0, s6;
	s3 =	simm.s32 $0x0;
	[dreg:$0x7] =	wrdreg s23  }
0x12: {  	s11 =	sadd.s32 s20, s12;
	s12 =	sadd.s32 s19, s12;
	s21 =	smul.u32 $0x9E0, s8  }
0x13: {  	s15 =	sadd.s32 s20, s26;
	s16 =	sadd.s32 s19, s26;
	s17 =	sadd.s32 s20, s6  }
0x14: {  	s18 =	sadd.s32 s19, s6;
	s22 =	simm.s32 $0x5;
	s23 =	simm.s32 $0x80  }
0x15: {  	s24 =	sadd.s32 s25, s24;
	s25 =	simm.s32 $0x100;
	s26 =	simm.s32 $0x180  }
0x16: {  	v0 =	vimm.f32 $0.0e+00;
	s19 =	sadd.s32 s21, s19;
	s20 =	sadd.s32 s21, s20;
	s21 =	simm.s32 $0x200  }
.LBB2_1:
0x17: {  	s5 =	simm.s32 $0x0;
	s6 =	simm.s32 $0x200  }
.LBB2_2:
0x18: {  	p0 =	sne.s32 s6, $0xFE00;
	[tilespmem:s5+$0x270] =	vst v0  }
0x19: {  	[tilespmem:s5+$0x200] =	vst v0  }
0x1a: {  	[tilespmem:s5+$0x210] =	vst v0  }
.Ltmp0:
0x1b: {  	[tilespmem:s5+$0x220] =	vst v0;
	(pc) =	sbr.rel @p0 .LBB2_2-.Ltmp0, $4  }
0x1c: {  	[tilespmem:s5+$0x230] =	vst v0  }
0x1d: {  	[tilespmem:s5+$0x240] =	vst v0  }
0x1e: {  	[tilespmem:s5+$0x250] =	vst v0  }
0x1f: {  	[tilespmem:s5+$0x260] =	vst v0;
	s5 =	sshra.s32 s6, $0x2;
	s6 =	sadd.s32 $0x200, s6  }
0x20: {  	[tilespmem:s5+$0x270] =	vst v0  }
0x21: {  	[tilespmem:s5+$0x200] =	vst v0  }
0x22: {  	[tilespmem:s5+$0x210] =	vst v0  }
0x23: {  	[tilespmem:s5+$0x220] =	vst v0  }
0x24: {  	[tilespmem:s5+$0x230] =	vst v0  }
0x25: {  	[tilespmem:s5+$0x240] =	vst v0  }
0x26: {  	[tilespmem:s5+$0x250] =	vst v0  }
0x27: {  	[tilespmem:s5+$0x260] =	vst v0  }
0x28: {  	[spmem:s4] =	stream.linear.scatter [tilespmem:s21], [sflag:$0x5], $0x4000, $0x38;
	[tilespmem:$0x1C200] =	vst v63  }
0x29: {  	_ =	swait.ge [sflag:s22], $0x4000  }
0x2a: {  	[sflag:s22] =	ssyncset.done $0x0  }
0x2b: {  	s7 =	rddreg [dreg:$0x4];
	[sflag:s22] =	ssyncadd.s32 $0xFFFFC000  }
0x2c: {  	[spmem:s7] =	stream.linear.scatter [tilespmem:s21], [sflag:$0x5], $0x4000, $0x38;
	[tilespmem:$0x1C200] =	vst v63  }
0x2d: {  	_ =	swait.ge [sflag:s22], $0x4000  }
0x2e: {  	[sflag:s22] =	ssyncset.done $0x0  }
0x2f: {  	s8 =	rddreg [dreg:$0x5];
	[sflag:s22] =	ssyncadd.s32 $0xFFFFC000  }
0x30: {  	[spmem:s8] =	stream.linear.scatter [tilespmem:s21], [sflag:$0x5], $0x4000, $0x38;
	[tilespmem:$0x1C200] =	vst v63  }
0x31: {  	_ =	swait.ge [sflag:s22], $0x4000  }
0x32: {  	[sflag:s22] =	ssyncset.done $0x0  }
0x33: {  	s6 =	rddreg [dreg:$0x6];
	[sflag:s22] =	ssyncadd.s32 $0xFFFFC000  }
0x34: {  	[spmem:s6] =	stream.linear.scatter [tilespmem:s21], [sflag:$0x5], $0x4000, $0x38;
	[tilespmem:$0x1C200] =	vst v63  }
0x35: {  	_ =	swait.ge [sflag:s22], $0x4000  }
0x36: {  	[sflag:s22] =	ssyncset.done $0x0  }
0x37: {  	s7 =	rddreg [dreg:$0x7];
	[sflag:s22] =	ssyncadd.s32 $0xFFFFC000  }
0x38: {  	[spmem:s7] =	stream.linear.scatter [tilespmem:s21], [sflag:$0x5], $0x4000, $0x38;
	[tilespmem:$0x1C200] =	vst v63  }
0x39: {  	_ =	swait.ge [sflag:s22], $0x4000  }
0x3a: {  	[sflag:s22] =	ssyncset.done $0x0  }
0x3b: {  	[sflag:s22] =	ssyncadd.s32 $0xFFFFC000  }
0x3c: {  	[bflag:$0x0] =	sbarrier.arrive $0xFFFF  }
0x3d: {  	[tilespmem:s2], [sflag:$0x5] =	stream.linear.gather [hbm4b:s9+s2], $0x80, $0x38;
	[tilespmem:$0x1C200] =	vst v63  }
0x3e: {  	_ =	swait.ge [sflag:s22], $0x80  }
0x3f: {  	[sflag:s22] =	ssyncset.done $0x0  }
0x40: {  	[sflag:s22] =	ssyncadd.s32 $0xFFFFFF80  }
0x41: {  	[tilespmem:s23], [sflag:$0x5] =	stream.linear.gather [hbm4b:s10+s2], $0x80, $0x38;
	[tilespmem:$0x1C200] =	vst v63  }
0x42: {  	_ =	swait.ge [sflag:s22], $0x80  }
0x43: {  	[sflag:s22] =	ssyncset.done $0x0  }
0x44: {  	[sflag:s22] =	ssyncadd.s32 $0xFFFFFF80  }
0x45: {  	[tilespmem:s25], [sflag:$0x4] =	stream.linear.gather [hbm4b:s11+s2], $0x80, $0x38;
	[tilespmem:$0x1C200] =	vst v63  }
0x46: {  	_ = 	snop  }
0x47: {  	[tilespmem:s26], [sflag:$0x4] =	stream.linear.gather [hbm4b:s12+s2], $0x80, $0x38;
	[tilespmem:$0x1C200] =	vst v63  }
0x48: {  	_ = 	snop  }
0x49: {  	[tilespmem:s21], [sflag:$0x1] =	stream.indirect.gather [hbm4b:s13+s23], $0x80, s2, s23, $0xb8;
	[tilespmem:$0x1C200] =	vst v63  }
0x4a: {  	_ =	swait.ge [sflag:s28], $0x80  }
0x4b: {  	[sflag:s28] =	ssyncset.done $0x0  }
0x4c: {  	[sflag:s28] =	ssyncadd.s32 $0xFFFFFF80  }
0x4d: {  	_ =	swait.ge [sflag:s28], $0x80  }
0x4e: {  	[sflag:s28] =	ssyncset.done $0x0  }
0x4f: {  	[sflag:s28] =	ssyncadd.s32 $0xFFFFFF80  }
0x50: {  	[tilespmem:s29], [sflag:$0x2] =	stream.indirect.gather [hbm4b:s13+s23], $0x80, s25, s23, $0xb8;
	[tilespmem:$0x1C200] =	vst v63  }
0x51: {  	_ =	swait.ge [sflag:s30], $0x4000  }
0x52: {  	[sflag:s30] =	ssyncset.done $0x0  }
0x53: {  	[sflag:s30] =	ssyncadd.s32 $0xFFFFC000  }
0x54: {  	[spmem:s1] =	stream.indirect.scatter.add.f32 [tilespmem:s21], [sflag:$0x5], $0x80, s23, s23, $0xb8;
	[tilespmem:$0x1C200] =	vst v63  }
0x55: {  	_ =	swait.ge [sflag:s22], $0x4000  }
0x56: {  	s5 =	sadd.s32 $0xFFFFF660, s20;
	[sflag:s22] =	ssyncset.done $0x0  }
0x57: {  	s6 =	sadd.s32 $0x9C0, s5;
	s7 =	sadd.s32 $0xFFFFF660, s19;
	[sflag:s22] =	ssyncadd.s32 $0xFFFFC000  }
0x58: {  	[tilespmem:s2], [sflag:$0x3] =	stream.linear.gather [hbm4b:s6+s2], $0x80, $0x38;
	[tilespmem:$0x1C200] =	vst v63  }
0x59: {  	s8 =	sadd.s32 $0x9C0, s7  }
0x5a: {  	[tilespmem:s23], [sflag:$0x3] =	stream.linear.gather [hbm4b:s8+s2], $0x80, $0x38;
	[tilespmem:$0x1C200] =	vst v63  }
0x5b: {  	_ =	swait.ge [sflag:s31], $0x4000  }
0x5c: {  	[sflag:s31] =	ssyncset.done $0x0  }
0x5d: {  	[sflag:s31] =	ssyncadd.s32 $0xFFFFC000  }
0x5e: {  	[spmem:s1] =	stream.indirect.scatter.add.f32 [tilespmem:s29], [sflag:$0x5], $0x80, s26, s23, $0xb8;
	[tilespmem:$0x1C200] =	vst v63  }
0x5f: {  	_ =	swait.ge [sflag:s22], $0x4000  }
0x60: {  	[sflag:s22] =	ssyncset.done $0x0  }
0x61: {  	s5 =	sadd.s32 $0x9D0, s5;
	[sflag:s22] =	ssyncadd.s32 $0xFFFFC000  }
0x62: {  	[tilespmem:s25], [sflag:$0x4] =	stream.linear.gather [hbm4b:s5+s2], $0x80, $0x38;
	[tilespmem:$0x1C200] =	vst v63  }
0x63: {  	s8 =	sadd.s32 $0x9D0, s7  }
0x64: {  	[tilespmem:s26], [sflag:$0x4] =	stream.linear.gather [hbm4b:s8+s2], $0x80, $0x38;
	[tilespmem:$0x1C200] =	vst v63  }
0x65: {  	_ =	swait.ge [sflag:s0], $0x80  }
0x66: {  	[sflag:s0] =	ssyncset.done $0x0  }
0x67: {  	[sflag:s0] =	ssyncadd.s32 $0xFFFFFF80  }
0x68: {  	_ =	swait.ge [sflag:s0], $0x80  }
0x69: {  	[sflag:s0] =	ssyncset.done $0x0  }
0x6a: {  	s5 =	simm.s32 $0xFFFFF680;
	[sflag:s0] =	ssyncadd.s32 $0xFFFFFF80  }
.LBB2_4:
0x6b: {  	[tilespmem:s21], [sflag:$0x1] =	stream.indirect.gather [hbm4b:s13+s23], $0x80, s2, s23, $0xb8;
	[tilespmem:$0x1C200] =	vst v63  }
0x6c: {  	s6 =	smov.u32 s5  }
0x6d: {  	p0 =	sne.s32 s5, $0xFFFFFFE0;
	s5 =	sadd.s32 $0x20, s5;
	_ =	swait.ge [sflag:s28], $0x80  }
0x6e: {  	[sflag:s28] =	ssyncset.done $0x0  }
0x6f: {  	[sflag:s28] =	ssyncadd.s32 $0xFFFFFF80  }
0x70: {  	_ =	swait.ge [sflag:s28], $0x80  }
0x71: {  	[sflag:s28] =	ssyncset.done $0x0  }
0x72: {  	[sflag:s28] =	ssyncadd.s32 $0xFFFFFF80  }
0x73: {  	[tilespmem:s29], [sflag:$0x2] =	stream.indirect.gather [hbm4b:s13+s23], $0x80, s25, s23, $0xb8;
	[tilespmem:$0x1C200] =	vst v63  }
0x74: {  	_ =	swait.ge [sflag:s30], $0x4000  }
0x75: {  	[sflag:s30] =	ssyncset.done $0x0  }
0x76: {  	[sflag:s30] =	ssyncadd.s32 $0xFFFFC000  }
0x77: {  	[spmem:s1] =	stream.indirect.scatter.add.f32 [tilespmem:s21], [sflag:$0x5], $0x80, s23, s23, $0xb8;
	[tilespmem:$0x1C200] =	vst v63  }
0x78: {  	_ =	swait.ge [sflag:s22], $0x4000  }
0x79: {  	s7 =	sadd.s32 s6, s20;
	[sflag:s22] =	ssyncset.done $0x0  }
0x7a: {  	s6 =	sadd.s32 s6, s19;
	s8 =	sadd.s32 $0x9C0, s7;
	[sflag:s22] =	ssyncadd.s32 $0xFFFFC000  }
0x7b: {  	[tilespmem:s2], [sflag:$0x3] =	stream.linear.gather [hbm4b:s8+s2], $0x80, $0x38;
	[tilespmem:$0x1C200] =	vst v63  }
0x7c: {  	s8 =	sadd.s32 $0x9C0, s6  }
0x7d: {  	[tilespmem:s23], [sflag:$0x3] =	stream.linear.gather [hbm4b:s8+s2], $0x80, $0x38;
	[tilespmem:$0x1C200] =	vst v63  }
0x7e: {  	_ =	swait.ge [sflag:s31], $0x4000  }
0x7f: {  	[sflag:s31] =	ssyncset.done $0x0  }
0x80: {  	[sflag:s31] =	ssyncadd.s32 $0xFFFFC000  }
0x81: {  	[spmem:s1] =	stream.indirect.scatter.add.f32 [tilespmem:s29], [sflag:$0x5], $0x80, s26, s23, $0xb8;
	[tilespmem:$0x1C200] =	vst v63  }
0x82: {  	_ =	swait.ge [sflag:s22], $0x4000  }
0x83: {  	[sflag:s22] =	ssyncset.done $0x0  }
0x84: {  	s7 =	sadd.s32 $0x9D0, s7;
	[sflag:s22] =	ssyncadd.s32 $0xFFFFC000  }
0x85: {  	[tilespmem:s25], [sflag:$0x4] =	stream.linear.gather [hbm4b:s7+s2], $0x80, $0x38;
	[tilespmem:$0x1C200] =	vst v63  }
0x86: {  	s6 =	sadd.s32 $0x9D0, s6  }
0x87: {  	[tilespmem:s26], [sflag:$0x4] =	stream.linear.gather [hbm4b:s6+s2], $0x80, $0x38;
	[tilespmem:$0x1C200] =	vst v63  }
0x88: {  	_ =	swait.ge [sflag:s0], $0x80  }
.Ltmp1:
0x89: {  	[sflag:s0] =	ssyncset.done $0x0;
	(pc) =	sbr.rel @p0 .LBB2_4-.Ltmp1, $4  }
0x8a: {  	[sflag:s0] =	ssyncadd.s32 $0xFFFFFF80  }
0x8b: {  	_ =	swait.ge [sflag:s0], $0x80  }
0x8c: {  	[sflag:s0] =	ssyncset.done $0x0  }
0x8d: {  	[sflag:s0] =	ssyncadd.s32 $0xFFFFFF80  }
0x8e: {  	[tilespmem:s21], [sflag:$0x1] =	stream.indirect.gather [hbm4b:s13+s23], $0x80, s2, s23, $0xb8;
	[tilespmem:$0x1C200] =	vst v63  }
0x8f: {  	_ =	swait.ge [sflag:s28], $0x80  }
0x90: {  	[sflag:s28] =	ssyncset.done $0x0  }
0x91: {  	[sflag:s28] =	ssyncadd.s32 $0xFFFFFF80  }
0x92: {  	_ =	swait.ge [sflag:s28], $0x80  }
0x93: {  	[sflag:s28] =	ssyncset.done $0x0  }
0x94: {  	[sflag:s28] =	ssyncadd.s32 $0xFFFFFF80  }
0x95: {  	[tilespmem:s29], [sflag:$0x2] =	stream.indirect.gather [hbm4b:s13+s23], $0x80, s25, s23, $0xb8;
	[tilespmem:$0x1C200] =	vst v63  }
0x96: {  	_ =	swait.ge [sflag:s30], $0x4000  }
0x97: {  	[sflag:s30] =	ssyncset.done $0x0  }
0x98: {  	[sflag:s30] =	ssyncadd.s32 $0xFFFFC000  }
0x99: {  	[spmem:s1] =	stream.indirect.scatter.add.f32 [tilespmem:s21], [sflag:$0x5], $0x80, s23, s23, $0xb8;
	[tilespmem:$0x1C200] =	vst v63  }
0x9a: {  	_ =	swait.ge [sflag:s22], $0x4000  }
0x9b: {  	[sflag:s22] =	ssyncset.done $0x0  }
0x9c: {  	[sflag:s22] =	ssyncadd.s32 $0xFFFFC000  }
0x9d: {  	[tilespmem:s2], [sflag:$0x3] =	stream.linear.gather [hbm4b:s17+s2], $0x80, $0x38;
	[tilespmem:$0x1C200] =	vst v63  }
0x9e: {  	_ = 	snop  }
0x9f: {  	[tilespmem:s23], [sflag:$0x3] =	stream.linear.gather [hbm4b:s18+s2], $0x80, $0x38;
	[tilespmem:$0x1C200] =	vst v63  }
0xa0: {  	_ =	swait.ge [sflag:s31], $0x4000  }
0xa1: {  	[sflag:s31] =	ssyncset.done $0x0  }
0xa2: {  	[sflag:s31] =	ssyncadd.s32 $0xFFFFC000  }
0xa3: {  	[spmem:s1] =	stream.indirect.scatter.add.f32 [tilespmem:s29], [sflag:$0x5], $0x80, s26, s23, $0xb8;
	[tilespmem:$0x1C200] =	vst v63  }
0xa4: {  	_ =	swait.ge [sflag:s22], $0x4000  }
0xa5: {  	[sflag:s22] =	ssyncset.done $0x0  }
0xa6: {  	[sflag:s22] =	ssyncadd.s32 $0xFFFFC000  }
0xa7: {  	[tilespmem:s25], [sflag:$0x4] =	stream.linear.gather [hbm4b:s15+s2], $0x80, $0x38;
	[tilespmem:$0x1C200] =	vst v63  }
0xa8: {  	_ = 	snop  }
0xa9: {  	[tilespmem:s26], [sflag:$0x4] =	stream.linear.gather [hbm4b:s16+s2], $0x80, $0x38;
	[tilespmem:$0x1C200] =	vst v63  }
0xaa: {  	_ =	swait.ge [sflag:s0], $0x80  }
0xab: {  	[sflag:s0] =	ssyncset.done $0x0  }
0xac: {  	[sflag:s0] =	ssyncadd.s32 $0xFFFFFF80  }
0xad: {  	_ =	swait.ge [sflag:s0], $0x80  }
0xae: {  	[sflag:s0] =	ssyncset.done $0x0  }
0xaf: {  	[sflag:s0] =	ssyncadd.s32 $0xFFFFFF80  }
0xb0: {  	[tilespmem:s21], [sflag:$0x1] =	stream.indirect.gather [hbm4b:s13+s23], $0x80, s2, s23, $0xb8;
	[tilespmem:$0x1C200] =	vst v63  }
0xb1: {  	_ =	swait.ge [sflag:s28], $0x80  }
0xb2: {  	[sflag:s28] =	ssyncset.done $0x0  }
0xb3: {  	[sflag:s28] =	ssyncadd.s32 $0xFFFFFF80  }
0xb4: {  	_ =	swait.ge [sflag:s28], $0x80  }
0xb5: {  	[sflag:s28] =	ssyncset.done $0x0  }
0xb6: {  	[sflag:s28] =	ssyncadd.s32 $0xFFFFFF80  }
0xb7: {  	[tilespmem:s29], [sflag:$0x2] =	stream.indirect.gather [hbm4b:s13+s23], $0x80, s25, s23, $0xb8;
	[tilespmem:$0x1C200] =	vst v63  }
0xb8: {  	_ =	swait.ge [sflag:s30], $0x4000  }
0xb9: {  	[sflag:s30] =	ssyncset.done $0x0  }
0xba: {  	[sflag:s30] =	ssyncadd.s32 $0xFFFFC000  }
0xbb: {  	[spmem:s1] =	stream.indirect.scatter.add.f32 [tilespmem:s21], [sflag:$0x5], $0x80, s23, s23, $0xb8;
	[tilespmem:$0x1C200] =	vst v63  }
0xbc: {  	_ =	swait.ge [sflag:s22], $0x4000  }
0xbd: {  	[sflag:s22] =	ssyncset.done $0x0  }
0xbe: {  	[sflag:s22] =	ssyncadd.s32 $0xFFFFC000  }
0xbf: {  	[tilespmem:s2], [sflag:$0x3] =	stream.linear.gather [hbm4b:s15+s2], $0x80, $0x38;
	[tilespmem:$0x1C200] =	vst v63  }
0xc0: {  	_ = 	snop  }
0xc1: {  	[tilespmem:s23], [sflag:$0x3] =	stream.linear.gather [hbm4b:s16+s2], $0x80, $0x38;
	[tilespmem:$0x1C200] =	vst v63  }
0xc2: {  	_ =	swait.ge [sflag:s31], $0x4000  }
0xc3: {  	[sflag:s31] =	ssyncset.done $0x0  }
0xc4: {  	[sflag:s31] =	ssyncadd.s32 $0xFFFFC000  }
0xc5: {  	[spmem:s1] =	stream.indirect.scatter.add.f32 [tilespmem:s29], [sflag:$0x5], $0x80, s26, s23, $0xb8;
	[tilespmem:$0x1C200] =	vst v63  }
0xc6: {  	_ =	swait.ge [sflag:s22], $0x4000  }
0xc7: {  	[sflag:s22] =	ssyncset.done $0x0  }
0xc8: {  	[sflag:s22] =	ssyncadd.s32 $0xFFFFC000  }
0xc9: {  	[tilespmem:s25], [sflag:$0x4] =	stream.linear.gather [hbm4b:s15+s2], $0x80, $0x38;
	[tilespmem:$0x1C200] =	vst v63  }
0xca: {  	_ = 	snop  }
0xcb: {  	[tilespmem:s26], [sflag:$0x4] =	stream.linear.gather [hbm4b:s16+s2], $0x80, $0x38;
	[tilespmem:$0x1C200] =	vst v63  }
0xcc: {  	_ =	swait.ge [sflag:s0], $0x80  }
0xcd: {  	[sflag:s0] =	ssyncset.done $0x0  }
0xce: {  	[sflag:s0] =	ssyncadd.s32 $0xFFFFFF80  }
0xcf: {  	_ =	swait.ge [sflag:s0], $0x80  }
0xd0: {  	[sflag:s0] =	ssyncset.done $0x0  }
0xd1: {  	[sflag:s0] =	ssyncadd.s32 $0xFFFFFF80  }
0xd2: {  	[tilespmem:s21], [sflag:$0x1] =	stream.indirect.gather [hbm4b:s13+s23], $0x80, s2, s23, $0xb8;
	[tilespmem:$0x1C200] =	vst v63  }
0xd3: {  	_ =	swait.ge [sflag:s28], $0x80  }
0xd4: {  	[sflag:s28] =	ssyncset.done $0x0  }
0xd5: {  	[sflag:s28] =	ssyncadd.s32 $0xFFFFFF80  }
0xd6: {  	_ =	swait.ge [sflag:s28], $0x80  }
0xd7: {  	[sflag:s28] =	ssyncset.done $0x0  }
0xd8: {  	[sflag:s28] =	ssyncadd.s32 $0xFFFFFF80  }
0xd9: {  	s5 =	stileid.u32;
	_ =	swait.ge [sflag:s30], $0x4000  }
0xda: {  	s6 =	sshrl.u32 s4, $0x3;
	s3 =	sadd.s32 $0x1, s3;
	[sflag:s30] =	ssyncset.done $0x0  }
0xdb: {  	s5 =	sshll.u32 s5, $0x6;
	p0 =	sne.s32 s3, s14;
	[sflag:s30] =	ssyncadd.s32 $0xFFFFC000  }
.Ltmp2:
0xdc: {  	s5 =	sor.u32 $0x1C05, s5;
	[bflag:$0x0] =	sbarrier.arrive $0xFFFF;
	(pc) =	sbr.rel @p0 .LBB2_1-.Ltmp2, $4  }
0xdd: {  	[hbm:s24], [sflag:s5] =	dma.local [spmem:s6], $0x2800  }
0xde: {  	_ =	swait.ge [sflag:s22], $0x2800  }
0xdf: {  	[sflag:s22] =	ssyncset.done $0x0  }
0xe0: {  	[sflag:s22] =	ssyncadd.s32 $0xFFFFD800  }
0xe1: {  	_ =	sfence.sel $0x180000  }
0xe2: {  	[bflag:$0x0] =	sbarrier.arrive $0xFFFF  }
0xe3: {  	_ =	strace $0x9000004A  }
0xe4: {  	s0 =	stileid.u32;
	[bflag:$0x2] =	sbarrier.arrive $0xFFFF  }
0xe5: {  	p0 =	sne.s32 s0, $0x0;
	s0 =	rddreg [dreg:$0x3]  }
0xe6: {  	s0 =	sadd.s32 @!p0 $0x100000, s0  }
0xe7: {  	[sflag:s0] =	ssyncadd.tile.s32 @!p0 $0x1;
	_ =	shalt  }
.Lfunc_end2:
_tile_overlayer_lowered:
.L_overlay_start_2:
0xe8: {  	(tag) =	ssettag $0x2  }
0xe9: {  	s0 =	rddreg [dreg:$0x0];
	s2 =	stileid.u32  }
0xea: {  	s1 =	rddreg [dreg:$0x1];
	p0 =	sne.s32 s2, $0x0  }
0xeb: {  	s3 =	rddreg [dreg:$0x2];
	[bflag:$0x3] =	sbarrier.arrive $0xFFFF;
	s2 =	simm.s32 @!p0 $0x1C05  }
0xec: {  	[timem:s3], [sflag:s2] =	dma.local @!p0 [hbm:s0], s1  }
0xed: {  	s0 =	simm.s32 @!p0 $0x5  }
0xee: {  	_ =	swait.ge @!p0 [sflag:s0], s1  }
0xef: {  	s1 =	ssub.s32 @!p0 $0x0, s1;
	[sflag:s0] =	ssyncset.done @!p0 $0x0  }
0xf0: {  	[sflag:s0] =	ssyncadd.s32 @!p0 s1  }
0xf1: {  	[bflag:$0x3] =	sbarrier.arrive $0xFFFF  }
0xf2: {  	_ =	shalt  }

// kernel: kernel.14.cloned.1.call-start
scs
__scs_entry_jumppad:
0x0: {  	(pc) =	sbr.rel $0x88, $3  }
0x1: {  	(tag) =	ssettag $0x0;
	lr =	simm.s32 $0x1  }
0x2: {  	[smem:$0x3F91] =	sst lr;
	_ =	strace $0xD0000000  }
0x3: {  	_ = 	snop  }
0x4: {  	_ = 	snop  }
0x5: {  	_ = 	snop  }
0x6: {  	_ = 	snop  }
0x7: {  	_ = 	snop  }
__scs_overlays_trampoline_lowered:
0x8: {  	[smem:$0x3FA0] =	sst s0  }
0x9: {  	[smem:$0x3FA1] =	sst s1  }
0xa: {  	[smem:$0x3FA2] =	sst s2  }
0xb: {  	[smem:$0x3FA3] =	sst s3  }
0xc: {  	[smem:$0x3FA4] =	sst s4  }
0xd: {  	[smem:$0x3FA5] =	sst s5  }
0xe: {  	[smem:$0x3FA6] =	sst s6  }
0xf: {  	[smem:$0x3FA7] =	sst s7  }
0x10: {  	[smem:$0x3FA8] =	sst s8  }
0x11: {  	[smem:$0x3FA9] =	sst s9;
	s0 =	simm.s32 @!p0 $0x0  }
0x12: {  	s1 =	sld [smem:$0x3F8F];
	s0 =	simm.s32 @p0 $0x1  }
0x13: {  	[smem:$0x3FAA] =	sst s0;
	s0 =	simm.s32 @!p1 $0x0  }
0x14: {  	s2 =	sld [smem:$0x3F8E];
	s0 =	simm.s32 @p1 $0x1  }
0x15: {  	[smem:$0x3FAB] =	sst s0;
	s0 =	simm.s32 @!p2 $0x0  }
0x16: {  	s3 =	sld [smem:$0x3FDB];
	s0 =	simm.s32 @p2 $0x1  }
0x17: {  	s4 =	simm.s32 $0x1BF5;
	[smem:$0x3FAD] =	sst s0  }
0x18: {  	s0 =	sld [smem:$0x3F90];
	_ =	swait.ge [sflag:s4], $0x0  }
0x19: {  	s7 =	sld [smem:$0x3F91]  }
0x1a: {  	s8 =	sadd.s32 $0xFFFFE003, lr  }
0x1b: {  	s9 =	sadd.s32 $0xFFFFFEF7, lr;
	s5 =	simm.s32 $0xFFFFFFFF;
	p2 =	slt.u32 s8, $0xFFFFF086  }
0x1c: {  	p1 =	slt.u32 s9, $0xF7A;
	s5 =	simm.s32 @!p2 $0x0  }
0x1d: {  	s5 =	simm.s32 @p1 $0x1;
	p0 =	seq.s32 s7, s2  }
0x1e: {  	s7 =	smul.u32 @!p0 $0xF7A, s2;
	p2 =	seq.s32 @!p0 s5, $0x0  }
0x1f: {  	s9 =	smul.u32 $0xF7A, s1;
	s8 =	simm.s32 @!p0 $0x1BF5;
	p2 =	por !p2, p0  }
0x20: {  	[sflag:s8] =	ssyncset.s32 @!p0 $0xFFFFF086;
	s6 =	sadd.s32 @!p0 s3, s7;
	s7 =	simm.s32 @!p0 $0x108  }
0x21: {  	s3 =	sadd.s32 s3, s9;
	s6 =	sadd.s32 @!p0 $0x88, s6;
	s7 =	simm.s32 @p2 $0x1082  }
0x22: {  	[simem:s7], [sflag:s8] =	dma.local @!p0 [hbm:s6], $0xF7A  }
0x23: {  	s9 =	sor.u32 $0xD0000000, s2;
	s6 =	simm.s32 $0x108;
	_ =	swait.ge @!p0 [sflag:s8], $0x0  }
0x24: {  	s3 =	sadd.s32 $0x88, s3;
	s6 =	simm.s32 @!p1 $0x1082;
	[sflag:s4] =	ssyncset.s32 $0xFFFFF086  }
0x25: {  	[simem:s6], [sflag:s4] =	dma.local [hbm:s3], $0xF7A  }
0x26: {  	[smem:$0x3F91] =	sst s1;
	(tag) =	ssettag s2;
	_ =	strace s9  }
0x27: {  	s1 =	sld [smem:$0x3FA1]  }
0x28: {  	s2 =	sld [smem:$0x3FA2]  }
0x29: {  	s4 =	sld [smem:$0x3FA4]  }
0x2a: {  	p0 =	seq.s32 s5, $0x0;
	s5 =	sld [smem:$0x3FA5]  }
0x2b: {  	s6 =	sld [smem:$0x3FA6]  }
0x2c: {  	s7 =	sld [smem:$0x3FA7]  }
0x2d: {  	s3 =	simm.s32 $0x108;
	s8 =	sld [smem:$0x3FA8]  }
0x2e: {  	s3 =	simm.s32 @!p0 $0x1082;
	s9 =	sld [smem:$0x3FA9]  }
0x2f: {  	lr =	sadd.s32 s0, s3;
	s0 =	sld [smem:$0x3FA0]  }
0x30: {  	s3 =	sld [smem:$0x3FA3]  }
0x31: {  	[smem:$0x3FAC] =	sst s10  }
0x32: {  	s10 =	sld [smem:$0x3FAA];
	_ =	sdelay $0x3  }
0x33: {  	p0 =	seq.s32 s10, $0x1;
	s10 =	sld [smem:$0x3FAC];
	_ =	sdelay $0x3  }
0x34: {  	[smem:$0x3FAC] =	sst s10  }
0x35: {  	s10 =	sld [smem:$0x3FAB];
	_ =	sdelay $0x3  }
0x36: {  	p1 =	seq.s32 s10, $0x1;
	s10 =	sld [smem:$0x3FAC];
	_ =	sdelay $0x3  }
0x37: {  	[smem:$0x3FAC] =	sst s10  }
0x38: {  	s10 =	sld [smem:$0x3FAD]  }
0x39: {  	_ = 	snop;
	(pc) =	sbr.ind lr, $3  }
0x3a: {  	_ = 	snop  }
0x3b: {  	_ = 	snop  }
0x3c: {  	p2 =	seq.s32 s10, $0x1;
	s10 =	sld [smem:$0x3FAC]  }
0x3d: {  	_ =	shalt  }
0x3e: {  	_ =	shalt  }
0x3f: {  	_ =	shalt  }
0x40: {  	_ =	shalt  }
0x41: {  	_ =	shalt  }
0x42: {  	_ =	shalt  }
0x43: {  	_ =	shalt  }
0x44: {  	_ =	shalt  }
0x45: {  	_ =	shalt  }
0x46: {  	_ =	shalt  }
0x47: {  	_ =	shalt  }
0x48: {  	_ =	shalt  }
0x49: {  	_ =	shalt  }
0x4a: {  	_ =	shalt  }
0x4b: {  	_ =	shalt  }
0x4c: {  	_ =	shalt  }
0x4d: {  	_ =	shalt  }
0x4e: {  	_ =	shalt  }
0x4f: {  	_ =	shalt  }
0x50: {  	_ =	shalt  }
0x51: {  	_ =	shalt  }
0x52: {  	_ =	shalt  }
0x53: {  	_ =	shalt  }
0x54: {  	_ =	shalt  }
0x55: {  	_ =	shalt  }
0x56: {  	_ =	shalt  }
0x57: {  	_ =	shalt  }
0x58: {  	_ =	shalt  }
0x59: {  	_ =	shalt  }
0x5a: {  	_ =	shalt  }
0x5b: {  	_ =	shalt  }
0x5c: {  	_ =	shalt  }
0x5d: {  	_ =	shalt  }
0x5e: {  	_ =	shalt  }
0x5f: {  	_ =	shalt  }
0x60: {  	_ =	shalt  }
0x61: {  	_ =	shalt  }
0x62: {  	_ =	shalt  }
0x63: {  	_ =	shalt  }
0x64: {  	_ =	shalt  }
0x65: {  	_ =	shalt  }
0x66: {  	_ =	shalt  }
0x67: {  	_ =	shalt  }
0x68: {  	_ =	shalt  }
0x69: {  	_ =	shalt  }
0x6a: {  	_ =	shalt  }
0x6b: {  	_ =	shalt  }
0x6c: {  	_ =	shalt  }
0x6d: {  	_ =	shalt  }
0x6e: {  	_ =	shalt  }
0x6f: {  	_ =	shalt  }
0x70: {  	_ =	shalt  }
0x71: {  	_ =	shalt  }
0x72: {  	_ =	shalt  }
0x73: {  	_ =	shalt  }
0x74: {  	_ =	shalt  }
0x75: {  	_ =	shalt  }
0x76: {  	_ =	shalt  }
0x77: {  	_ =	shalt  }
0x78: {  	_ =	shalt  }
0x79: {  	_ =	shalt  }
0x7a: {  	_ =	shalt  }
0x7b: {  	_ =	shalt  }
0x7c: {  	_ =	shalt  }
0x7d: {  	_ =	shalt  }
0x7e: {  	_ =	shalt  }
0x7f: {  	_ =	shalt  }
0x80: {  	_ =	shalt  }
0x81: {  	_ =	shalt  }
0x82: {  	_ =	shalt  }
0x83: {  	_ =	shalt  }
0x84: {  	_ =	shalt  }
0x85: {  	_ =	shalt  }
0x86: {  	_ =	shalt  }
0x87: {  	_ =	shalt  }
.Lfunc_end0:
.L_simem_size_0:
called_computation.2_lowered:
.L_overlay_start_0:
0x88: {  	s2 =	sld [smem:$0x3FD9]  }
0x89: {  	s3 =	sld [smem:$0x3FFE];
	_ =	sdelay $0x1  }
0x8a: {  	s1 =	srdreg.scid  }
0x8b: {  	s0 =	sand.u32 $0x1, s1  }
0x8c: {  	s14 =	sshll.u32 s0, $0xA;
	s2 =	sadd.s32 s3, s2  }
0x8d: {  	s2 =	sadd.s32 s2, s14  }
0x8e: {  	[smem:$0x3FB8] =	sst s2  }
0x8f: {  	_ = 	snop  }
0x90: {  	s2 =	sld [smem:$0x3FD0];
	_ =	sdelay $0x2  }
0x91: {  	s15 =	simm.s32 $0xA;
	s4 =	simm.s32 $0x10  }
0x92: {  	[smem:s4], [sflag:s15] =	dma.local [hbm:s2], $0x1  }
0x93: {  	_ =	swait.eq [sflag:s15], $0x1  }
0x94: {  	[sflag:s15] =	ssyncset.done $0x0  }
0x95: {  	[sflag:s15] =	ssyncadd.s32 $0xFFFFFFFF  }
0x96: {  	s16 =	sld [smem:$0x10];
	(tm) =	ssettm $0x1  }
0x97: {  	s17 =	sld [smem:$0x3FFB];
	_ =	sdelay $0x3  }
0x98: {  	_ =	strace s17  }
0x99: {  	s3 =	sld [smem:$0x3FFC];
	_ =	sdelay $0x3  }
0x9a: {  	_ =	strace s3  }
0x9b: {  	s3 =	sld [smem:$0x3FFD];
	_ =	sdelay $0x3  }
0x9c: {  	_ =	strace s3  }
0x9d: {  	_ =	strace $0x8FFFFFFF  }
0x9e: {  	s18 =	sld [smem:$0x3FDB];
	_ =	sdelay $0x1  }
0x9f: {  	s19 =	simm.s32 $_scs_section_size  }
0xa0: {  	s5 =	simm.s32 $_size__tile_overlayer_lowered;
	s6 =	simm.s32 $_tile_overlayer_lowered  }
0xa1: {  	s22 =	simm.s32 $0x1BFF;
	s21 =	sshll.u32 s6, $0x1;
	s3 =	sadd.s32 s19, s18  }
0xa2: {  	s7 =	simm.s32 $0x0;
	s20 =	sshll.u32 s5, $0x1;
	s5 =	sadd.s32 s21, s3  }
0xa3: {  	[timem:s7], [sflag:s22] =	dma.local [hbm:s5], s20  }
0xa4: {  	_ =	swait.ge [sflag:s22], s20  }
0xa5: {  	s4 =	ssub.s32 $0x0, s20;
	[sflag:s22] =	ssyncset.done $0x0  }
0xa6: {  	[sflag:s22] =	ssyncadd.s32 s4;
	_ =	sdelay $0x1  }
0xa7: {  	s23 =	simm.s32 $0x1B8B  }
0xa8: {  	_ =	swait.ge [sflag:s23], $0x1  }
0xa9: {  	[sflag:s23] =	ssyncset.done $0x0  }
0xaa: {  	s25 =	simm.s32 $0x1B8E;
	s24 =	sld [smem:$0x3FFE];
	[sflag:s23] =	ssyncadd.s32 $0xFFFFFFFF  }
0xab: {  	s26 =	simm.s32 $execute0_lowered;
	[smem:$0x3FD2] =	sst s25  }
0xac: {  	s5 =	sshll.u32 s26, $0x1;
	_ =	strace $0x8000004C;
	[dreg:$0x1] =	wrdreg $0xFFFFFFFF  }
0xad: {  	s28 =	simm.s32 $_size_execute0_lowered;
	s3 =	sadd.s32 s3, s5;
	[dreg:$0x0] =	wrdreg $0x0  }
0xae: {  	s5 =	sshll.u32 s28, $0x1;
	[dreg:$0x2] =	wrdreg s3  }
0xaf: {  	[dreg:$0x3] =	wrdreg s5  }
0xb0: {  	[dreg:$0x4] =	wrdreg $0xC0  }
0xb1: {  	_ =	task [dreg:s7], $0x5FFFF  }
0xb2: {  	[dreg:$0x1] =	wrdreg $0xFFFFFFFF  }
0xb3: {  	[dreg:$0x0] =	wrdreg $0x60  }
0xb4: {  	[dreg:$0x2] =	wrdreg s16  }
0xb5: {  	[dreg:$0x3] =	wrdreg s24  }
0xb6: {  	[dreg:$0x4] =	wrdreg $0x82000  }
0xb7: {  	[dreg:$0x5] =	wrdreg $0x9  }
0xb8: {  	_ =	task.clear_ibuf [dreg:s7], $0x6FFFF;
	_ =	strace $0x9000004C  }
0xb9: {  	s29 =	simm.s32 $0x9;
	_ =	strace $0x8000004E  }
0xba: {  	_ =	swait.ge [sflag:s29], $0x1  }
0xbb: {  	[sflag:s29] =	ssyncadd.s32 $0xFFFFFFFF  }
0xbc: {  	_ =	strace $0x9000004E  }
0xbd: {  	_ =	sfence  }
0xbe: {  	s30 =	sld [smem:$0x0];
	_ =	sdelay $0x2  }
0xbf: {  	s31 =	sshll.u32 s1, $0xD;
	s1 =	sshrl.u32 s1, $0x2  }
0xc0: {  	s3 =	sand.u32 $0x4000, s31;
	s1 =	sadd.s32 s1, s30  }
0xc1: {  	s0 =	sor.u32 s3, s0;
	s1 =	sshll.u32 s1, $0x11  }
0xc2: {  	s0 =	sor.u32 s1, s0  }
0xc3: {  	s0 =	sadd.s32 $0x8F2B, s0  }
0xc4: {  	[sflag:s0] =	ssyncadd.remote.s32 $0x1  }
0xc5: {  	_ =	sfence.sel $0xFFFF  }
0xc6: {  	[dreg:$0x0] =	wrdreg $0xFFFFFFFF;
	(pc) =	sbr.abs _section_cstart, $3  }
0xc7: {  	[dreg:$0x1] =	wrdreg $0xFFFFFFFF  }
0xc8: {  	_ =	task.clear_ibuf [dreg:s7], $0x2FFFF;
	_ =	strace $0x9FFFFFFF  }
0xc9: {  	(tm) =	ssettm $0x7FFFFFFF  }
tec
execute0_lowered:
.L_overlay_start_1:
0x0: {  	(tag) =	ssettag $0x1  }
0x1: {  	s0 =	rddreg [dreg:$0x0]  }
0x2: {  	s3 =	rddreg [dreg:$0x1]  }
0x3: {  	s1 =	rddreg [dreg:$0x2]  }
0x4: {  	s2 =	simm.s32 $0x0;
	s4 =	srdreg.scid;
	s8 =	stileid.u32  }
0x5: {  	s28 =	simm.s32 $0x4;
	s29 =	simm.s32 $0x4200;
	s6 =	smul.u32 $0x50000, s8  }
0x6: {  	s30 =	simm.s32 $0x1;
	s31 =	simm.s32 $0x2;
	s17 =	smul.u32 $0x4F00, s8  }
0x7: {  	[smem:$0x7FF] =	sst s2;
	s5 =	sand.u32 $0x1, s4;
	s25 =	smul.u32 $0x2800, s8  }
0x8: {  	s20 =	sadd.s32 $0xD200, s3;
	s19 =	sadd.s32 $0x3400, s3;
	s4 =	smul.u32 $0x28000, s5  }
0x9: {  	_ =	strace $0x8000004D;
	s7 =	ssub.s32 $0x2, s5;
	s5 =	smul.u32 $0x27100, s5  }
0xa: {  	s16 =	sshrl.u32 s7, $0x1;
	s6 =	sshrl.u32 s6, $0x2;
	s3 =	sadd.s32 s4, s3  }
0xb: {  	s14 =	ssub.s32 s7, s16;
	s4 =	sadd.s32 s6, s1;
	s6 =	sshrl.u32 s17, $0x3  }
0xc: {  	s13 =	sadd.s32 s0, s5;
	s0 =	simm.s32 $0x3;
	s18 =	sadd.s32 $0x4000, s4  }
0xd: {  	s21 =	sadd.s32 $0x8000, s4;
	s22 =	sadd.s32 $0xC000, s4;
	s23 =	sadd.s32 $0x10000, s4  }
0xe: {  	s9 =	sadd.s32 s20, s6;
	s10 =	sadd.s32 s19, s6;
	[dreg:$0x4] =	wrdreg s18  }
0xf: {  	s12 =	sor.u32 $0x10, s6;
	s24 =	sadd.s32 $0x17000, s3;
	[dreg:$0x5] =	wrdreg s21  }
0x10: {  	s14 =	smax.u32 s14, $0x1;
	s26 =	sadd.s32 $0x9D0, s6;
	[dreg:$0x6] =	wrdreg s22  }
0x11: {  	s6 =	sadd.s32 $0x9C0, s6;
	s3 =	simm.s32 $0x0;
	[dreg:$0x7] =	wrdreg s23  }
0x12: {  	s11 =	sadd.s32 s20, s12;
	s12 =	sadd.s32 s19, s12;
	s21 =	smul.u32 $0x9E0, s8  }
0x13: {  	s15 =	sadd.s32 s20, s26;
	s16 =	sadd.s32 s19, s26;
	s17 =	sadd.s32 s20, s6  }
0x14: {  	s18 =	sadd.s32 s19, s6;
	s22 =	simm.s32 $0x5;
	s23 =	simm.s32 $0x80  }
0x15: {  	s24 =	sadd.s32 s25, s24;
	s25 =	simm.s32 $0x100;
	s26 =	simm.s32 $0x180  }
0x16: {  	v0 =	vimm.f32 $0.0e+00;
	s19 =	sadd.s32 s21, s19;
	s20 =	sadd.s32 s21, s20;
	s21 =	simm.s32 $0x200  }
.LBB2_1:
0x17: {  	s5 =	simm.s32 $0x0;
	s6 =	simm.s32 $0x200  }
.LBB2_2:
0x18: {  	p0 =	sne.s32 s6, $0xFE00;
	[tilespmem:s5+$0x270] =	vst v0  }
0x19: {  	[tilespmem:s5+$0x200] =	vst v0  }
0x1a: {  	[tilespmem:s5+$0x210] =	vst v0  }
.Ltmp0:
0x1b: {  	[tilespmem:s5+$0x220] =	vst v0;
	(pc) =	sbr.rel @p0 .LBB2_2-.Ltmp0, $4  }
0x1c: {  	[tilespmem:s5+$0x230] =	vst v0  }
0x1d: {  	[tilespmem:s5+$0x240] =	vst v0  }
0x1e: {  	[tilespmem:s5+$0x250] =	vst v0  }
0x1f: {  	[tilespmem:s5+$0x260] =	vst v0;
	s5 =	sshra.s32 s6, $0x2;
	s6 =	sadd.s32 $0x200, s6  }
0x20: {  	[tilespmem:s5+$0x270] =	vst v0  }
0x21: {  	[tilespmem:s5+$0x200] =	vst v0  }
0x22: {  	[tilespmem:s5+$0x210] =	vst v0  }
0x23: {  	[tilespmem:s5+$0x220] =	vst v0  }
0x24: {  	[tilespmem:s5+$0x230] =	vst v0  }
0x25: {  	[tilespmem:s5+$0x240] =	vst v0  }
0x26: {  	[tilespmem:s5+$0x250] =	vst v0  }
0x27: {  	[tilespmem:s5+$0x260] =	vst v0  }
0x28: {  	[spmem:s4] =	stream.linear.scatter [tilespmem:s21], [sflag:$0x5], $0x4000, $0x38;
	[tilespmem:$0x1C200] =	vst v63  }
0x29: {  	_ =	swait.ge [sflag:s22], $0x4000  }
0x2a: {  	[sflag:s22] =	ssyncset.done $0x0  }
0x2b: {  	s7 =	rddreg [dreg:$0x4];
	[sflag:s22] =	ssyncadd.s32 $0xFFFFC000  }
0x2c: {  	[spmem:s7] =	stream.linear.scatter [tilespmem:s21], [sflag:$0x5], $0x4000, $0x38;
	[tilespmem:$0x1C200] =	vst v63  }
0x2d: {  	_ =	swait.ge [sflag:s22], $0x4000  }
0x2e: {  	[sflag:s22] =	ssyncset.done $0x0  }
0x2f: {  	s8 =	rddreg [dreg:$0x5];
	[sflag:s22] =	ssyncadd.s32 $0xFFFFC000  }
0x30: {  	[spmem:s8] =	stream.linear.scatter [tilespmem:s21], [sflag:$0x5], $0x4000, $0x38;
	[tilespmem:$0x1C200] =	vst v63  }
0x31: {  	_ =	swait.ge [sflag:s22], $0x4000  }
0x32: {  	[sflag:s22] =	ssyncset.done $0x0  }
0x33: {  	s6 =	rddreg [dreg:$0x6];
	[sflag:s22] =	ssyncadd.s32 $0xFFFFC000  }
0x34: {  	[spmem:s6] =	stream.linear.scatter [tilespmem:s21], [sflag:$0x5], $0x4000, $0x38;
	[tilespmem:$0x1C200] =	vst v63  }
0x35: {  	_ =	swait.ge [sflag:s22], $0x4000  }
0x36: {  	[sflag:s22] =	ssyncset.done $0x0  }
0x37: {  	s7 =	rddreg [dreg:$0x7];
	[sflag:s22] =	ssyncadd.s32 $0xFFFFC000  }
0x38: {  	[spmem:s7] =	stream.linear.scatter [tilespmem:s21], [sflag:$0x5], $0x4000, $0x38;
	[tilespmem:$0x1C200] =	vst v63  }
0x39: {  	_ =	swait.ge [sflag:s22], $0x4000  }
0x3a: {  	[sflag:s22] =	ssyncset.done $0x0  }
0x3b: {  	[sflag:s22] =	ssyncadd.s32 $0xFFFFC000  }
0x3c: {  	[bflag:$0x0] =	sbarrier.arrive $0xFFFF  }
0x3d: {  	[tilespmem:s2], [sflag:$0x5] =	stream.linear.gather [hbm4b:s9+s2], $0x80, $0x38;
	[tilespmem:$0x1C200] =	vst v63  }
0x3e: {  	_ =	swait.ge [sflag:s22], $0x80  }
0x3f: {  	[sflag:s22] =	ssyncset.done $0x0  }
0x40: {  	[sflag:s22] =	ssyncadd.s32 $0xFFFFFF80  }
0x41: {  	[tilespmem:s23], [sflag:$0x5] =	stream.linear.gather [hbm4b:s10+s2], $0x80, $0x38;
	[tilespmem:$0x1C200] =	vst v63  }
0x42: {  	_ =	swait.ge [sflag:s22], $0x80  }
0x43: {  	[sflag:s22] =	ssyncset.done $0x0  }
0x44: {  	[sflag:s22] =	ssyncadd.s32 $0xFFFFFF80  }
0x45: {  	[tilespmem:s25], [sflag:$0x4] =	stream.linear.gather [hbm4b:s11+s2], $0x80, $0x38;
	[tilespmem:$0x1C200] =	vst v63  }
0x46: {  	_ = 	snop  }
0x47: {  	[tilespmem:s26], [sflag:$0x4] =	stream.linear.gather [hbm4b:s12+s2], $0x80, $0x38;
	[tilespmem:$0x1C200] =	vst v63  }
0x48: {  	_ = 	snop  }
0x49: {  	[tilespmem:s21], [sflag:$0x1] =	stream.indirect.gather [hbm4b:s13+s23], $0x80, s2, s23, $0xb8;
	[tilespmem:$0x1C200] =	vst v63  }
0x4a: {  	_ =	swait.ge [sflag:s28], $0x80  }
0x4b: {  	[sflag:s28] =	ssyncset.done $0x0  }
0x4c: {  	[sflag:s28] =	ssyncadd.s32 $0xFFFFFF80  }
0x4d: {  	_ =	swait.ge [sflag:s28], $0x80  }
0x4e: {  	[sflag:s28] =	ssyncset.done $0x0  }
0x4f: {  	[sflag:s28] =	ssyncadd.s32 $0xFFFFFF80  }
0x50: {  	[tilespmem:s29], [sflag:$0x2] =	stream.indirect.gather [hbm4b:s13+s23], $0x80, s25, s23, $0xb8;
	[tilespmem:$0x1C200] =	vst v63  }
0x51: {  	_ =	swait.ge [sflag:s30], $0x4000  }
0x52: {  	[sflag:s30] =	ssyncset.done $0x0  }
0x53: {  	[sflag:s30] =	ssyncadd.s32 $0xFFFFC000  }
0x54: {  	[spmem:s1] =	stream.indirect.scatter.add.f32 [tilespmem:s21], [sflag:$0x5], $0x80, s23, s23, $0xb8;
	[tilespmem:$0x1C200] =	vst v63  }
0x55: {  	_ =	swait.ge [sflag:s22], $0x4000  }
0x56: {  	s5 =	sadd.s32 $0xFFFFF660, s20;
	[sflag:s22] =	ssyncset.done $0x0  }
0x57: {  	s6 =	sadd.s32 $0x9C0, s5;
	s7 =	sadd.s32 $0xFFFFF660, s19;
	[sflag:s22] =	ssyncadd.s32 $0xFFFFC000  }
0x58: {  	[tilespmem:s2], [sflag:$0x3] =	stream.linear.gather [hbm4b:s6+s2], $0x80, $0x38;
	[tilespmem:$0x1C200] =	vst v63  }
0x59: {  	s8 =	sadd.s32 $0x9C0, s7  }
0x5a: {  	[tilespmem:s23], [sflag:$0x3] =	stream.linear.gather [hbm4b:s8+s2], $0x80, $0x38;
	[tilespmem:$0x1C200] =	vst v63  }
0x5b: {  	_ =	swait.ge [sflag:s31], $0x4000  }
0x5c: {  	[sflag:s31] =	ssyncset.done $0x0  }
0x5d: {  	[sflag:s31] =	ssyncadd.s32 $0xFFFFC000  }
0x5e: {  	[spmem:s1] =	stream.indirect.scatter.add.f32 [tilespmem:s29], [sflag:$0x5], $0x80, s26, s23, $0xb8;
	[tilespmem:$0x1C200] =	vst v63  }
0x5f: {  	_ =	swait.ge [sflag:s22], $0x4000  }
0x60: {  	[sflag:s22] =	ssyncset.done $0x0  }
0x61: {  	s5 =	sadd.s32 $0x9D0, s5;
	[sflag:s22] =	ssyncadd.s32 $0xFFFFC000  }
0x62: {  	[tilespmem:s25], [sflag:$0x4] =	stream.linear.gather [hbm4b:s5+s2], $0x80, $0x38;
	[tilespmem:$0x1C200] =	vst v63  }
0x63: {  	s8 =	sadd.s32 $0x9D0, s7  }
0x64: {  	[tilespmem:s26], [sflag:$0x4] =	stream.linear.gather [hbm4b:s8+s2], $0x80, $0x38;
	[tilespmem:$0x1C200] =	vst v63  }
0x65: {  	_ =	swait.ge [sflag:s0], $0x80  }
0x66: {  	[sflag:s0] =	ssyncset.done $0x0  }
0x67: {  	[sflag:s0] =	ssyncadd.s32 $0xFFFFFF80  }
0x68: {  	_ =	swait.ge [sflag:s0], $0x80  }
0x69: {  	[sflag:s0] =	ssyncset.done $0x0  }
0x6a: {  	s5 =	simm.s32 $0xFFFFF680;
	[sflag:s0] =	ssyncadd.s32 $0xFFFFFF80  }
.LBB2_4:
0x6b: {  	[tilespmem:s21], [sflag:$0x1] =	stream.indirect.gather [hbm4b:s13+s23], $0x80, s2, s23, $0xb8;
	[tilespmem:$0x1C200] =	vst v63  }
0x6c: {  	s6 =	smov.u32 s5  }
0x6d: {  	p0 =	sne.s32 s5, $0xFFFFFFE0;
	s5 =	sadd.s32 $0x20, s5;
	_ =	swait.ge [sflag:s28], $0x80  }
0x6e: {  	[sflag:s28] =	ssyncset.done $0x0  }
0x6f: {  	[sflag:s28] =	ssyncadd.s32 $0xFFFFFF80  }
0x70: {  	_ =	swait.ge [sflag:s28], $0x80  }
0x71: {  	[sflag:s28] =	ssyncset.done $0x0  }
0x72: {  	[sflag:s28] =	ssyncadd.s32 $0xFFFFFF80  }
0x73: {  	[tilespmem:s29], [sflag:$0x2] =	stream.indirect.gather [hbm4b:s13+s23], $0x80, s25, s23, $0xb8;
	[tilespmem:$0x1C200] =	vst v63  }
0x74: {  	_ =	swait.ge [sflag:s30], $0x4000  }
0x75: {  	[sflag:s30] =	ssyncset.done $0x0  }
0x76: {  	[sflag:s30] =	ssyncadd.s32 $0xFFFFC000  }
0x77: {  	[spmem:s1] =	stream.indirect.scatter.add.f32 [tilespmem:s21], [sflag:$0x5], $0x80, s23, s23, $0xb8;
	[tilespmem:$0x1C200] =	vst v63  }
0x78: {  	_ =	swait.ge [sflag:s22], $0x4000  }
0x79: {  	s7 =	sadd.s32 s6, s20;
	[sflag:s22] =	ssyncset.done $0x0  }
0x7a: {  	s6 =	sadd.s32 s6, s19;
	s8 =	sadd.s32 $0x9C0, s7;
	[sflag:s22] =	ssyncadd.s32 $0xFFFFC000  }
0x7b: {  	[tilespmem:s2], [sflag:$0x3] =	stream.linear.gather [hbm4b:s8+s2], $0x80, $0x38;
	[tilespmem:$0x1C200] =	vst v63  }
0x7c: {  	s8 =	sadd.s32 $0x9C0, s6  }
0x7d: {  	[tilespmem:s23], [sflag:$0x3] =	stream.linear.gather [hbm4b:s8+s2], $0x80, $0x38;
	[tilespmem:$0x1C200] =	vst v63  }
0x7e: {  	_ =	swait.ge [sflag:s31], $0x4000  }
0x7f: {  	[sflag:s31] =	ssyncset.done $0x0  }
0x80: {  	[sflag:s31] =	ssyncadd.s32 $0xFFFFC000  }
0x81: {  	[spmem:s1] =	stream.indirect.scatter.add.f32 [tilespmem:s29], [sflag:$0x5], $0x80, s26, s23, $0xb8;
	[tilespmem:$0x1C200] =	vst v63  }
0x82: {  	_ =	swait.ge [sflag:s22], $0x4000  }
0x83: {  	[sflag:s22] =	ssyncset.done $0x0  }
0x84: {  	s7 =	sadd.s32 $0x9D0, s7;
	[sflag:s22] =	ssyncadd.s32 $0xFFFFC000  }
0x85: {  	[tilespmem:s25], [sflag:$0x4] =	stream.linear.gather [hbm4b:s7+s2], $0x80, $0x38;
	[tilespmem:$0x1C200] =	vst v63  }
0x86: {  	s6 =	sadd.s32 $0x9D0, s6  }
0x87: {  	[tilespmem:s26], [sflag:$0x4] =	stream.linear.gather [hbm4b:s6+s2], $0x80, $0x38;
	[tilespmem:$0x1C200] =	vst v63  }
0x88: {  	_ =	swait.ge [sflag:s0], $0x80  }
.Ltmp1:
0x89: {  	[sflag:s0] =	ssyncset.done $0x0;
	(pc) =	sbr.rel @p0 .LBB2_4-.Ltmp1, $4  }
0x8a: {  	[sflag:s0] =	ssyncadd.s32 $0xFFFFFF80  }
0x8b: {  	_ =	swait.ge [sflag:s0], $0x80  }
0x8c: {  	[sflag:s0] =	ssyncset.done $0x0  }
0x8d: {  	[sflag:s0] =	ssyncadd.s32 $0xFFFFFF80  }
0x8e: {  	[tilespmem:s21], [sflag:$0x1] =	stream.indirect.gather [hbm4b:s13+s23], $0x80, s2, s23, $0xb8;
	[tilespmem:$0x1C200] =	vst v63  }
0x8f: {  	_ =	swait.ge [sflag:s28], $0x80  }
0x90: {  	[sflag:s28] =	ssyncset.done $0x0  }
0x91: {  	[sflag:s28] =	ssyncadd.s32 $0xFFFFFF80  }
0x92: {  	_ =	swait.ge [sflag:s28], $0x80  }
0x93: {  	[sflag:s28] =	ssyncset.done $0x0  }
0x94: {  	[sflag:s28] =	ssyncadd.s32 $0xFFFFFF80  }
0x95: {  	[tilespmem:s29], [sflag:$0x2] =	stream.indirect.gather [hbm4b:s13+s23], $0x80, s25, s23, $0xb8;
	[tilespmem:$0x1C200] =	vst v63  }
0x96: {  	_ =	swait.ge [sflag:s30], $0x4000  }
0x97: {  	[sflag:s30] =	ssyncset.done $0x0  }
0x98: {  	[sflag:s30] =	ssyncadd.s32 $0xFFFFC000  }
0x99: {  	[spmem:s1] =	stream.indirect.scatter.add.f32 [tilespmem:s21], [sflag:$0x5], $0x80, s23, s23, $0xb8;
	[tilespmem:$0x1C200] =	vst v63  }
0x9a: {  	_ =	swait.ge [sflag:s22], $0x4000  }
0x9b: {  	[sflag:s22] =	ssyncset.done $0x0  }
0x9c: {  	[sflag:s22] =	ssyncadd.s32 $0xFFFFC000  }
0x9d: {  	[tilespmem:s2], [sflag:$0x3] =	stream.linear.gather [hbm4b:s17+s2], $0x80, $0x38;
	[tilespmem:$0x1C200] =	vst v63  }
0x9e: {  	_ = 	snop  }
0x9f: {  	[tilespmem:s23], [sflag:$0x3] =	stream.linear.gather [hbm4b:s18+s2], $0x80, $0x38;
	[tilespmem:$0x1C200] =	vst v63  }
0xa0: {  	_ =	swait.ge [sflag:s31], $0x4000  }
0xa1: {  	[sflag:s31] =	ssyncset.done $0x0  }
0xa2: {  	[sflag:s31] =	ssyncadd.s32 $0xFFFFC000  }
0xa3: {  	[spmem:s1] =	stream.indirect.scatter.add.f32 [tilespmem:s29], [sflag:$0x5], $0x80, s26, s23, $0xb8;
	[tilespmem:$0x1C200] =	vst v63  }
0xa4: {  	_ =	swait.ge [sflag:s22], $0x4000  }
0xa5: {  	[sflag:s22] =	ssyncset.done $0x0  }
0xa6: {  	[sflag:s22] =	ssyncadd.s32 $0xFFFFC000  }
0xa7: {  	[tilespmem:s25], [sflag:$0x4] =	stream.linear.gather [hbm4b:s15+s2], $0x80, $0x38;
	[tilespmem:$0x1C200] =	vst v63  }
0xa8: {  	_ = 	snop  }
0xa9: {  	[tilespmem:s26], [sflag:$0x4] =	stream.linear.gather [hbm4b:s16+s2], $0x80, $0x38;
	[tilespmem:$0x1C200] =	vst v63  }
0xaa: {  	_ =	swait.ge [sflag:s0], $0x80  }
0xab: {  	[sflag:s0] =	ssyncset.done $0x0  }
0xac: {  	[sflag:s0] =	ssyncadd.s32 $0xFFFFFF80  }
0xad: {  	_ =	swait.ge [sflag:s0], $0x80  }
0xae: {  	[sflag:s0] =	ssyncset.done $0x0  }
0xaf: {  	[sflag:s0] =	ssyncadd.s32 $0xFFFFFF80  }
0xb0: {  	[tilespmem:s21], [sflag:$0x1] =	stream.indirect.gather [hbm4b:s13+s23], $0x80, s2, s23, $0xb8;
	[tilespmem:$0x1C200] =	vst v63  }
0xb1: {  	_ =	swait.ge [sflag:s28], $0x80  }
0xb2: {  	[sflag:s28] =	ssyncset.done $0x0  }
0xb3: {  	[sflag:s28] =	ssyncadd.s32 $0xFFFFFF80  }
0xb4: {  	_ =	swait.ge [sflag:s28], $0x80  }
0xb5: {  	[sflag:s28] =	ssyncset.done $0x0  }
0xb6: {  	[sflag:s28] =	ssyncadd.s32 $0xFFFFFF80  }
0xb7: {  	[tilespmem:s29], [sflag:$0x2] =	stream.indirect.gather [hbm4b:s13+s23], $0x80, s25, s23, $0xb8;
	[tilespmem:$0x1C200] =	vst v63  }
0xb8: {  	_ =	swait.ge [sflag:s30], $0x4000  }
0xb9: {  	[sflag:s30] =	ssyncset.done $0x0  }
0xba: {  	[sflag:s30] =	ssyncadd.s32 $0xFFFFC000  }
0xbb: {  	[spmem:s1] =	stream.indirect.scatter.add.f32 [tilespmem:s21], [sflag:$0x5], $0x80, s23, s23, $0xb8;
	[tilespmem:$0x1C200] =	vst v63  }
0xbc: {  	_ =	swait.ge [sflag:s22], $0x4000  }
0xbd: {  	[sflag:s22] =	ssyncset.done $0x0  }
0xbe: {  	[sflag:s22] =	ssyncadd.s32 $0xFFFFC000  }
0xbf: {  	[tilespmem:s2], [sflag:$0x3] =	stream.linear.gather [hbm4b:s15+s2], $0x80, $0x38;
	[tilespmem:$0x1C200] =	vst v63  }
0xc0: {  	_ = 	snop  }
0xc1: {  	[tilespmem:s23], [sflag:$0x3] =	stream.linear.gather [hbm4b:s16+s2], $0x80, $0x38;
	[tilespmem:$0x1C200] =	vst v63  }
0xc2: {  	_ =	swait.ge [sflag:s31], $0x4000  }
0xc3: {  	[sflag:s31] =	ssyncset.done $0x0  }
0xc4: {  	[sflag:s31] =	ssyncadd.s32 $0xFFFFC000  }
0xc5: {  	[spmem:s1] =	stream.indirect.scatter.add.f32 [tilespmem:s29], [sflag:$0x5], $0x80, s26, s23, $0xb8;
	[tilespmem:$0x1C200] =	vst v63  }
0xc6: {  	_ =	swait.ge [sflag:s22], $0x4000  }
0xc7: {  	[sflag:s22] =	ssyncset.done $0x0  }
0xc8: {  	[sflag:s22] =	ssyncadd.s32 $0xFFFFC000  }
0xc9: {  	[tilespmem:s25], [sflag:$0x4] =	stream.linear.gather [hbm4b:s15+s2], $0x80, $0x38;
	[tilespmem:$0x1C200] =	vst v63  }
0xca: {  	_ = 	snop  }
0xcb: {  	[tilespmem:s26], [sflag:$0x4] =	stream.linear.gather [hbm4b:s16+s2], $0x80, $0x38;
	[tilespmem:$0x1C200] =	vst v63  }
0xcc: {  	_ =	swait.ge [sflag:s0], $0x80  }
0xcd: {  	[sflag:s0] =	ssyncset.done $0x0  }
0xce: {  	[sflag:s0] =	ssyncadd.s32 $0xFFFFFF80  }
0xcf: {  	_ =	swait.ge [sflag:s0], $0x80  }
0xd0: {  	[sflag:s0] =	ssyncset.done $0x0  }
0xd1: {  	[sflag:s0] =	ssyncadd.s32 $0xFFFFFF80  }
0xd2: {  	[tilespmem:s21], [sflag:$0x1] =	stream.indirect.gather [hbm4b:s13+s23], $0x80, s2, s23, $0xb8;
	[tilespmem:$0x1C200] =	vst v63  }
0xd3: {  	_ =	swait.ge [sflag:s28], $0x80  }
0xd4: {  	[sflag:s28] =	ssyncset.done $0x0  }
0xd5: {  	[sflag:s28] =	ssyncadd.s32 $0xFFFFFF80  }
0xd6: {  	_ =	swait.ge [sflag:s28], $0x80  }
0xd7: {  	[sflag:s28] =	ssyncset.done $0x0  }
0xd8: {  	[sflag:s28] =	ssyncadd.s32 $0xFFFFFF80  }
0xd9: {  	s5 =	stileid.u32;
	_ =	swait.ge [sflag:s30], $0x4000  }
0xda: {  	s6 =	sshrl.u32 s4, $0x3;
	s3 =	sadd.s32 $0x1, s3;
	[sflag:s30] =	ssyncset.done $0x0  }
0xdb: {  	s5 =	sshll.u32 s5, $0x6;
	p0 =	sne.s32 s3, s14;
	[sflag:s30] =	ssyncadd.s32 $0xFFFFC000  }
.Ltmp2:
0xdc: {  	s5 =	sor.u32 $0x1C05, s5;
	[bflag:$0x0] =	sbarrier.arrive $0xFFFF;
	(pc) =	sbr.rel @p0 .LBB2_1-.Ltmp2, $4  }
0xdd: {  	[hbm:s24], [sflag:s5] =	dma.local [spmem:s6], $0x2800  }
0xde: {  	_ =	swait.ge [sflag:s22], $0x2800  }
0xdf: {  	[sflag:s22] =	ssyncset.done $0x0  }
0xe0: {  	[sflag:s22] =	ssyncadd.s32 $0xFFFFD800  }
0xe1: {  	_ =	sfence.sel $0x180000  }
0xe2: {  	[bflag:$0x0] =	sbarrier.arrive $0xFFFF  }
0xe3: {  	_ =	strace $0x9000004D  }
0xe4: {  	s0 =	stileid.u32;
	[bflag:$0x2] =	sbarrier.arrive $0xFFFF  }
0xe5: {  	p0 =	sne.s32 s0, $0x0;
	s0 =	rddreg [dreg:$0x3]  }
0xe6: {  	s0 =	sadd.s32 @!p0 $0x100000, s0  }
0xe7: {  	[sflag:s0] =	ssyncadd.tile.s32 @!p0 $0x1;
	_ =	shalt  }
.Lfunc_end2:
_tile_overlayer_lowered:
.L_overlay_start_2:
0xe8: {  	(tag) =	ssettag $0x2  }
0xe9: {  	s0 =	rddreg [dreg:$0x0];
	s2 =	stileid.u32  }
0xea: {  	s1 =	rddreg [dreg:$0x1];
	p0 =	sne.s32 s2, $0x0  }
0xeb: {  	s3 =	rddreg [dreg:$0x2];
	[bflag:$0x3] =	sbarrier.arrive $0xFFFF;
	s2 =	simm.s32 @!p0 $0x1C05  }
0xec: {  	[timem:s3], [sflag:s2] =	dma.local @!p0 [hbm:s0], s1  }
0xed: {  	s0 =	simm.s32 @!p0 $0x5  }
0xee: {  	_ =	swait.ge @!p0 [sflag:s0], s1  }
0xef: {  	s1 =	ssub.s32 @!p0 $0x0, s1;
	[sflag:s0] =	ssyncset.done @!p0 $0x0  }
0xf0: {  	[sflag:s0] =	ssyncadd.s32 @!p0 s1  }
0xf1: {  	[bflag:$0x3] =	sbarrier.arrive $0xFFFF  }
0xf2: {  	_ =	shalt  }

// kernel: kernel.8.cloned.1.call-start
scs
__scs_entry_jumppad:
0x0: {  	(pc) =	sbr.rel $0x88, $3  }
0x1: {  	(tag) =	ssettag $0x0;
	lr =	simm.s32 $0x1  }
0x2: {  	[smem:$0x3F91] =	sst lr;
	_ =	strace $0xD0000000  }
0x3: {  	_ = 	snop  }
0x4: {  	_ = 	snop  }
0x5: {  	_ = 	snop  }
0x6: {  	_ = 	snop  }
0x7: {  	_ = 	snop  }
__scs_overlays_trampoline_lowered:
0x8: {  	[smem:$0x3FA0] =	sst s0  }
0x9: {  	[smem:$0x3FA1] =	sst s1  }
0xa: {  	[smem:$0x3FA2] =	sst s2  }
0xb: {  	[smem:$0x3FA3] =	sst s3  }
0xc: {  	[smem:$0x3FA4] =	sst s4  }
0xd: {  	[smem:$0x3FA5] =	sst s5  }
0xe: {  	[smem:$0x3FA6] =	sst s6  }
0xf: {  	[smem:$0x3FA7] =	sst s7  }
0x10: {  	[smem:$0x3FA8] =	sst s8  }
0x11: {  	[smem:$0x3FA9] =	sst s9;
	s0 =	simm.s32 @!p0 $0x0  }
0x12: {  	s1 =	sld [smem:$0x3F8F];
	s0 =	simm.s32 @p0 $0x1  }
0x13: {  	[smem:$0x3FAA] =	sst s0;
	s0 =	simm.s32 @!p1 $0x0  }
0x14: {  	s2 =	sld [smem:$0x3F8E];
	s0 =	simm.s32 @p1 $0x1  }
0x15: {  	[smem:$0x3FAB] =	sst s0;
	s0 =	simm.s32 @!p2 $0x0  }
0x16: {  	s3 =	sld [smem:$0x3FDB];
	s0 =	simm.s32 @p2 $0x1  }
0x17: {  	s4 =	simm.s32 $0x1BF5;
	[smem:$0x3FAD] =	sst s0  }
0x18: {  	s0 =	sld [smem:$0x3F90];
	_ =	swait.ge [sflag:s4], $0x0  }
0x19: {  	s7 =	sld [smem:$0x3F91]  }
0x1a: {  	s8 =	sadd.s32 $0xFFFFE003, lr  }
0x1b: {  	s9 =	sadd.s32 $0xFFFFFEF7, lr;
	s5 =	simm.s32 $0xFFFFFFFF;
	p2 =	slt.u32 s8, $0xFFFFF086  }
0x1c: {  	p1 =	slt.u32 s9, $0xF7A;
	s5 =	simm.s32 @!p2 $0x0  }
0x1d: {  	s5 =	simm.s32 @p1 $0x1;
	p0 =	seq.s32 s7, s2  }
0x1e: {  	s7 =	smul.u32 @!p0 $0xF7A, s2;
	p2 =	seq.s32 @!p0 s5, $0x0  }
0x1f: {  	s9 =	smul.u32 $0xF7A, s1;
	s8 =	simm.s32 @!p0 $0x1BF5;
	p2 =	por !p2, p0  }
0x20: {  	[sflag:s8] =	ssyncset.s32 @!p0 $0xFFFFF086;
	s6 =	sadd.s32 @!p0 s3, s7;
	s7 =	simm.s32 @!p0 $0x108  }
0x21: {  	s3 =	sadd.s32 s3, s9;
	s6 =	sadd.s32 @!p0 $0x88, s6;
	s7 =	simm.s32 @p2 $0x1082  }
0x22: {  	[simem:s7], [sflag:s8] =	dma.local @!p0 [hbm:s6], $0xF7A  }
0x23: {  	s9 =	sor.u32 $0xD0000000, s2;
	s6 =	simm.s32 $0x108;
	_ =	swait.ge @!p0 [sflag:s8], $0x0  }
0x24: {  	s3 =	sadd.s32 $0x88, s3;
	s6 =	simm.s32 @!p1 $0x1082;
	[sflag:s4] =	ssyncset.s32 $0xFFFFF086  }
0x25: {  	[simem:s6], [sflag:s4] =	dma.local [hbm:s3], $0xF7A  }
0x26: {  	[smem:$0x3F91] =	sst s1;
	(tag) =	ssettag s2;
	_ =	strace s9  }
0x27: {  	s1 =	sld [smem:$0x3FA1]  }
0x28: {  	s2 =	sld [smem:$0x3FA2]  }
0x29: {  	s4 =	sld [smem:$0x3FA4]  }
0x2a: {  	p0 =	seq.s32 s5, $0x0;
	s5 =	sld [smem:$0x3FA5]  }
0x2b: {  	s6 =	sld [smem:$0x3FA6]  }
0x2c: {  	s7 =	sld [smem:$0x3FA7]  }
0x2d: {  	s3 =	simm.s32 $0x108;
	s8 =	sld [smem:$0x3FA8]  }
0x2e: {  	s3 =	simm.s32 @!p0 $0x1082;
	s9 =	sld [smem:$0x3FA9]  }
0x2f: {  	lr =	sadd.s32 s0, s3;
	s0 =	sld [smem:$0x3FA0]  }
0x30: {  	s3 =	sld [smem:$0x3FA3]  }
0x31: {  	[smem:$0x3FAC] =	sst s10  }
0x32: {  	s10 =	sld [smem:$0x3FAA];
	_ =	sdelay $0x3  }
0x33: {  	p0 =	seq.s32 s10, $0x1;
	s10 =	sld [smem:$0x3FAC];
	_ =	sdelay $0x3  }
0x34: {  	[smem:$0x3FAC] =	sst s10  }
0x35: {  	s10 =	sld [smem:$0x3FAB];
	_ =	sdelay $0x3  }
0x36: {  	p1 =	seq.s32 s10, $0x1;
	s10 =	sld [smem:$0x3FAC];
	_ =	sdelay $0x3  }
0x37: {  	[smem:$0x3FAC] =	sst s10  }
0x38: {  	s10 =	sld [smem:$0x3FAD]  }
0x39: {  	_ = 	snop;
	(pc) =	sbr.ind lr, $3  }
0x3a: {  	_ = 	snop  }
0x3b: {  	_ = 	snop  }
0x3c: {  	p2 =	seq.s32 s10, $0x1;
	s10 =	sld [smem:$0x3FAC]  }
0x3d: {  	_ =	shalt  }
0x3e: {  	_ =	shalt  }
0x3f: {  	_ =	shalt  }
0x40: {  	_ =	shalt  }
0x41: {  	_ =	shalt  }
0x42: {  	_ =	shalt  }
0x43: {  	_ =	shalt  }
0x44: {  	_ =	shalt  }
0x45: {  	_ =	shalt  }
0x46: {  	_ =	shalt  }
0x47: {  	_ =	shalt  }
0x48: {  	_ =	shalt  }
0x49: {  	_ =	shalt  }
0x4a: {  	_ =	shalt  }
0x4b: {  	_ =	shalt  }
0x4c: {  	_ =	shalt  }
0x4d: {  	_ =	shalt  }
0x4e: {  	_ =	shalt  }
0x4f: {  	_ =	shalt  }
0x50: {  	_ =	shalt  }
0x51: {  	_ =	shalt  }
0x52: {  	_ =	shalt  }
0x53: {  	_ =	shalt  }
0x54: {  	_ =	shalt  }
0x55: {  	_ =	shalt  }
0x56: {  	_ =	shalt  }
0x57: {  	_ =	shalt  }
0x58: {  	_ =	shalt  }
0x59: {  	_ =	shalt  }
0x5a: {  	_ =	shalt  }
0x5b: {  	_ =	shalt  }
0x5c: {  	_ =	shalt  }
0x5d: {  	_ =	shalt  }
0x5e: {  	_ =	shalt  }
0x5f: {  	_ =	shalt  }
0x60: {  	_ =	shalt  }
0x61: {  	_ =	shalt  }
0x62: {  	_ =	shalt  }
0x63: {  	_ =	shalt  }
0x64: {  	_ =	shalt  }
0x65: {  	_ =	shalt  }
0x66: {  	_ =	shalt  }
0x67: {  	_ =	shalt  }
0x68: {  	_ =	shalt  }
0x69: {  	_ =	shalt  }
0x6a: {  	_ =	shalt  }
0x6b: {  	_ =	shalt  }
0x6c: {  	_ =	shalt  }
0x6d: {  	_ =	shalt  }
0x6e: {  	_ =	shalt  }
0x6f: {  	_ =	shalt  }
0x70: {  	_ =	shalt  }
0x71: {  	_ =	shalt  }
0x72: {  	_ =	shalt  }
0x73: {  	_ =	shalt  }
0x74: {  	_ =	shalt  }
0x75: {  	_ =	shalt  }
0x76: {  	_ =	shalt  }
0x77: {  	_ =	shalt  }
0x78: {  	_ =	shalt  }
0x79: {  	_ =	shalt  }
0x7a: {  	_ =	shalt  }
0x7b: {  	_ =	shalt  }
0x7c: {  	_ =	shalt  }
0x7d: {  	_ =	shalt  }
0x7e: {  	_ =	shalt  }
0x7f: {  	_ =	shalt  }
0x80: {  	_ =	shalt  }
0x81: {  	_ =	shalt  }
0x82: {  	_ =	shalt  }
0x83: {  	_ =	shalt  }
0x84: {  	_ =	shalt  }
0x85: {  	_ =	shalt  }
0x86: {  	_ =	shalt  }
0x87: {  	_ =	shalt  }
.Lfunc_end0:
.L_simem_size_0:
called_computation_lowered:
.L_overlay_start_0:
0x88: {  	s2 =	sld [smem:$0x3FD9]  }
0x89: {  	s3 =	sld [smem:$0x3FFE];
	_ =	sdelay $0x1  }
0x8a: {  	s1 =	srdreg.scid  }
0x8b: {  	s0 =	sand.u32 $0x1, s1  }
0x8c: {  	s17 =	sshll.u32 s0, $0xA;
	s2 =	sadd.s32 s3, s2  }
0x8d: {  	s2 =	sadd.s32 s2, s17  }
0x8e: {  	[smem:$0x3FB8] =	sst s2  }
0x8f: {  	_ = 	snop  }
0x90: {  	s2 =	sld [smem:$0x3FC9];
	(tm) =	ssettm $0x1  }
0x91: {  	s18 =	sld [smem:$0x3FFB];
	_ =	sdelay $0x3  }
0x92: {  	_ =	strace s18  }
0x93: {  	s3 =	sld [smem:$0x3FFC];
	_ =	sdelay $0x3  }
0x94: {  	_ =	strace s3  }
0x95: {  	s3 =	sld [smem:$0x3FFD];
	_ =	sdelay $0x3  }
0x96: {  	_ =	strace s3  }
0x97: {  	_ =	strace $0x8FFFFFFF  }
0x98: {  	s19 =	sld [smem:$0x3FDB];
	_ =	sdelay $0x1  }
0x99: {  	s4 =	simm.s32 $_scs_section_size  }
0x9a: {  	s5 =	simm.s32 $_size__tile_overlayer_lowered;
	s6 =	simm.s32 $_tile_overlayer_lowered  }
0x9b: {  	s22 =	simm.s32 $0x1BFF;
	s21 =	sshll.u32 s6, $0x1;
	s3 =	sadd.s32 s4, s19  }
0x9c: {  	s7 =	simm.s32 $0x0;
	s20 =	sshll.u32 s5, $0x1;
	s5 =	sadd.s32 s21, s3  }
0x9d: {  	[timem:s7], [sflag:s22] =	dma.local [hbm:s5], s20  }
0x9e: {  	_ =	swait.ge [sflag:s22], s20  }
0x9f: {  	s4 =	ssub.s32 $0x0, s20;
	[sflag:s22] =	ssyncset.done $0x0  }
0xa0: {  	[sflag:s22] =	ssyncadd.s32 s4;
	_ =	sdelay $0x1  }
0xa1: {  	s23 =	simm.s32 $0x1B8B  }
0xa2: {  	_ =	swait.ge [sflag:s23], $0x1  }
0xa3: {  	[sflag:s23] =	ssyncset.done $0x0  }
0xa4: {  	s25 =	simm.s32 $0x1B8E;
	s24 =	sld [smem:$0x3FFE];
	[sflag:s23] =	ssyncadd.s32 $0xFFFFFFFF  }
0xa5: {  	s26 =	simm.s32 $execute0_lowered;
	[smem:$0x3FD2] =	sst s25  }
0xa6: {  	s5 =	sshll.u32 s26, $0x1;
	_ =	strace $0x80000046;
	[dreg:$0x1] =	wrdreg $0xFFFFFFFF  }
0xa7: {  	s28 =	simm.s32 $_size_execute0_lowered;
	s3 =	sadd.s32 s3, s5;
	[dreg:$0x0] =	wrdreg $0x0  }
0xa8: {  	s5 =	sshll.u32 s28, $0x1;
	[dreg:$0x2] =	wrdreg s3  }
0xa9: {  	[dreg:$0x3] =	wrdreg s5  }
0xaa: {  	[dreg:$0x4] =	wrdreg $0xC0  }
0xab: {  	_ =	task [dreg:s7], $0x5FFFF  }
0xac: {  	[dreg:$0x1] =	wrdreg $0xFFFFFFFF  }
0xad: {  	[dreg:$0x0] =	wrdreg $0x60  }
0xae: {  	[dreg:$0x2] =	wrdreg s2  }
0xaf: {  	[dreg:$0x3] =	wrdreg s24  }
0xb0: {  	[dreg:$0x4] =	wrdreg $0x82000  }
0xb1: {  	[dreg:$0x5] =	wrdreg $0x9  }
0xb2: {  	_ =	task.clear_ibuf [dreg:s7], $0x6FFFF;
	_ =	strace $0x90000046  }
0xb3: {  	s29 =	simm.s32 $0x9;
	_ =	strace $0x80000048  }
0xb4: {  	_ =	swait.ge [sflag:s29], $0x1  }
0xb5: {  	[sflag:s29] =	ssyncadd.s32 $0xFFFFFFFF  }
0xb6: {  	_ =	strace $0x90000048  }
0xb7: {  	_ =	sfence  }
0xb8: {  	s30 =	sld [smem:$0x0];
	_ =	sdelay $0x2  }
0xb9: {  	s31 =	sshll.u32 s1, $0xD;
	s1 =	sshrl.u32 s1, $0x2  }
0xba: {  	s3 =	sand.u32 $0x4000, s31;
	s1 =	sadd.s32 s1, s30  }
0xbb: {  	s0 =	sor.u32 s3, s0;
	s1 =	sshll.u32 s1, $0x11  }
0xbc: {  	s0 =	sor.u32 s1, s0  }
0xbd: {  	s0 =	sadd.s32 $0x8F2B, s0  }
0xbe: {  	[sflag:s0] =	ssyncadd.remote.s32 $0x1  }
0xbf: {  	_ =	sfence.sel $0xFFFF  }
0xc0: {  	[dreg:$0x0] =	wrdreg $0xFFFFFFFF;
	(pc) =	sbr.abs _section_cstart, $3  }
0xc1: {  	[dreg:$0x1] =	wrdreg $0xFFFFFFFF  }
0xc2: {  	_ =	task.clear_ibuf [dreg:s7], $0x2FFFF;
	_ =	strace $0x9FFFFFFF  }
0xc3: {  	(tm) =	ssettm $0x7FFFFFFF  }
tec
execute0_lowered:
.L_overlay_start_1:
0x0: {  	(tag) =	ssettag $0x1  }
0x1: {  	s1 =	rddreg [dreg:$0x0]  }
0x2: {  	s0 =	rddreg [dreg:$0x1]  }
0x3: {  	s2 =	rddreg [dreg:$0x2];
	s3 =	simm.s32 $0x0  }
0x4: {  	s4 =	srdreg.scid;
	s11 =	stileid.u32;
	s28 =	simm.s32 $0x180  }
0x5: {  	s29 =	simm.s32 $0x4;
	s30 =	simm.s32 $0x4200;
	s31 =	simm.s32 $0x1  }
0x6: {  	[smem:$0x7FF] =	sst s3;
	s4 =	sand.u32 $0x1, s4;
	s8 =	smul.u32 $0x50000, s11  }
0x7: {  	s5 =	sadd.s32 $0xD200, s0;
	s6 =	sadd.s32 $0x3400, s0;
	s24 =	smul.u32 $0x2800, s11  }
0x8: {  	_ =	strace $0x80000047;
	s7 =	smul.u32 $0x28000, s4;
	s16 =	ssub.s32 $0x2, s4  }
0x9: {  	s9 =	sshll.u32 s4, $0x4;
	s4 =	smul.u32 $0x27800, s4;
	s8 =	sshrl.u32 s8, $0x2  }
0xa: {  	s10 =	sshrl.u32 s16, $0x1;
	s0 =	sadd.s32 s7, s0;
	s7 =	sadd.s32 s8, s2  }
0xb: {  	s9 =	sor.u32 s11, s9;
	s10 =	ssub.s32 s16, s10;
	s18 =	sadd.s32 $0x4000, s7  }
0xc: {  	s17 =	smul.u32 $0x2780, s9;
	s19 =	sadd.s32 $0x8000, s7;
	[dreg:$0x4] =	wrdreg s18  }
0xd: {  	s16 =	smul.u32 $0x2780, s11;
	s20 =	sadd.s32 $0xC000, s7;
	[dreg:$0x5] =	wrdreg s19  }
0xe: {  	s21 =	sadd.s32 $0x10000, s7;
	s0 =	sadd.s32 $0x17000, s0;
	[dreg:$0x6] =	wrdreg s20  }
0xf: {  	[dreg:$0x7] =	wrdreg s21;
	s8 =	sshrl.u32 s17, $0x3;
	s4 =	sadd.s32 s16, s4  }
0x10: {  	s16 =	smax.u32 s10, $0x1;
	s24 =	sadd.s32 s24, s0;
	s0 =	simm.s32 $0x2  }
0x11: {  	s22 =	sadd.s32 s5, s8;
	s23 =	sadd.s32 $0x10, s8;
	s12 =	sadd.s32 s6, s8  }
0x12: {  	s8 =	sadd.s32 $0x4E0, s8;
	s25 =	sadd.s32 $0x180, s4;
	[dreg:$0x8] =	wrdreg s22  }
0x13: {  	s19 =	sadd.s32 $0x100, s4;
	s4 =	simm.s32 $0x3;
	[dreg:$0x9] =	wrdreg s12  }
0x14: {  	s14 =	sadd.s32 s5, s23;
	s15 =	sadd.s32 s6, s23;
	s17 =	sadd.s32 s5, s8  }
0x15: {  	s18 =	sadd.s32 s6, s8;
	s26 =	sshrl.u32 s25, $0x3;
	s22 =	simm.s32 $0x200  }
0x16: {  	s23 =	simm.s32 $0x5;
	s25 =	simm.s32 $0x80;
	s8 =	simm.s32 $0x0  }
0x17: {  	v0 =	vimm.f32 $0.0e+00;
	s20 =	sadd.s32 s26, s6;
	s21 =	sadd.s32 s26, s5;
	s26 =	simm.s32 $0x100  }
.LBB2_1:
0x18: {  	s9 =	simm.s32 $0x0;
	s10 =	simm.s32 $0x200  }
.LBB2_2:
0x19: {  	p0 =	sne.s32 s10, $0xFE00;
	[tilespmem:s9+$0x270] =	vst v0  }
0x1a: {  	[tilespmem:s9+$0x200] =	vst v0  }
0x1b: {  	[tilespmem:s9+$0x210] =	vst v0  }
.Ltmp0:
0x1c: {  	[tilespmem:s9+$0x220] =	vst v0;
	(pc) =	sbr.rel @p0 .LBB2_2-.Ltmp0, $4  }
0x1d: {  	[tilespmem:s9+$0x230] =	vst v0  }
0x1e: {  	[tilespmem:s9+$0x240] =	vst v0  }
0x1f: {  	[tilespmem:s9+$0x250] =	vst v0  }
0x20: {  	[tilespmem:s9+$0x260] =	vst v0;
	s9 =	sshra.s32 s10, $0x2;
	s10 =	sadd.s32 $0x200, s10  }
0x21: {  	[tilespmem:s9+$0x270] =	vst v0  }
0x22: {  	[tilespmem:s9+$0x200] =	vst v0  }
0x23: {  	[tilespmem:s9+$0x210] =	vst v0  }
0x24: {  	[tilespmem:s9+$0x220] =	vst v0  }
0x25: {  	[tilespmem:s9+$0x230] =	vst v0  }
0x26: {  	[tilespmem:s9+$0x240] =	vst v0  }
0x27: {  	[tilespmem:s9+$0x250] =	vst v0  }
0x28: {  	[tilespmem:s9+$0x260] =	vst v0  }
0x29: {  	[spmem:s7] =	stream.linear.scatter [tilespmem:s22], [sflag:$0x5], $0x4000, $0x38;
	[tilespmem:$0x1C200] =	vst v63  }
0x2a: {  	_ =	swait.ge [sflag:s23], $0x4000  }
0x2b: {  	[sflag:s23] =	ssyncset.done $0x0  }
0x2c: {  	s11 =	rddreg [dreg:$0x4];
	[sflag:s23] =	ssyncadd.s32 $0xFFFFC000  }
0x2d: {  	[spmem:s11] =	stream.linear.scatter [tilespmem:s22], [sflag:$0x5], $0x4000, $0x38;
	[tilespmem:$0x1C200] =	vst v63  }
0x2e: {  	_ =	swait.ge [sflag:s23], $0x4000  }
0x2f: {  	[sflag:s23] =	ssyncset.done $0x0  }
0x30: {  	s12 =	rddreg [dreg:$0x5];
	[sflag:s23] =	ssyncadd.s32 $0xFFFFC000  }
0x31: {  	[spmem:s12] =	stream.linear.scatter [tilespmem:s22], [sflag:$0x5], $0x4000, $0x38;
	[tilespmem:$0x1C200] =	vst v63  }
0x32: {  	_ =	swait.ge [sflag:s23], $0x4000  }
0x33: {  	[sflag:s23] =	ssyncset.done $0x0  }
0x34: {  	s13 =	rddreg [dreg:$0x6];
	[sflag:s23] =	ssyncadd.s32 $0xFFFFC000  }
0x35: {  	[spmem:s13] =	stream.linear.scatter [tilespmem:s22], [sflag:$0x5], $0x4000, $0x38;
	[tilespmem:$0x1C200] =	vst v63  }
0x36: {  	_ =	swait.ge [sflag:s23], $0x4000  }
0x37: {  	[sflag:s23] =	ssyncset.done $0x0  }
0x38: {  	s10 =	rddreg [dreg:$0x7];
	[sflag:s23] =	ssyncadd.s32 $0xFFFFC000  }
0x39: {  	[spmem:s10] =	stream.linear.scatter [tilespmem:s22], [sflag:$0x5], $0x4000, $0x38;
	[tilespmem:$0x1C200] =	vst v63  }
0x3a: {  	_ =	swait.ge [sflag:s23], $0x4000  }
0x3b: {  	[sflag:s23] =	ssyncset.done $0x0  }
0x3c: {  	[sflag:s23] =	ssyncadd.s32 $0xFFFFC000  }
0x3d: {  	[bflag:$0x0] =	sbarrier.arrive $0xFFFF  }
0x3e: {  	s11 =	simm.s32 $0x0;
	s10 =	rddreg [dreg:$0x8]  }
0x3f: {  	[tilespmem:s11], [sflag:$0x5] =	stream.linear.gather [hbm4b:s10+s11], $0x80, $0x38;
	[tilespmem:$0x1C200] =	vst v63  }
0x40: {  	_ =	swait.ge [sflag:s23], $0x80  }
0x41: {  	[sflag:s23] =	ssyncset.done $0x0  }
0x42: {  	s12 =	rddreg [dreg:$0x9];
	[sflag:s23] =	ssyncadd.s32 $0xFFFFFF80  }
0x43: {  	[tilespmem:s25], [sflag:$0x5] =	stream.linear.gather [hbm4b:s12+s11], $0x80, $0x38;
	[tilespmem:$0x1C200] =	vst v63  }
0x44: {  	_ =	swait.ge [sflag:s23], $0x80  }
0x45: {  	[sflag:s23] =	ssyncset.done $0x0  }
0x46: {  	[sflag:s23] =	ssyncadd.s32 $0xFFFFFF80  }
0x47: {  	[tilespmem:s26], [sflag:$0x4] =	stream.linear.gather [hbm4b:s14+s11], $0x80, $0x38;
	[tilespmem:$0x1C200] =	vst v63  }
0x48: {  	_ = 	snop  }
0x49: {  	[tilespmem:s28], [sflag:$0x4] =	stream.linear.gather [hbm4b:s15+s11], $0x80, $0x38;
	[tilespmem:$0x1C200] =	vst v63  }
0x4a: {  	_ = 	snop  }
0x4b: {  	[tilespmem:s22], [sflag:$0x1] =	stream.indirect.gather [hbm4b:s1+s25], $0x80, s11, s25, $0xb8;
	[tilespmem:$0x1C200] =	vst v63  }
0x4c: {  	_ =	swait.ge [sflag:s29], $0x80  }
0x4d: {  	[sflag:s29] =	ssyncset.done $0x0  }
0x4e: {  	[sflag:s29] =	ssyncadd.s32 $0xFFFFFF80  }
0x4f: {  	_ =	swait.ge [sflag:s29], $0x80  }
0x50: {  	[sflag:s29] =	ssyncset.done $0x0  }
0x51: {  	[sflag:s29] =	ssyncadd.s32 $0xFFFFFF80  }
0x52: {  	[tilespmem:s30], [sflag:$0x2] =	stream.indirect.gather [hbm4b:s1+s25], $0x80, s26, s25, $0xb8;
	[tilespmem:$0x1C200] =	vst v63  }
0x53: {  	_ =	swait.ge [sflag:s31], $0x4000  }
0x54: {  	[sflag:s31] =	ssyncset.done $0x0  }
0x55: {  	[sflag:s31] =	ssyncadd.s32 $0xFFFFC000  }
0x56: {  	[spmem:s2] =	stream.indirect.scatter.add.f32 [tilespmem:s22], [sflag:$0x5], $0x80, s25, s25, $0xb8;
	[tilespmem:$0x1C200] =	vst v63  }
0x57: {  	_ =	swait.ge [sflag:s23], $0x4000  }
0x58: {  	s13 =	sshrl.u32 s19, $0x3;
	[sflag:s23] =	ssyncset.done $0x0  }
0x59: {  	s11 =	sadd.s32 s5, s13;
	[sflag:s23] =	ssyncadd.s32 $0xFFFFC000  }
0x5a: {  	[tilespmem:s3], [sflag:$0x3] =	stream.linear.gather [hbm4b:s11+s3], $0x80, $0x38;
	[tilespmem:$0x1C200] =	vst v63  }
0x5b: {  	s9 =	sadd.s32 s6, s13  }
0x5c: {  	[tilespmem:s25], [sflag:$0x3] =	stream.linear.gather [hbm4b:s9+s3], $0x80, $0x38;
	[tilespmem:$0x1C200] =	vst v63  }
0x5d: {  	_ =	swait.ge [sflag:s0], $0x4000  }
0x5e: {  	[sflag:s0] =	ssyncset.done $0x0  }
0x5f: {  	[sflag:s0] =	ssyncadd.s32 $0xFFFFC000  }
0x60: {  	[spmem:s2] =	stream.indirect.scatter.add.f32 [tilespmem:s30], [sflag:$0x5], $0x80, s28, s25, $0xb8;
	[tilespmem:$0x1C200] =	vst v63  }
0x61: {  	_ =	swait.ge [sflag:s23], $0x4000  }
0x62: {  	[sflag:s23] =	ssyncset.done $0x0  }
0x63: {  	s12 =	sadd.s32 $0x0, s21;
	[sflag:s23] =	ssyncadd.s32 $0xFFFFC000  }
0x64: {  	[tilespmem:s26], [sflag:$0x4] =	stream.linear.gather [hbm4b:s12+s3], $0x80, $0x38;
	[tilespmem:$0x1C200] =	vst v63  }
0x65: {  	s13 =	sadd.s32 $0x0, s20  }
0x66: {  	[tilespmem:s28], [sflag:$0x4] =	stream.linear.gather [hbm4b:s13+s3], $0x80, $0x38;
	[tilespmem:$0x1C200] =	vst v63  }
0x67: {  	_ =	swait.ge [sflag:s4], $0x80  }
0x68: {  	[sflag:s4] =	ssyncset.done $0x0  }
0x69: {  	[sflag:s4] =	ssyncadd.s32 $0xFFFFFF80  }
0x6a: {  	_ =	swait.ge [sflag:s4], $0x80  }
0x6b: {  	[sflag:s4] =	ssyncset.done $0x0  }
0x6c: {  	s10 =	sadd.s32 $0x100, s19;
	s9 =	simm.s32 $0x20;
	[sflag:s4] =	ssyncadd.s32 $0xFFFFFF80  }
.LBB2_4:
0x6d: {  	[tilespmem:s22], [sflag:$0x1] =	stream.indirect.gather [hbm4b:s1+s25], $0x80, s3, s25, $0xb8;
	[tilespmem:$0x1C200] =	vst v63  }
0x6e: {  	s11 =	smov.u32 s9  }
0x6f: {  	p0 =	sne.s32 s9, $0x4A0;
	s9 =	sadd.s32 $0x20, s9;
	_ =	swait.ge [sflag:s29], $0x80  }
0x70: {  	[sflag:s29] =	ssyncset.done $0x0  }
0x71: {  	[sflag:s29] =	ssyncadd.s32 $0xFFFFFF80  }
0x72: {  	_ =	swait.ge [sflag:s29], $0x80  }
0x73: {  	[sflag:s29] =	ssyncset.done $0x0  }
0x74: {  	[sflag:s29] =	ssyncadd.s32 $0xFFFFFF80  }
0x75: {  	[tilespmem:s30], [sflag:$0x2] =	stream.indirect.gather [hbm4b:s1+s25], $0x80, s26, s25, $0xb8;
	[tilespmem:$0x1C200] =	vst v63  }
0x76: {  	_ =	swait.ge [sflag:s31], $0x4000  }
0x77: {  	[sflag:s31] =	ssyncset.done $0x0  }
0x78: {  	[sflag:s31] =	ssyncadd.s32 $0xFFFFC000  }
0x79: {  	[spmem:s2] =	stream.indirect.scatter.add.f32 [tilespmem:s22], [sflag:$0x5], $0x80, s25, s25, $0xb8;
	[tilespmem:$0x1C200] =	vst v63  }
0x7a: {  	_ =	swait.ge [sflag:s23], $0x4000  }
0x7b: {  	s12 =	sshrl.u32 s10, $0x3;
	[sflag:s23] =	ssyncset.done $0x0  }
0x7c: {  	s13 =	sadd.s32 s5, s12;
	[sflag:s23] =	ssyncadd.s32 $0xFFFFC000  }
0x7d: {  	[tilespmem:s3], [sflag:$0x3] =	stream.linear.gather [hbm4b:s13+s3], $0x80, $0x38;
	[tilespmem:$0x1C200] =	vst v63  }
0x7e: {  	s12 =	sadd.s32 s6, s12  }
0x7f: {  	[tilespmem:s25], [sflag:$0x3] =	stream.linear.gather [hbm4b:s12+s3], $0x80, $0x38;
	[tilespmem:$0x1C200] =	vst v63  }
0x80: {  	_ =	swait.ge [sflag:s0], $0x4000  }
0x81: {  	[sflag:s0] =	ssyncset.done $0x0  }
0x82: {  	[sflag:s0] =	ssyncadd.s32 $0xFFFFC000  }
0x83: {  	[spmem:s2] =	stream.indirect.scatter.add.f32 [tilespmem:s30], [sflag:$0x5], $0x80, s28, s25, $0xb8;
	[tilespmem:$0x1C200] =	vst v63  }
0x84: {  	_ =	swait.ge [sflag:s23], $0x4000  }
0x85: {  	[sflag:s23] =	ssyncset.done $0x0  }
0x86: {  	s12 =	sadd.s32 s11, s21;
	[sflag:s23] =	ssyncadd.s32 $0xFFFFC000  }
0x87: {  	[tilespmem:s26], [sflag:$0x4] =	stream.linear.gather [hbm4b:s12+s3], $0x80, $0x38;
	[tilespmem:$0x1C200] =	vst v63  }
0x88: {  	s11 =	sadd.s32 s11, s20  }
0x89: {  	[tilespmem:s28], [sflag:$0x4] =	stream.linear.gather [hbm4b:s11+s3], $0x80, $0x38;
	[tilespmem:$0x1C200] =	vst v63  }
0x8a: {  	_ =	swait.ge [sflag:s4], $0x80  }
.Ltmp1:
0x8b: {  	[sflag:s4] =	ssyncset.done $0x0;
	(pc) =	sbr.rel @p0 .LBB2_4-.Ltmp1, $4  }
0x8c: {  	[sflag:s4] =	ssyncadd.s32 $0xFFFFFF80  }
0x8d: {  	_ =	swait.ge [sflag:s4], $0x80  }
0x8e: {  	[sflag:s4] =	ssyncset.done $0x0  }
0x8f: {  	s10 =	sadd.s32 $0x100, s10;
	[sflag:s4] =	ssyncadd.s32 $0xFFFFFF80  }
0x90: {  	[tilespmem:s22], [sflag:$0x1] =	stream.indirect.gather [hbm4b:s1+s25], $0x80, s3, s25, $0xb8;
	[tilespmem:$0x1C200] =	vst v63  }
0x91: {  	_ =	swait.ge [sflag:s29], $0x80  }
0x92: {  	[sflag:s29] =	ssyncset.done $0x0  }
0x93: {  	[sflag:s29] =	ssyncadd.s32 $0xFFFFFF80  }
0x94: {  	_ =	swait.ge [sflag:s29], $0x80  }
0x95: {  	[sflag:s29] =	ssyncset.done $0x0  }
0x96: {  	[sflag:s29] =	ssyncadd.s32 $0xFFFFFF80  }
0x97: {  	[tilespmem:s30], [sflag:$0x2] =	stream.indirect.gather [hbm4b:s1+s25], $0x80, s26, s25, $0xb8;
	[tilespmem:$0x1C200] =	vst v63  }
0x98: {  	_ =	swait.ge [sflag:s31], $0x4000  }
0x99: {  	[sflag:s31] =	ssyncset.done $0x0  }
0x9a: {  	[sflag:s31] =	ssyncadd.s32 $0xFFFFC000  }
0x9b: {  	[spmem:s2] =	stream.indirect.scatter.add.f32 [tilespmem:s22], [sflag:$0x5], $0x80, s25, s25, $0xb8;
	[tilespmem:$0x1C200] =	vst v63  }
0x9c: {  	_ =	swait.ge [sflag:s23], $0x4000  }
0x9d: {  	[sflag:s23] =	ssyncset.done $0x0  }
0x9e: {  	[sflag:s23] =	ssyncadd.s32 $0xFFFFC000  }
0x9f: {  	[tilespmem:s3], [sflag:$0x3] =	stream.linear.gather [hbm4b:s17+s3], $0x80, $0x38;
	[tilespmem:$0x1C200] =	vst v63  }
0xa0: {  	_ = 	snop  }
0xa1: {  	[tilespmem:s25], [sflag:$0x3] =	stream.linear.gather [hbm4b:s18+s3], $0x80, $0x38;
	[tilespmem:$0x1C200] =	vst v63  }
0xa2: {  	_ =	swait.ge [sflag:s0], $0x4000  }
0xa3: {  	[sflag:s0] =	ssyncset.done $0x0  }
0xa4: {  	[sflag:s0] =	ssyncadd.s32 $0xFFFFC000  }
0xa5: {  	[spmem:s2] =	stream.indirect.scatter.add.f32 [tilespmem:s30], [sflag:$0x5], $0x80, s28, s25, $0xb8;
	[tilespmem:$0x1C200] =	vst v63  }
0xa6: {  	_ =	swait.ge [sflag:s23], $0x4000  }
0xa7: {  	[sflag:s23] =	ssyncset.done $0x0  }
0xa8: {  	[sflag:s23] =	ssyncadd.s32 $0xFFFFC000  }
0xa9: {  	[tilespmem:s26], [sflag:$0x4] =	stream.linear.gather [hbm4b:s17+s3], $0x80, $0x38;
	[tilespmem:$0x1C200] =	vst v63  }
0xaa: {  	_ = 	snop  }
0xab: {  	[tilespmem:s28], [sflag:$0x4] =	stream.linear.gather [hbm4b:s18+s3], $0x80, $0x38;
	[tilespmem:$0x1C200] =	vst v63  }
0xac: {  	_ =	swait.ge [sflag:s4], $0x80  }
0xad: {  	[sflag:s4] =	ssyncset.done $0x0  }
0xae: {  	[sflag:s4] =	ssyncadd.s32 $0xFFFFFF80  }
0xaf: {  	_ =	swait.ge [sflag:s4], $0x80  }
0xb0: {  	[sflag:s4] =	ssyncset.done $0x0  }
0xb1: {  	[sflag:s4] =	ssyncadd.s32 $0xFFFFFF80  }
0xb2: {  	[tilespmem:s22], [sflag:$0x1] =	stream.indirect.gather [hbm4b:s1+s25], $0x80, s3, s25, $0xb8;
	[tilespmem:$0x1C200] =	vst v63  }
0xb3: {  	_ =	swait.ge [sflag:s29], $0x80  }
0xb4: {  	[sflag:s29] =	ssyncset.done $0x0  }
0xb5: {  	[sflag:s29] =	ssyncadd.s32 $0xFFFFFF80  }
0xb6: {  	_ =	swait.ge [sflag:s29], $0x80  }
0xb7: {  	[sflag:s29] =	ssyncset.done $0x0  }
0xb8: {  	[sflag:s29] =	ssyncadd.s32 $0xFFFFFF80  }
0xb9: {  	_ =	swait.ge [sflag:s31], $0x4000  }
0xba: {  	[sflag:s31] =	ssyncset.done $0x0  }
0xbb: {  	[sflag:s31] =	ssyncadd.s32 $0xFFFFC000  }
0xbc: {  	[spmem:s2] =	stream.indirect.scatter.add.f32 [tilespmem:s22], [sflag:$0x5], $0x80, s25, s25, $0xb8;
	[tilespmem:$0x1C200] =	vst v63  }
0xbd: {  	s9 =	stileid.u32;
	_ =	swait.ge [sflag:s23], $0x4000  }
0xbe: {  	s10 =	sshrl.u32 s7, $0x3;
	s8 =	sadd.s32 $0x1, s8;
	[sflag:s23] =	ssyncset.done $0x0  }
0xbf: {  	s9 =	sshll.u32 s9, $0x6;
	p0 =	sne.s32 s8, s16;
	[sflag:s23] =	ssyncadd.s32 $0xFFFFC000  }
.Ltmp2:
0xc0: {  	s9 =	sor.u32 $0x1C05, s9;
	[bflag:$0x0] =	sbarrier.arrive $0xFFFF;
	(pc) =	sbr.rel @p0 .LBB2_1-.Ltmp2, $4  }
0xc1: {  	[hbm:s24], [sflag:s9] =	dma.local [spmem:s10], $0x2800  }
0xc2: {  	_ =	swait.ge [sflag:s23], $0x2800  }
0xc3: {  	[sflag:s23] =	ssyncset.done $0x0  }
0xc4: {  	[sflag:s23] =	ssyncadd.s32 $0xFFFFD800  }
0xc5: {  	_ =	sfence.sel $0x180000  }
0xc6: {  	[bflag:$0x0] =	sbarrier.arrive $0xFFFF  }
0xc7: {  	_ =	strace $0x90000047  }
0xc8: {  	s0 =	stileid.u32;
	[bflag:$0x2] =	sbarrier.arrive $0xFFFF  }
0xc9: {  	p0 =	sne.s32 s0, $0x0;
	s0 =	rddreg [dreg:$0x3]  }
0xca: {  	s0 =	sadd.s32 @!p0 $0x100000, s0  }
0xcb: {  	[sflag:s0] =	ssyncadd.tile.s32 @!p0 $0x1;
	_ =	shalt  }
.Lfunc_end2:
_tile_overlayer_lowered:
.L_overlay_start_2:
0xcc: {  	(tag) =	ssettag $0x2  }
0xcd: {  	s0 =	rddreg [dreg:$0x0];
	s2 =	stileid.u32  }
0xce: {  	s1 =	rddreg [dreg:$0x1];
	p0 =	sne.s32 s2, $0x0  }
0xcf: {  	s3 =	rddreg [dreg:$0x2];
	[bflag:$0x3] =	sbarrier.arrive $0xFFFF;
	s2 =	simm.s32 @!p0 $0x1C05  }
0xd0: {  	[timem:s3], [sflag:s2] =	dma.local @!p0 [hbm:s0], s1  }
0xd1: {  	s0 =	simm.s32 @!p0 $0x5  }
0xd2: {  	_ =	swait.ge @!p0 [sflag:s0], s1  }
0xd3: {  	s1 =	ssub.s32 @!p0 $0x0, s1;
	[sflag:s0] =	ssyncset.done @!p0 $0x0  }
0xd4: {  	[sflag:s0] =	ssyncadd.s32 @!p0 s1  }
0xd5: {  	[bflag:$0x3] =	sbarrier.arrive $0xFFFF  }
0xd6: {  	_ =	shalt  }

</sc_bundles>
